<compile_context>
chip_gen: v7x
topology: tpu7x:2x2x1
jax: 0.10.2.dev20260603
libtpu: 0.0.44.dev20260713+nightly
codegen_flags: <defaults>
</compile_context>

<pallas_src>
import functools

import jax
import jax.numpy as jnp
from jax import lax
from jax.experimental import pallas as pl
from jax.experimental.pallas import tpu as pltpu
from jax.experimental.pallas import tpu_sc as plsc

EMBED_DIM = 128
BLK = 128
GPB = 2
NBUF = 2


@functools.cache
def _make_gather(total: int, rows_pad: int):
    info = plsc.get_sparse_core_info()
    nc, ns = info.num_cores, info.num_subcores
    nw = nc * ns
    rows_buf = GPB * BLK
    assert total % (nw * rows_buf) == 0
    assert rows_pad % ns == 0
    stage_rows = rows_pad // ns
    assert stage_rows <= rows_buf
    per_w = total // nw
    n_b = per_w // rows_buf
    assert n_b >= NBUF

    mesh = plsc.VectorSubcoreMesh(core_axis_name="c", subcore_axis_name="s")

    @functools.partial(
        pl.kernel,
        out_type=jax.ShapeDtypeStruct((total, EMBED_DIM), jnp.float32),
        mesh=mesh,
        scratch_types=(
            [pltpu.VMEM_SHARED((rows_pad, EMBED_DIM), jnp.float32)]
            + [pltpu.VMEM((per_w,), jnp.int32)]
            + [pltpu.VMEM((rows_buf, EMBED_DIM), jnp.float32)] * NBUF
            + [pltpu.SemaphoreType.DMA] * (2 * NBUF)
        ),
    )
    def gather(table_hbm, idx_hbm, out_hbm, table_sp, idx_v, *rest):
        bufs = rest[:NBUF]
        gsems = rest[NBUF:2 * NBUF]
        wsems = rest[2 * NBUF:]
        sid = lax.axis_index("s")
        wid = sid * nc + lax.axis_index("c")
        base = wid * per_w

        row0 = sid * stage_rows
        half = stage_rows // 2
        pltpu.async_copy(idx_hbm.at[pl.ds(base, per_w)], idx_v, wsems[0])
        for h in range(2):
            pltpu.async_copy(
                table_hbm.at[pl.ds(row0 + h * half, half)],
                bufs[h].at[pl.ds(0, half)],
                gsems[h],
            )
        for h in range(2):
            pltpu.make_async_copy(
                table_hbm.at[pl.ds(0, half)], bufs[h].at[pl.ds(0, half)],
                gsems[h],
            ).wait()
            pltpu.async_copy(
                bufs[h].at[pl.ds(0, half)],
                table_sp.at[pl.ds(row0 + h * half, half)],
                gsems[h],
            )
        for h in range(2):
            pltpu.make_async_copy(
                table_hbm.at[pl.ds(0, half)], bufs[h].at[pl.ds(0, half)],
                gsems[h],
            ).wait()
        plsc.subcore_barrier()
        pltpu.make_async_copy(
            idx_hbm.at[pl.ds(0, per_w)], idx_v, wsems[0]
        ).wait()

        def g_start(i, b):
            for g in range(GPB):
                pltpu.async_copy(
                    table_sp.at[idx_v.at[pl.ds((i * GPB + g) * BLK, BLK)]],
                    bufs[b].at[pl.ds(g * BLK, BLK)],
                    gsems[b],
                )

        def w_start(i, b):
            pltpu.async_copy(
                bufs[b], out_hbm.at[pl.ds(base + i * rows_buf, rows_buf)],
                wsems[b],
            )

        def g_drain(b):
            pltpu.make_async_copy(
                table_hbm.at[pl.ds(0, rows_buf)], bufs[b], gsems[b]
            ).wait()

        def w_drain(b):
            pltpu.make_async_copy(
                table_hbm.at[pl.ds(0, rows_buf)], bufs[b], wsems[b]
            ).wait()

        for i in range(n_b):
            b = i % NBUF
            if i >= NBUF:
                w_drain(b)
            g_start(i, b)
            g_drain(b)
            w_start(i, b)
        for i in range(NBUF):
            w_drain((n_b - NBUF + i) % NBUF)

    return gather


def kernel(triples, norm_vector_weight):
    b, n, k = triples.shape
    assert k == 5
    idx = triples[:, :, 3].reshape(-1).astype(jnp.int32)
    rows, d = norm_vector_weight.shape
    assert d == EMBED_DIM
    rows_pad = (rows + 127) // 128 * 128
    table = jnp.pad(norm_vector_weight, ((0, rows_pad - rows), (0, 0)))
    out = _make_gather(b * n, rows_pad)(table, idx)
    return out.reshape(b, n, 1, 1, EMBED_DIM)

# --- scband reference (transcript-rebuilt; emitter-appended) ---
"""Pipeline reference for scband-t-embedding-867583394069 (READ-ONLY COPY).

The authoritative reference and input builder live on the scoring server;
editing this copy changes nothing except your own understanding.
"""

import jax, jax.numpy as jnp
import numpy as np

NUM_REL = 4017
EMBED_DIM = 128
B = 1024
N = 200

def setup_inputs(seed: int = 0) -> dict:
    key = jax.random.key(seed)
    k1, k2 = jax.random.split(key)
    triples = jax.random.randint(k1, (B, N, 5), 0, NUM_REL, dtype=jnp.int64 if jax.config.jax_enable_x64 else jnp.int32)
    # xavier_uniform init for the embedding table [num_rel, embed_dim]
    limit = float(np.sqrt(6.0 / (NUM_REL + EMBED_DIM)))
    norm_vector_weight = jax.random.uniform(k2, (NUM_REL, EMBED_DIM), minval=-limit, maxval=limit, dtype=jnp.float32)
    return {"triples": triples, "norm_vector_weight": norm_vector_weight}

def reference(triples, norm_vector_weight):
    # Original: rel_emb = [[[[t[3]]] for t in batch] for batch in triples]
    # -> LongTensor of shape [B, N, 1, 1], then nn.Embedding lookup -> [B, N, 1, 1, es]
    rel_idx = triples[:, :, 3]                      # [B, N]
    rel_idx = rel_idx[:, :, None, None]             # [B, N, 1, 1]
    out = jnp.take(norm_vector_weight, rel_idx, axis=0)  # [B, N, 1, 1, es]
    return out

if __name__ == "__main__":
    import jax
    _d = setup_inputs()
    print(jax.jit(kernel)(*tuple(_d.values())))

</pallas_src>

<mosaic_0001>
#map = affine_map<(d0, d1) -> (0, 0)>
#map1 = affine_map<(d0, d1) -> (0)>
module attributes {stable_mosaic.version = 14 : i64} {
  func.func @gather(%arg0: i32, %arg1: i32, %arg2: memref<4096x128xf32, #tpu.memory_space<hbm>>, %arg3: memref<204800xi32, #tpu.memory_space<hbm>>, %arg4: memref<204800x128xf32, #tpu.memory_space<hbm>>, %arg5: memref<4096x128xf32, #tpu.memory_space<vmem_shared>>, %arg6: memref<6400xi32, #tpu.memory_space<vmem>>, %arg7: memref<256x128xf32, #tpu.memory_space<vmem>>, %arg8: memref<256x128xf32, #tpu.memory_space<vmem>>, %arg9: memref<!tpu.dma_semaphore, #tpu.memory_space<semaphore_mem>>, %arg10: memref<!tpu.dma_semaphore, #tpu.memory_space<semaphore_mem>>, %arg11: memref<!tpu.dma_semaphore, #tpu.memory_space<semaphore_mem>>, %arg12: memref<!tpu.dma_semaphore, #tpu.memory_space<semaphore_mem>>) attributes {dimension_semantics = [#tpu.dimension_semantics<core_parallel>, #tpu.dimension_semantics<subcore_parallel>], iteration_bounds = array<i64: 2, 16>, scalar_prefetch = 0 : i64, scratch_operands = 8 : i64, tpu.core_type = #tpu.core_type<sc_vector_subcore>, window_params = [{transform_indices = #map}, {transform_indices = #map1}, {transform_indices = #map}]} {
    %mul3A = arith.constant 2 : i32
    %mul3A_0 = arith.muli %arg1, %mul3A : i32
    %add3A = arith.addi %mul3A_0, %arg0 : i32
    %mul3A_1 = arith.constant 6400 : i32
    %mul3A_2 = arith.muli %add3A, %mul3A_1 : i32
    %mul3A_3 = arith.constant 256 : i32
    %mul3A_4 = arith.muli %arg1, %mul3A_3 : i32
    %dma_start3A = tpu.memref_slice %arg3[%mul3A_2] : memref<204800xi32, #tpu.memory_space<hbm>> -> memref<6400xi32, #tpu.memory_space<hbm>>
    %dma_start3A_5 = tpu.memref_slice %arg3[%mul3A_2] : memref<204800xi32, #tpu.memory_space<hbm>> -> memref<6400xi32, #tpu.memory_space<hbm>>
    tpu.enqueue_dma source(%dma_start3A_5 : memref<6400xi32, #tpu.memory_space<hbm>>) target(%arg6 : memref<6400xi32, #tpu.memory_space<vmem>>) target_semaphore(%arg11 : memref<!tpu.dma_semaphore, #tpu.memory_space<semaphore_mem>>)
    %add3A_6 = arith.constant 0 : i32
    %add3A_7 = arith.addi %mul3A_4, %add3A_6 : i32
    %dma_start3A_8 = arith.constant 0 : i32
    %dma_start3A_9 = arith.constant 0 : i32
    %dma_start3A_10 = tpu.memref_slice %arg7[%dma_start3A_8, %dma_start3A_9] : memref<256x128xf32, #tpu.memory_space<vmem>> -> memref<128x128xf32, #tpu.memory_space<vmem>>
    %dma_start3A_11 = arith.constant 0 : i32
    %dma_start3A_12 = tpu.memref_slice %arg2[%add3A_7, %dma_start3A_11] : memref<4096x128xf32, #tpu.memory_space<hbm>> -> memref<128x128xf32, #tpu.memory_space<hbm>>
    %dma_start3A_13 = arith.constant 0 : i32
    %dma_start3A_14 = arith.constant 0 : i32
    %dma_start3A_15 = tpu.memref_slice %arg7[%dma_start3A_13, %dma_start3A_14] : memref<256x128xf32, #tpu.memory_space<vmem>> -> memref<128x128xf32, #tpu.memory_space<vmem>>
    %dma_start3A_16 = arith.constant 0 : i32
    %dma_start3A_17 = tpu.memref_slice %arg2[%add3A_7, %dma_start3A_16] : memref<4096x128xf32, #tpu.memory_space<hbm>> -> memref<128x128xf32, #tpu.memory_space<hbm>>
    tpu.enqueue_dma source(%dma_start3A_17 : memref<128x128xf32, #tpu.memory_space<hbm>>) target(%dma_start3A_15 : memref<128x128xf32, #tpu.memory_space<vmem>>) target_semaphore(%arg9 : memref<!tpu.dma_semaphore, #tpu.memory_space<semaphore_mem>>)
    %add3A_18 = arith.constant 128 : i32
    %add3A_19 = arith.addi %mul3A_4, %add3A_18 : i32
    %dma_start3A_20 = arith.constant 0 : i32
    %dma_start3A_21 = arith.constant 0 : i32
    %dma_start3A_22 = tpu.memref_slice %arg8[%dma_start3A_20, %dma_start3A_21] : memref<256x128xf32, #tpu.memory_space<vmem>> -> memref<128x128xf32, #tpu.memory_space<vmem>>
    %dma_start3A_23 = arith.constant 0 : i32
    %dma_start3A_24 = tpu.memref_slice %arg2[%add3A_19, %dma_start3A_23] : memref<4096x128xf32, #tpu.memory_space<hbm>> -> memref<128x128xf32, #tpu.memory_space<hbm>>
    %dma_start3A_25 = arith.constant 0 : i32
    %dma_start3A_26 = arith.constant 0 : i32
    %dma_start3A_27 = tpu.memref_slice %arg8[%dma_start3A_25, %dma_start3A_26] : memref<256x128xf32, #tpu.memory_space<vmem>> -> memref<128x128xf32, #tpu.memory_space<vmem>>
    %dma_start3A_28 = arith.constant 0 : i32
    %dma_start3A_29 = tpu.memref_slice %arg2[%add3A_19, %dma_start3A_28] : memref<4096x128xf32, #tpu.memory_space<hbm>> -> memref<128x128xf32, #tpu.memory_space<hbm>>
    tpu.enqueue_dma source(%dma_start3A_29 : memref<128x128xf32, #tpu.memory_space<hbm>>) target(%dma_start3A_27 : memref<128x128xf32, #tpu.memory_space<vmem>>) target_semaphore(%arg10 : memref<!tpu.dma_semaphore, #tpu.memory_space<semaphore_mem>>)
    %dma_wait3A = arith.constant 0 : i32
    %dma_wait3A_30 = arith.constant 0 : i32
    %dma_wait3A_31 = tpu.memref_slice %arg7[%dma_wait3A, %dma_wait3A_30] : memref<256x128xf32, #tpu.memory_space<vmem>> -> memref<128x128xf32, #tpu.memory_space<vmem>>
    %dma_wait3A_32 = arith.constant 0 : i32
    %dma_wait3A_33 = arith.constant 0 : i32
    %dma_wait3A_34 = tpu.memref_slice %arg2[%dma_wait3A_32, %dma_wait3A_33] : memref<4096x128xf32, #tpu.memory_space<hbm>> -> memref<128x128xf32, #tpu.memory_space<hbm>>
    %dma_wait3A_35 = arith.constant 0 : i32
    %dma_wait3A_36 = arith.constant 0 : i32
    %dma_wait3A_37 = tpu.memref_slice %arg7[%dma_wait3A_35, %dma_wait3A_36] : memref<256x128xf32, #tpu.memory_space<vmem>> -> memref<128x128xf32, #tpu.memory_space<vmem>>
    %dma_wait3A_38 = arith.constant 0 : i32
    %dma_wait3A_39 = arith.constant 0 : i32
    %dma_wait3A_40 = tpu.memref_slice %arg2[%dma_wait3A_38, %dma_wait3A_39] : memref<4096x128xf32, #tpu.memory_space<hbm>> -> memref<128x128xf32, #tpu.memory_space<hbm>>
    tpu.wait_dma2 semaphore(%arg9 : memref<!tpu.dma_semaphore, #tpu.memory_space<semaphore_mem>>) src(%dma_wait3A_40 : memref<128x128xf32, #tpu.memory_space<hbm>>) dst(%dma_wait3A_37 : memref<128x128xf32, #tpu.memory_space<vmem>>)
    %add3A_41 = arith.constant 0 : i32
    %add3A_42 = arith.addi %mul3A_4, %add3A_41 : i32
    %dma_start3A_43 = arith.constant 0 : i32
    %dma_start3A_44 = arith.constant 0 : i32
    %dma_start3A_45 = tpu.memref_slice %arg7[%dma_start3A_43, %dma_start3A_44] : memref<256x128xf32, #tpu.memory_space<vmem>> -> memref<128x128xf32, #tpu.memory_space<vmem>>
    %dma_start3A_46 = arith.constant 0 : i32
    %dma_start3A_47 = tpu.memref_slice %arg5[%add3A_42, %dma_start3A_46] : memref<4096x128xf32, #tpu.memory_space<vmem_shared>> -> memref<128x128xf32, #tpu.memory_space<vmem_shared>>
    %dma_start3A_48 = arith.constant 0 : i32
    %dma_start3A_49 = tpu.memref_slice %arg5[%add3A_42, %dma_start3A_48] : memref<4096x128xf32, #tpu.memory_space<vmem_shared>> -> memref<128x128xf32, #tpu.memory_space<vmem_shared>>
    %dma_start3A_50 = arith.constant 0 : i32
    %dma_start3A_51 = arith.constant 0 : i32
    %dma_start3A_52 = tpu.memref_slice %arg7[%dma_start3A_50, %dma_start3A_51] : memref<256x128xf32, #tpu.memory_space<vmem>> -> memref<128x128xf32, #tpu.memory_space<vmem>>
    tpu.enqueue_dma source(%dma_start3A_52 : memref<128x128xf32, #tpu.memory_space<vmem>>) target(%dma_start3A_49 : memref<128x128xf32, #tpu.memory_space<vmem_shared>>) target_semaphore(%arg9 : memref<!tpu.dma_semaphore, #tpu.memory_space<semaphore_mem>>)
    %dma_wait3A_53 = arith.constant 0 : i32
    %dma_wait3A_54 = arith.constant 0 : i32
    %dma_wait3A_55 = tpu.memref_slice %arg8[%dma_wait3A_53, %dma_wait3A_54] : memref<256x128xf32, #tpu.memory_space<vmem>> -> memref<128x128xf32, #tpu.memory_space<vmem>>
    %dma_wait3A_56 = arith.constant 0 : i32
    %dma_wait3A_57 = arith.constant 0 : i32
    %dma_wait3A_58 = tpu.memref_slice %arg2[%dma_wait3A_56, %dma_wait3A_57] : memref<4096x128xf32, #tpu.memory_space<hbm>> -> memref<128x128xf32, #tpu.memory_space<hbm>>
    %dma_wait3A_59 = arith.constant 0 : i32
    %dma_wait3A_60 = arith.constant 0 : i32
    %dma_wait3A_61 = tpu.memref_slice %arg8[%dma_wait3A_59, %dma_wait3A_60] : memref<256x128xf32, #tpu.memory_space<vmem>> -> memref<128x128xf32, #tpu.memory_space<vmem>>
    %dma_wait3A_62 = arith.constant 0 : i32
    %dma_wait3A_63 = arith.constant 0 : i32
    %dma_wait3A_64 = tpu.memref_slice %arg2[%dma_wait3A_62, %dma_wait3A_63] : memref<4096x128xf32, #tpu.memory_space<hbm>> -> memref<128x128xf32, #tpu.memory_space<hbm>>
    tpu.wait_dma2 semaphore(%arg10 : memref<!tpu.dma_semaphore, #tpu.memory_space<semaphore_mem>>) src(%dma_wait3A_64 : memref<128x128xf32, #tpu.memory_space<hbm>>) dst(%dma_wait3A_61 : memref<128x128xf32, #tpu.memory_space<vmem>>)
    %add3A_65 = arith.constant 128 : i32
    %add3A_66 = arith.addi %mul3A_4, %add3A_65 : i32
    %dma_start3A_67 = arith.constant 0 : i32
    %dma_start3A_68 = arith.constant 0 : i32
    %dma_start3A_69 = tpu.memref_slice %arg8[%dma_start3A_67, %dma_start3A_68] : memref<256x128xf32, #tpu.memory_space<vmem>> -> memref<128x128xf32, #tpu.memory_space<vmem>>
    %dma_start3A_70 = arith.constant 0 : i32
    %dma_start3A_71 = tpu.memref_slice %arg5[%add3A_66, %dma_start3A_70] : memref<4096x128xf32, #tpu.memory_space<vmem_shared>> -> memref<128x128xf32, #tpu.memory_space<vmem_shared>>
    %dma_start3A_72 = arith.constant 0 : i32
    %dma_start3A_73 = tpu.memref_slice %arg5[%add3A_66, %dma_start3A_72] : memref<4096x128xf32, #tpu.memory_space<vmem_shared>> -> memref<128x128xf32, #tpu.memory_space<vmem_shared>>
    %dma_start3A_74 = arith.constant 0 : i32
    %dma_start3A_75 = arith.constant 0 : i32
    %dma_start3A_76 = tpu.memref_slice %arg8[%dma_start3A_74, %dma_start3A_75] : memref<256x128xf32, #tpu.memory_space<vmem>> -> memref<128x128xf32, #tpu.memory_space<vmem>>
    tpu.enqueue_dma source(%dma_start3A_76 : memref<128x128xf32, #tpu.memory_space<vmem>>) target(%dma_start3A_73 : memref<128x128xf32, #tpu.memory_space<vmem_shared>>) target_semaphore(%arg10 : memref<!tpu.dma_semaphore, #tpu.memory_space<semaphore_mem>>)
    %dma_wait3A_77 = arith.constant 0 : i32
    %dma_wait3A_78 = arith.constant 0 : i32
    %dma_wait3A_79 = tpu.memref_slice %arg7[%dma_wait3A_77, %dma_wait3A_78] : memref<256x128xf32, #tpu.memory_space<vmem>> -> memref<128x128xf32, #tpu.memory_space<vmem>>
    %dma_wait3A_80 = arith.constant 0 : i32
    %dma_wait3A_81 = arith.constant 0 : i32
    %dma_wait3A_82 = tpu.memref_slice %arg2[%dma_wait3A_80, %dma_wait3A_81] : memref<4096x128xf32, #tpu.memory_space<hbm>> -> memref<128x128xf32, #tpu.memory_space<hbm>>
    %dma_wait3A_83 = arith.constant 0 : i32
    %dma_wait3A_84 = arith.constant 0 : i32
    %dma_wait3A_85 = tpu.memref_slice %arg7[%dma_wait3A_83, %dma_wait3A_84] : memref<256x128xf32, #tpu.memory_space<vmem>> -> memref<128x128xf32, #tpu.memory_space<vmem>>
    %dma_wait3A_86 = arith.constant 0 : i32
    %dma_wait3A_87 = arith.constant 0 : i32
    %dma_wait3A_88 = tpu.memref_slice %arg2[%dma_wait3A_86, %dma_wait3A_87] : memref<4096x128xf32, #tpu.memory_space<hbm>> -> memref<128x128xf32, #tpu.memory_space<hbm>>
    tpu.wait_dma2 semaphore(%arg9 : memref<!tpu.dma_semaphore, #tpu.memory_space<semaphore_mem>>) src(%dma_wait3A_88 : memref<128x128xf32, #tpu.memory_space<hbm>>) dst(%dma_wait3A_85 : memref<128x128xf32, #tpu.memory_space<vmem>>)
    %dma_wait3A_89 = arith.constant 0 : i32
    %dma_wait3A_90 = arith.constant 0 : i32
    %dma_wait3A_91 = tpu.memref_slice %arg8[%dma_wait3A_89, %dma_wait3A_90] : memref<256x128xf32, #tpu.memory_space<vmem>> -> memref<128x128xf32, #tpu.memory_space<vmem>>
    %dma_wait3A_92 = arith.constant 0 : i32
    %dma_wait3A_93 = arith.constant 0 : i32
    %dma_wait3A_94 = tpu.memref_slice %arg2[%dma_wait3A_92, %dma_wait3A_93] : memref<4096x128xf32, #tpu.memory_space<hbm>> -> memref<128x128xf32, #tpu.memory_space<hbm>>
    %dma_wait3A_95 = arith.constant 0 : i32
    %dma_wait3A_96 = arith.constant 0 : i32
    %dma_wait3A_97 = tpu.memref_slice %arg8[%dma_wait3A_95, %dma_wait3A_96] : memref<256x128xf32, #tpu.memory_space<vmem>> -> memref<128x128xf32, #tpu.memory_space<vmem>>
    %dma_wait3A_98 = arith.constant 0 : i32
    %dma_wait3A_99 = arith.constant 0 : i32
    %dma_wait3A_100 = tpu.memref_slice %arg2[%dma_wait3A_98, %dma_wait3A_99] : memref<4096x128xf32, #tpu.memory_space<hbm>> -> memref<128x128xf32, #tpu.memory_space<hbm>>
    tpu.wait_dma2 semaphore(%arg10 : memref<!tpu.dma_semaphore, #tpu.memory_space<semaphore_mem>>) src(%dma_wait3A_100 : memref<128x128xf32, #tpu.memory_space<hbm>>) dst(%dma_wait3A_97 : memref<128x128xf32, #tpu.memory_space<vmem>>)
    %barrier3A = arith.constant 0 : index
    tpu.barrier barrier_id(%barrier3A)
    %dma_wait3A_101 = arith.constant 0 : i32
    %dma_wait3A_102 = tpu.memref_slice %arg3[%dma_wait3A_101] : memref<204800xi32, #tpu.memory_space<hbm>> -> memref<6400xi32, #tpu.memory_space<hbm>>
    %dma_wait3A_103 = arith.constant 0 : i32
    %dma_wait3A_104 = tpu.memref_slice %arg3[%dma_wait3A_103] : memref<204800xi32, #tpu.memory_space<hbm>> -> memref<6400xi32, #tpu.memory_space<hbm>>
    tpu.wait_dma2 semaphore(%arg11 : memref<!tpu.dma_semaphore, #tpu.memory_space<semaphore_mem>>) src(%dma_wait3A_104 : memref<6400xi32, #tpu.memory_space<hbm>>) dst(%arg6 : memref<6400xi32, #tpu.memory_space<vmem>>)
    %dma_start3A_105 = arith.constant 0 : i32
    %dma_start3A_106 = arith.constant 0 : i32
    %dma_start3A_107 = tpu.memref_slice %arg7[%dma_start3A_105, %dma_start3A_106] : memref<256x128xf32, #tpu.memory_space<vmem>> -> memref<128x128xf32, #tpu.memory_space<vmem>>
    %dma_start3A_108 = arith.constant 0 : i32
    %dma_start3A_109 = tpu.memref_slice %arg6[%dma_start3A_108] : memref<6400xi32, #tpu.memory_space<vmem>> -> memref<128xi32, #tpu.memory_space<vmem>>
    %dma_start3A_110 = arith.constant 0 : i32
    %dma_start3A_111 = arith.constant 0 : i32
    %dma_start3A_112 = tpu.memref_slice %arg5[%dma_start3A_110, %dma_start3A_111] : memref<4096x128xf32, #tpu.memory_space<vmem_shared>> -> memref<4096x128xf32, #tpu.memory_space<vmem_shared>>
    tpu.enqueue_indirect_dma source(%dma_start3A_112 : memref<4096x128xf32, #tpu.memory_space<vmem_shared>>) target(%dma_start3A_107 : memref<128x128xf32, #tpu.memory_space<vmem>>) offsets(%dma_start3A_109 : memref<128xi32, #tpu.memory_space<vmem>>) semaphore(%arg9 : memref<!tpu.dma_semaphore, #tpu.memory_space<semaphore_mem>>)
    %dma_start3A_113 = arith.constant 128 : i32
    %dma_start3A_114 = arith.constant 0 : i32
    %dma_start3A_115 = tpu.memref_slice %arg7[%dma_start3A_113, %dma_start3A_114] : memref<256x128xf32, #tpu.memory_space<vmem>> -> memref<128x128xf32, #tpu.memory_space<vmem>>
    %dma_start3A_116 = arith.constant 128 : i32
    %dma_start3A_117 = tpu.memref_slice %arg6[%dma_start3A_116] : memref<6400xi32, #tpu.memory_space<vmem>> -> memref<128xi32, #tpu.memory_space<vmem>>
    %dma_start3A_118 = arith.constant 0 : i32
    %dma_start3A_119 = arith.constant 0 : i32
    %dma_start3A_120 = tpu.memref_slice %arg5[%dma_start3A_118, %dma_start3A_119] : memref<4096x128xf32, #tpu.memory_space<vmem_shared>> -> memref<4096x128xf32, #tpu.memory_space<vmem_shared>>
    tpu.enqueue_indirect_dma source(%dma_start3A_120 : memref<4096x128xf32, #tpu.memory_space<vmem_shared>>) target(%dma_start3A_115 : memref<128x128xf32, #tpu.memory_space<vmem>>) offsets(%dma_start3A_117 : memref<128xi32, #tpu.memory_space<vmem>>) semaphore(%arg9 : memref<!tpu.dma_semaphore, #tpu.memory_space<semaphore_mem>>)
    %dma_wait3A_121 = arith.constant 0 : i32
    %dma_wait3A_122 = arith.constant 0 : i32
    %dma_wait3A_123 = tpu.memref_slice %arg2[%dma_wait3A_121, %dma_wait3A_122] : memref<4096x128xf32, #tpu.memory_space<hbm>> -> memref<256x128xf32, #tpu.memory_space<hbm>>
    %dma_wait3A_124 = arith.constant 0 : i32
    %dma_wait3A_125 = arith.constant 0 : i32
    %dma_wait3A_126 = tpu.memref_slice %arg2[%dma_wait3A_124, %dma_wait3A_125] : memref<4096x128xf32, #tpu.memory_space<hbm>> -> memref<256x128xf32, #tpu.memory_space<hbm>>
    tpu.wait_dma2 semaphore(%arg9 : memref<!tpu.dma_semaphore, #tpu.memory_space<semaphore_mem>>) src(%dma_wait3A_126 : memref<256x128xf32, #tpu.memory_space<hbm>>) dst(%arg7 : memref<256x128xf32, #tpu.memory_space<vmem>>)
    %add3A_127 = arith.constant 0 : i32
    %add3A_128 = arith.addi %mul3A_2, %add3A_127 : i32
    %dma_start3A_129 = arith.constant 0 : i32
    %dma_start3A_130 = tpu.memref_slice %arg4[%add3A_128, %dma_start3A_129] : memref<204800x128xf32, #tpu.memory_space<hbm>> -> memref<256x128xf32, #tpu.memory_space<hbm>>
    %dma_start3A_131 = arith.constant 0 : i32
    %dma_start3A_132 = tpu.memref_slice %arg4[%add3A_128, %dma_start3A_131] : memref<204800x128xf32, #tpu.memory_space<hbm>> -> memref<256x128xf32, #tpu.memory_space<hbm>>
    tpu.enqueue_dma source(%arg7 : memref<256x128xf32, #tpu.memory_space<vmem>>) target(%dma_start3A_132 : memref<256x128xf32, #tpu.memory_space<hbm>>) target_semaphore(%arg11 : memref<!tpu.dma_semaphore, #tpu.memory_space<semaphore_mem>>)
    %dma_start3A_133 = arith.constant 0 : i32
    %dma_start3A_134 = arith.constant 0 : i32
    %dma_start3A_135 = tpu.memref_slice %arg8[%dma_start3A_133, %dma_start3A_134] : memref<256x128xf32, #tpu.memory_space<vmem>> -> memref<128x128xf32, #tpu.memory_space<vmem>>
    %dma_start3A_136 = arith.constant 256 : i32
    %dma_start3A_137 = tpu.memref_slice %arg6[%dma_start3A_136] : memref<6400xi32, #tpu.memory_space<vmem>> -> memref<128xi32, #tpu.memory_space<vmem>>
    %dma_start3A_138 = arith.constant 0 : i32
    %dma_start3A_139 = arith.constant 0 : i32
    %dma_start3A_140 = tpu.memref_slice %arg5[%dma_start3A_138, %dma_start3A_139] : memref<4096x128xf32, #tpu.memory_space<vmem_shared>> -> memref<4096x128xf32, #tpu.memory_space<vmem_shared>>
    tpu.enqueue_indirect_dma source(%dma_start3A_140 : memref<4096x128xf32, #tpu.memory_space<vmem_shared>>) target(%dma_start3A_135 : memref<128x128xf32, #tpu.memory_space<vmem>>) offsets(%dma_start3A_137 : memref<128xi32, #tpu.memory_space<vmem>>) semaphore(%arg10 : memref<!tpu.dma_semaphore, #tpu.memory_space<semaphore_mem>>)
    %dma_start3A_141 = arith.constant 128 : i32
    %dma_start3A_142 = arith.constant 0 : i32
    %dma_start3A_143 = tpu.memref_slice %arg8[%dma_start3A_141, %dma_start3A_142] : memref<256x128xf32, #tpu.memory_space<vmem>> -> memref<128x128xf32, #tpu.memory_space<vmem>>
    %dma_start3A_144 = arith.constant 384 : i32
    %dma_start3A_145 = tpu.memref_slice %arg6[%dma_start3A_144] : memref<6400xi32, #tpu.memory_space<vmem>> -> memref<128xi32, #tpu.memory_space<vmem>>
    %dma_start3A_146 = arith.constant 0 : i32
    %dma_start3A_147 = arith.constant 0 : i32
    %dma_start3A_148 = tpu.memref_slice %arg5[%dma_start3A_146, %dma_start3A_147] : memref<4096x128xf32, #tpu.memory_space<vmem_shared>> -> memref<4096x128xf32, #tpu.memory_space<vmem_shared>>
    tpu.enqueue_indirect_dma source(%dma_start3A_148 : memref<4096x128xf32, #tpu.memory_space<vmem_shared>>) target(%dma_start3A_143 : memref<128x128xf32, #tpu.memory_space<vmem>>) offsets(%dma_start3A_145 : memref<128xi32, #tpu.memory_space<vmem>>) semaphore(%arg10 : memref<!tpu.dma_semaphore, #tpu.memory_space<semaphore_mem>>)
    %dma_wait3A_149 = arith.constant 0 : i32
    %dma_wait3A_150 = arith.constant 0 : i32
    %dma_wait3A_151 = tpu.memref_slice %arg2[%dma_wait3A_149, %dma_wait3A_150] : memref<4096x128xf32, #tpu.memory_space<hbm>> -> memref<256x128xf32, #tpu.memory_space<hbm>>
    %dma_wait3A_152 = arith.constant 0 : i32
    %dma_wait3A_153 = arith.constant 0 : i32
    %dma_wait3A_154 = tpu.memref_slice %arg2[%dma_wait3A_152, %dma_wait3A_153] : memref<4096x128xf32, #tpu.memory_space<hbm>> -> memref<256x128xf32, #tpu.memory_space<hbm>>
    tpu.wait_dma2 semaphore(%arg10 : memref<!tpu.dma_semaphore, #tpu.memory_space<semaphore_mem>>) src(%dma_wait3A_154 : memref<256x128xf32, #tpu.memory_space<hbm>>) dst(%arg8 : memref<256x128xf32, #tpu.memory_space<vmem>>)
    %add3A_155 = arith.constant 256 : i32
    %add3A_156 = arith.addi %mul3A_2, %add3A_155 : i32
    %dma_start3A_157 = arith.constant 0 : i32
    %dma_start3A_158 = tpu.memref_slice %arg4[%add3A_156, %dma_start3A_157] : memref<204800x128xf32, #tpu.memory_space<hbm>> -> memref<256x128xf32, #tpu.memory_space<hbm>>
    %dma_start3A_159 = arith.constant 0 : i32
    %dma_start3A_160 = tpu.memref_slice %arg4[%add3A_156, %dma_start3A_159] : memref<204800x128xf32, #tpu.memory_space<hbm>> -> memref<256x128xf32, #tpu.memory_space<hbm>>
    tpu.enqueue_dma source(%arg8 : memref<256x128xf32, #tpu.memory_space<vmem>>) target(%dma_start3A_160 : memref<256x128xf32, #tpu.memory_space<hbm>>) target_semaphore(%arg12 : memref<!tpu.dma_semaphore, #tpu.memory_space<semaphore_mem>>)
    %dma_wait3A_161 = arith.constant 0 : i32
    %dma_wait3A_162 = arith.constant 0 : i32
    %dma_wait3A_163 = tpu.memref_slice %arg2[%dma_wait3A_161, %dma_wait3A_162] : memref<4096x128xf32, #tpu.memory_space<hbm>> -> memref<256x128xf32, #tpu.memory_space<hbm>>
    %dma_wait3A_164 = arith.constant 0 : i32
    %dma_wait3A_165 = arith.constant 0 : i32
    %dma_wait3A_166 = tpu.memref_slice %arg2[%dma_wait3A_164, %dma_wait3A_165] : memref<4096x128xf32, #tpu.memory_space<hbm>> -> memref<256x128xf32, #tpu.memory_space<hbm>>
    tpu.wait_dma2 semaphore(%arg11 : memref<!tpu.dma_semaphore, #tpu.memory_space<semaphore_mem>>) src(%dma_wait3A_166 : memref<256x128xf32, #tpu.memory_space<hbm>>) dst(%arg7 : memref<256x128xf32, #tpu.memory_space<vmem>>)
    %dma_start3A_167 = arith.constant 0 : i32
    %dma_start3A_168 = arith.constant 0 : i32
    %dma_start3A_169 = tpu.memref_slice %arg7[%dma_start3A_167, %dma_start3A_168] : memref<256x128xf32, #tpu.memory_space<vmem>> -> memref<128x128xf32, #tpu.memory_space<vmem>>
    %dma_start3A_170 = arith.constant 512 : i32
    %dma_start3A_171 = tpu.memref_slice %arg6[%dma_start3A_170] : memref<6400xi32, #tpu.memory_space<vmem>> -> memref<128xi32, #tpu.memory_space<vmem>>
    %dma_start3A_172 = arith.constant 0 : i32
    %dma_start3A_173 = arith.constant 0 : i32
    %dma_start3A_174 = tpu.memref_slice %arg5[%dma_start3A_172, %dma_start3A_173] : memref<4096x128xf32, #tpu.memory_space<vmem_shared>> -> memref<4096x128xf32, #tpu.memory_space<vmem_shared>>
    tpu.enqueue_indirect_dma source(%dma_start3A_174 : memref<4096x128xf32, #tpu.memory_space<vmem_shared>>) target(%dma_start3A_169 : memref<128x128xf32, #tpu.memory_space<vmem>>) offsets(%dma_start3A_171 : memref<128xi32, #tpu.memory_space<vmem>>) semaphore(%arg9 : memref<!tpu.dma_semaphore, #tpu.memory_space<semaphore_mem>>)
    %dma_start3A_175 = arith.constant 128 : i32
    %dma_start3A_176 = arith.constant 0 : i32
    %dma_start3A_177 = tpu.memref_slice %arg7[%dma_start3A_175, %dma_start3A_176] : memref<256x128xf32, #tpu.memory_space<vmem>> -> memref<128x128xf32, #tpu.memory_space<vmem>>
    %dma_start3A_178 = arith.constant 640 : i32
    %dma_start3A_179 = tpu.memref_slice %arg6[%dma_start3A_178] : memref<6400xi32, #tpu.memory_space<vmem>> -> memref<128xi32, #tpu.memory_space<vmem>>
    %dma_start3A_180 = arith.constant 0 : i32
    %dma_start3A_181 = arith.constant 0 : i32
    %dma_start3A_182 = tpu.memref_slice %arg5[%dma_start3A_180, %dma_start3A_181] : memref<4096x128xf32, #tpu.memory_space<vmem_shared>> -> memref<4096x128xf32, #tpu.memory_space<vmem_shared>>
    tpu.enqueue_indirect_dma source(%dma_start3A_182 : memref<4096x128xf32, #tpu.memory_space<vmem_shared>>) target(%dma_start3A_177 : memref<128x128xf32, #tpu.memory_space<vmem>>) offsets(%dma_start3A_179 : memref<128xi32, #tpu.memory_space<vmem>>) semaphore(%arg9 : memref<!tpu.dma_semaphore, #tpu.memory_space<semaphore_mem>>)
    %dma_wait3A_183 = arith.constant 0 : i32
    %dma_wait3A_184 = arith.constant 0 : i32
    %dma_wait3A_185 = tpu.memref_slice %arg2[%dma_wait3A_183, %dma_wait3A_184] : memref<4096x128xf32, #tpu.memory_space<hbm>> -> memref<256x128xf32, #tpu.memory_space<hbm>>
    %dma_wait3A_186 = arith.constant 0 : i32
    %dma_wait3A_187 = arith.constant 0 : i32
    %dma_wait3A_188 = tpu.memref_slice %arg2[%dma_wait3A_186, %dma_wait3A_187] : memref<4096x128xf32, #tpu.memory_space<hbm>> -> memref<256x128xf32, #tpu.memory_space<hbm>>
    tpu.wait_dma2 semaphore(%arg9 : memref<!tpu.dma_semaphore, #tpu.memory_space<semaphore_mem>>) src(%dma_wait3A_188 : memref<256x128xf32, #tpu.memory_space<hbm>>) dst(%arg7 : memref<256x128xf32, #tpu.memory_space<vmem>>)
    %add3A_189 = arith.constant 512 : i32
    %add3A_190 = arith.addi %mul3A_2, %add3A_189 : i32
    %dma_start3A_191 = arith.constant 0 : i32
    %dma_start3A_192 = tpu.memref_slice %arg4[%add3A_190, %dma_start3A_191] : memref<204800x128xf32, #tpu.memory_space<hbm>> -> memref<256x128xf32, #tpu.memory_space<hbm>>
    %dma_start3A_193 = arith.constant 0 : i32
    %dma_start3A_194 = tpu.memref_slice %arg4[%add3A_190, %dma_start3A_193] : memref<204800x128xf32, #tpu.memory_space<hbm>> -> memref<256x128xf32, #tpu.memory_space<hbm>>
    tpu.enqueue_dma source(%arg7 : memref<256x128xf32, #tpu.memory_space<vmem>>) target(%dma_start3A_194 : memref<256x128xf32, #tpu.memory_space<hbm>>) target_semaphore(%arg11 : memref<!tpu.dma_semaphore, #tpu.memory_space<semaphore_mem>>)
    %dma_wait3A_195 = arith.constant 0 : i32
    %dma_wait3A_196 = arith.constant 0 : i32
    %dma_wait3A_197 = tpu.memref_slice %arg2[%dma_wait3A_195, %dma_wait3A_196] : memref<4096x128xf32, #tpu.memory_space<hbm>> -> memref<256x128xf32, #tpu.memory_space<hbm>>
    %dma_wait3A_198 = arith.constant 0 : i32
    %dma_wait3A_199 = arith.constant 0 : i32
    %dma_wait3A_200 = tpu.memref_slice %arg2[%dma_wait3A_198, %dma_wait3A_199] : memref<4096x128xf32, #tpu.memory_space<hbm>> -> memref<256x128xf32, #tpu.memory_space<hbm>>
    tpu.wait_dma2 semaphore(%arg12 : memref<!tpu.dma_semaphore, #tpu.memory_space<semaphore_mem>>) src(%dma_wait3A_200 : memref<256x128xf32, #tpu.memory_space<hbm>>) dst(%arg8 : memref<256x128xf32, #tpu.memory_space<vmem>>)
    %dma_start3A_201 = arith.constant 0 : i32
    %dma_start3A_202 = arith.constant 0 : i32
    %dma_start3A_203 = tpu.memref_slice %arg8[%dma_start3A_201, %dma_start3A_202] : memref<256x128xf32, #tpu.memory_space<vmem>> -> memref<128x128xf32, #tpu.memory_space<vmem>>
    %dma_start3A_204 = arith.constant 768 : i32
    %dma_start3A_205 = tpu.memref_slice %arg6[%dma_start3A_204] : memref<6400xi32, #tpu.memory_space<vmem>> -> memref<128xi32, #tpu.memory_space<vmem>>
    %dma_start3A_206 = arith.constant 0 : i32
    %dma_start3A_207 = arith.constant 0 : i32
    %dma_start3A_208 = tpu.memref_slice %arg5[%dma_start3A_206, %dma_start3A_207] : memref<4096x128xf32, #tpu.memory_space<vmem_shared>> -> memref<4096x128xf32, #tpu.memory_space<vmem_shared>>
    tpu.enqueue_indirect_dma source(%dma_start3A_208 : memref<4096x128xf32, #tpu.memory_space<vmem_shared>>) target(%dma_start3A_203 : memref<128x128xf32, #tpu.memory_space<vmem>>) offsets(%dma_start3A_205 : memref<128xi32, #tpu.memory_space<vmem>>) semaphore(%arg10 : memref<!tpu.dma_semaphore, #tpu.memory_space<semaphore_mem>>)
    %dma_start3A_209 = arith.constant 128 : i32
    %dma_start3A_210 = arith.constant 0 : i32
    %dma_start3A_211 = tpu.memref_slice %arg8[%dma_start3A_209, %dma_start3A_210] : memref<256x128xf32, #tpu.memory_space<vmem>> -> memref<128x128xf32, #tpu.memory_space<vmem>>
    %dma_start3A_212 = arith.constant 896 : i32
    %dma_start3A_213 = tpu.memref_slice %arg6[%dma_start3A_212] : memref<6400xi32, #tpu.memory_space<vmem>> -> memref<128xi32, #tpu.memory_space<vmem>>
    %dma_start3A_214 = arith.constant 0 : i32
    %dma_start3A_215 = arith.constant 0 : i32
    %dma_start3A_216 = tpu.memref_slice %arg5[%dma_start3A_214, %dma_start3A_215] : memref<4096x128xf32, #tpu.memory_space<vmem_shared>> -> memref<4096x128xf32, #tpu.memory_space<vmem_shared>>
    tpu.enqueue_indirect_dma source(%dma_start3A_216 : memref<4096x128xf32, #tpu.memory_space<vmem_shared>>) target(%dma_start3A_211 : memref<128x128xf32, #tpu.memory_space<vmem>>) offsets(%dma_start3A_213 : memref<128xi32, #tpu.memory_space<vmem>>) semaphore(%arg10 : memref<!tpu.dma_semaphore, #tpu.memory_space<semaphore_mem>>)
    %dma_wait3A_217 = arith.constant 0 : i32
    %dma_wait3A_218 = arith.constant 0 : i32
    %dma_wait3A_219 = tpu.memref_slice %arg2[%dma_wait3A_217, %dma_wait3A_218] : memref<4096x128xf32, #tpu.memory_space<hbm>> -> memref<256x128xf32, #tpu.memory_space<hbm>>
    %dma_wait3A_220 = arith.constant 0 : i32
    %dma_wait3A_221 = arith.constant 0 : i32
    %dma_wait3A_222 = tpu.memref_slice %arg2[%dma_wait3A_220, %dma_wait3A_221] : memref<4096x128xf32, #tpu.memory_space<hbm>> -> memref<256x128xf32, #tpu.memory_space<hbm>>
    tpu.wait_dma2 semaphore(%arg10 : memref<!tpu.dma_semaphore, #tpu.memory_space<semaphore_mem>>) src(%dma_wait3A_222 : memref<256x128xf32, #tpu.memory_space<hbm>>) dst(%arg8 : memref<256x128xf32, #tpu.memory_space<vmem>>)
    %add3A_223 = arith.constant 768 : i32
    %add3A_224 = arith.addi %mul3A_2, %add3A_223 : i32
    %dma_start3A_225 = arith.constant 0 : i32
    %dma_start3A_226 = tpu.memref_slice %arg4[%add3A_224, %dma_start3A_225] : memref<204800x128xf32, #tpu.memory_space<hbm>> -> memref<256x128xf32, #tpu.memory_space<hbm>>
    %dma_start3A_227 = arith.constant 0 : i32
    %dma_start3A_228 = tpu.memref_slice %arg4[%add3A_224, %dma_start3A_227] : memref<204800x128xf32, #tpu.memory_space<hbm>> -> memref<256x128xf32, #tpu.memory_space<hbm>>
    tpu.enqueue_dma source(%arg8 : memref<256x128xf32, #tpu.memory_space<vmem>>) target(%dma_start3A_228 : memref<256x128xf32, #tpu.memory_space<hbm>>) target_semaphore(%arg12 : memref<!tpu.dma_semaphore, #tpu.memory_space<semaphore_mem>>)
    %dma_wait3A_229 = arith.constant 0 : i32
    %dma_wait3A_230 = arith.constant 0 : i32
    %dma_wait3A_231 = tpu.memref_slice %arg2[%dma_wait3A_229, %dma_wait3A_230] : memref<4096x128xf32, #tpu.memory_space<hbm>> -> memref<256x128xf32, #tpu.memory_space<hbm>>
    %dma_wait3A_232 = arith.constant 0 : i32
    %dma_wait3A_233 = arith.constant 0 : i32
    %dma_wait3A_234 = tpu.memref_slice %arg2[%dma_wait3A_232, %dma_wait3A_233] : memref<4096x128xf32, #tpu.memory_space<hbm>> -> memref<256x128xf32, #tpu.memory_space<hbm>>
    tpu.wait_dma2 semaphore(%arg11 : memref<!tpu.dma_semaphore, #tpu.memory_space<semaphore_mem>>) src(%dma_wait3A_234 : memref<256x128xf32, #tpu.memory_space<hbm>>) dst(%arg7 : memref<256x128xf32, #tpu.memory_space<vmem>>)
    %dma_start3A_235 = arith.constant 0 : i32
    %dma_start3A_236 = arith.constant 0 : i32
    %dma_start3A_237 = tpu.memref_slice %arg7[%dma_start3A_235, %dma_start3A_236] : memref<256x128xf32, #tpu.memory_space<vmem>> -> memref<128x128xf32, #tpu.memory_space<vmem>>
    %dma_start3A_238 = arith.constant 1024 : i32
    %dma_start3A_239 = tpu.memref_slice %arg6[%dma_start3A_238] : memref<6400xi32, #tpu.memory_space<vmem>> -> memref<128xi32, #tpu.memory_space<vmem>>
    %dma_start3A_240 = arith.constant 0 : i32
    %dma_start3A_241 = arith.constant 0 : i32
    %dma_start3A_242 = tpu.memref_slice %arg5[%dma_start3A_240, %dma_start3A_241] : memref<4096x128xf32, #tpu.memory_space<vmem_shared>> -> memref<4096x128xf32, #tpu.memory_space<vmem_shared>>
    tpu.enqueue_indirect_dma source(%dma_start3A_242 : memref<4096x128xf32, #tpu.memory_space<vmem_shared>>) target(%dma_start3A_237 : memref<128x128xf32, #tpu.memory_space<vmem>>) offsets(%dma_start3A_239 : memref<128xi32, #tpu.memory_space<vmem>>) semaphore(%arg9 : memref<!tpu.dma_semaphore, #tpu.memory_space<semaphore_mem>>)
    %dma_start3A_243 = arith.constant 128 : i32
    %dma_start3A_244 = arith.constant 0 : i32
    %dma_start3A_245 = tpu.memref_slice %arg7[%dma_start3A_243, %dma_start3A_244] : memref<256x128xf32, #tpu.memory_space<vmem>> -> memref<128x128xf32, #tpu.memory_space<vmem>>
    %dma_start3A_246 = arith.constant 1152 : i32
    %dma_start3A_247 = tpu.memref_slice %arg6[%dma_start3A_246] : memref<6400xi32, #tpu.memory_space<vmem>> -> memref<128xi32, #tpu.memory_space<vmem>>
    %dma_start3A_248 = arith.constant 0 : i32
    %dma_start3A_249 = arith.constant 0 : i32
    %dma_start3A_250 = tpu.memref_slice %arg5[%dma_start3A_248, %dma_start3A_249] : memref<4096x128xf32, #tpu.memory_space<vmem_shared>> -> memref<4096x128xf32, #tpu.memory_space<vmem_shared>>
    tpu.enqueue_indirect_dma source(%dma_start3A_250 : memref<4096x128xf32, #tpu.memory_space<vmem_shared>>) target(%dma_start3A_245 : memref<128x128xf32, #tpu.memory_space<vmem>>) offsets(%dma_start3A_247 : memref<128xi32, #tpu.memory_space<vmem>>) semaphore(%arg9 : memref<!tpu.dma_semaphore, #tpu.memory_space<semaphore_mem>>)
    %dma_wait3A_251 = arith.constant 0 : i32
    %dma_wait3A_252 = arith.constant 0 : i32
    %dma_wait3A_253 = tpu.memref_slice %arg2[%dma_wait3A_251, %dma_wait3A_252] : memref<4096x128xf32, #tpu.memory_space<hbm>> -> memref<256x128xf32, #tpu.memory_space<hbm>>
    %dma_wait3A_254 = arith.constant 0 : i32
    %dma_wait3A_255 = arith.constant 0 : i32
    %dma_wait3A_256 = tpu.memref_slice %arg2[%dma_wait3A_254, %dma_wait3A_255] : memref<4096x128xf32, #tpu.memory_space<hbm>> -> memref<256x128xf32, #tpu.memory_space<hbm>>
    tpu.wait_dma2 semaphore(%arg9 : memref<!tpu.dma_semaphore, #tpu.memory_space<semaphore_mem>>) src(%dma_wait3A_256 : memref<256x128xf32, #tpu.memory_space<hbm>>) dst(%arg7 : memref<256x128xf32, #tpu.memory_space<vmem>>)
    %add3A_257 = arith.constant 1024 : i32
    %add3A_258 = arith.addi %mul3A_2, %add3A_257 : i32
    %dma_start3A_259 = arith.constant 0 : i32
    %dma_start3A_260 = tpu.memref_slice %arg4[%add3A_258, %dma_start3A_259] : memref<204800x128xf32, #tpu.memory_space<hbm>> -> memref<256x128xf32, #tpu.memory_space<hbm>>
    %dma_start3A_261 = arith.constant 0 : i32
    %dma_start3A_262 = tpu.memref_slice %arg4[%add3A_258, %dma_start3A_261] : memref<204800x128xf32, #tpu.memory_space<hbm>> -> memref<256x128xf32, #tpu.memory_space<hbm>>
    tpu.enqueue_dma source(%arg7 : memref<256x128xf32, #tpu.memory_space<vmem>>) target(%dma_start3A_262 : memref<256x128xf32, #tpu.memory_space<hbm>>) target_semaphore(%arg11 : memref<!tpu.dma_semaphore, #tpu.memory_space<semaphore_mem>>)
    %dma_wait3A_263 = arith.constant 0 : i32
    %dma_wait3A_264 = arith.constant 0 : i32
    %dma_wait3A_265 = tpu.memref_slice %arg2[%dma_wait3A_263, %dma_wait3A_264] : memref<4096x128xf32, #tpu.memory_space<hbm>> -> memref<256x128xf32, #tpu.memory_space<hbm>>
    %dma_wait3A_266 = arith.constant 0 : i32
    %dma_wait3A_267 = arith.constant 0 : i32
    %dma_wait3A_268 = tpu.memref_slice %arg2[%dma_wait3A_266, %dma_wait3A_267] : memref<4096x128xf32, #tpu.memory_space<hbm>> -> memref<256x128xf32, #tpu.memory_space<hbm>>
    tpu.wait_dma2 semaphore(%arg12 : memref<!tpu.dma_semaphore, #tpu.memory_space<semaphore_mem>>) src(%dma_wait3A_268 : memref<256x128xf32, #tpu.memory_space<hbm>>) dst(%arg8 : memref<256x128xf32, #tpu.memory_space<vmem>>)
    %dma_start3A_269 = arith.constant 0 : i32
    %dma_start3A_270 = arith.constant 0 : i32
    %dma_start3A_271 = tpu.memref_slice %arg8[%dma_start3A_269, %dma_start3A_270] : memref<256x128xf32, #tpu.memory_space<vmem>> -> memref<128x128xf32, #tpu.memory_space<vmem>>
    %dma_start3A_272 = arith.constant 1280 : i32
    %dma_start3A_273 = tpu.memref_slice %arg6[%dma_start3A_272] : memref<6400xi32, #tpu.memory_space<vmem>> -> memref<128xi32, #tpu.memory_space<vmem>>
    %dma_start3A_274 = arith.constant 0 : i32
    %dma_start3A_275 = arith.constant 0 : i32
    %dma_start3A_276 = tpu.memref_slice %arg5[%dma_start3A_274, %dma_start3A_275] : memref<4096x128xf32, #tpu.memory_space<vmem_shared>> -> memref<4096x128xf32, #tpu.memory_space<vmem_shared>>
    tpu.enqueue_indirect_dma source(%dma_start3A_276 : memref<4096x128xf32, #tpu.memory_space<vmem_shared>>) target(%dma_start3A_271 : memref<128x128xf32, #tpu.memory_space<vmem>>) offsets(%dma_start3A_273 : memref<128xi32, #tpu.memory_space<vmem>>) semaphore(%arg10 : memref<!tpu.dma_semaphore, #tpu.memory_space<semaphore_mem>>)
    %dma_start3A_277 = arith.constant 128 : i32
    %dma_start3A_278 = arith.constant 0 : i32
    %dma_start3A_279 = tpu.memref_slice %arg8[%dma_start3A_277, %dma_start3A_278] : memref<256x128xf32, #tpu.memory_space<vmem>> -> memref<128x128xf32, #tpu.memory_space<vmem>>
    %dma_start3A_280 = arith.constant 1408 : i32
    %dma_start3A_281 = tpu.memref_slice %arg6[%dma_start3A_280] : memref<6400xi32, #tpu.memory_space<vmem>> -> memref<128xi32, #tpu.memory_space<vmem>>
    %dma_start3A_282 = arith.constant 0 : i32
    %dma_start3A_283 = arith.constant 0 : i32
    %dma_start3A_284 = tpu.memref_slice %arg5[%dma_start3A_282, %dma_start3A_283] : memref<4096x128xf32, #tpu.memory_space<vmem_shared>> -> memref<4096x128xf32, #tpu.memory_space<vmem_shared>>
    tpu.enqueue_indirect_dma source(%dma_start3A_284 : memref<4096x128xf32, #tpu.memory_space<vmem_shared>>) target(%dma_start3A_279 : memref<128x128xf32, #tpu.memory_space<vmem>>) offsets(%dma_start3A_281 : memref<128xi32, #tpu.memory_space<vmem>>) semaphore(%arg10 : memref<!tpu.dma_semaphore, #tpu.memory_space<semaphore_mem>>)
    %dma_wait3A_285 = arith.constant 0 : i32
    %dma_wait3A_286 = arith.constant 0 : i32
    %dma_wait3A_287 = tpu.memref_slice %arg2[%dma_wait3A_285, %dma_wait3A_286] : memref<4096x128xf32, #tpu.memory_space<hbm>> -> memref<256x128xf32, #tpu.memory_space<hbm>>
    %dma_wait3A_288 = arith.constant 0 : i32
    %dma_wait3A_289 = arith.constant 0 : i32
    %dma_wait3A_290 = tpu.memref_slice %arg2[%dma_wait3A_288, %dma_wait3A_289] : memref<4096x128xf32, #tpu.memory_space<hbm>> -> memref<256x128xf32, #tpu.memory_space<hbm>>
    tpu.wait_dma2 semaphore(%arg10 : memref<!tpu.dma_semaphore, #tpu.memory_space<semaphore_mem>>) src(%dma_wait3A_290 : memref<256x128xf32, #tpu.memory_space<hbm>>) dst(%arg8 : memref<256x128xf32, #tpu.memory_space<vmem>>)
    %add3A_291 = arith.constant 1280 : i32
    %add3A_292 = arith.addi %mul3A_2, %add3A_291 : i32
    %dma_start3A_293 = arith.constant 0 : i32
    %dma_start3A_294 = tpu.memref_slice %arg4[%add3A_292, %dma_start3A_293] : memref<204800x128xf32, #tpu.memory_space<hbm>> -> memref<256x128xf32, #tpu.memory_space<hbm>>
    %dma_start3A_295 = arith.constant 0 : i32
    %dma_start3A_296 = tpu.memref_slice %arg4[%add3A_292, %dma_start3A_295] : memref<204800x128xf32, #tpu.memory_space<hbm>> -> memref<256x128xf32, #tpu.memory_space<hbm>>
    tpu.enqueue_dma source(%arg8 : memref<256x128xf32, #tpu.memory_space<vmem>>) target(%dma_start3A_296 : memref<256x128xf32, #tpu.memory_space<hbm>>) target_semaphore(%arg12 : memref<!tpu.dma_semaphore, #tpu.memory_space<semaphore_mem>>)
    %dma_wait3A_297 = arith.constant 0 : i32
    %dma_wait3A_298 = arith.constant 0 : i32
    %dma_wait3A_299 = tpu.memref_slice %arg2[%dma_wait3A_297, %dma_wait3A_298] : memref<4096x128xf32, #tpu.memory_space<hbm>> -> memref<256x128xf32, #tpu.memory_space<hbm>>
    %dma_wait3A_300 = arith.constant 0 : i32
    %dma_wait3A_301 = arith.constant 0 : i32
    %dma_wait3A_302 = tpu.memref_slice %arg2[%dma_wait3A_300, %dma_wait3A_301] : memref<4096x128xf32, #tpu.memory_space<hbm>> -> memref<256x128xf32, #tpu.memory_space<hbm>>
    tpu.wait_dma2 semaphore(%arg11 : memref<!tpu.dma_semaphore, #tpu.memory_space<semaphore_mem>>) src(%dma_wait3A_302 : memref<256x128xf32, #tpu.memory_space<hbm>>) dst(%arg7 : memref<256x128xf32, #tpu.memory_space<vmem>>)
    %dma_start3A_303 = arith.constant 0 : i32
    %dma_start3A_304 = arith.constant 0 : i32
    %dma_start3A_305 = tpu.memref_slice %arg7[%dma_start3A_303, %dma_start3A_304] : memref<256x128xf32, #tpu.memory_space<vmem>> -> memref<128x128xf32, #tpu.memory_space<vmem>>
    %dma_start3A_306 = arith.constant 1536 : i32
    %dma_start3A_307 = tpu.memref_slice %arg6[%dma_start3A_306] : memref<6400xi32, #tpu.memory_space<vmem>> -> memref<128xi32, #tpu.memory_space<vmem>>
    %dma_start3A_308 = arith.constant 0 : i32
    %dma_start3A_309 = arith.constant 0 : i32
    %dma_start3A_310 = tpu.memref_slice %arg5[%dma_start3A_308, %dma_start3A_309] : memref<4096x128xf32, #tpu.memory_space<vmem_shared>> -> memref<4096x128xf32, #tpu.memory_space<vmem_shared>>
    tpu.enqueue_indirect_dma source(%dma_start3A_310 : memref<4096x128xf32, #tpu.memory_space<vmem_shared>>) target(%dma_start3A_305 : memref<128x128xf32, #tpu.memory_space<vmem>>) offsets(%dma_start3A_307 : memref<128xi32, #tpu.memory_space<vmem>>) semaphore(%arg9 : memref<!tpu.dma_semaphore, #tpu.memory_space<semaphore_mem>>)
    %dma_start3A_311 = arith.constant 128 : i32
    %dma_start3A_312 = arith.constant 0 : i32
    %dma_start3A_313 = tpu.memref_slice %arg7[%dma_start3A_311, %dma_start3A_312] : memref<256x128xf32, #tpu.memory_space<vmem>> -> memref<128x128xf32, #tpu.memory_space<vmem>>
    %dma_start3A_314 = arith.constant 1664 : i32
    %dma_start3A_315 = tpu.memref_slice %arg6[%dma_start3A_314] : memref<6400xi32, #tpu.memory_space<vmem>> -> memref<128xi32, #tpu.memory_space<vmem>>
    %dma_start3A_316 = arith.constant 0 : i32
    %dma_start3A_317 = arith.constant 0 : i32
    %dma_start3A_318 = tpu.memref_slice %arg5[%dma_start3A_316, %dma_start3A_317] : memref<4096x128xf32, #tpu.memory_space<vmem_shared>> -> memref<4096x128xf32, #tpu.memory_space<vmem_shared>>
    tpu.enqueue_indirect_dma source(%dma_start3A_318 : memref<4096x128xf32, #tpu.memory_space<vmem_shared>>) target(%dma_start3A_313 : memref<128x128xf32, #tpu.memory_space<vmem>>) offsets(%dma_start3A_315 : memref<128xi32, #tpu.memory_space<vmem>>) semaphore(%arg9 : memref<!tpu.dma_semaphore, #tpu.memory_space<semaphore_mem>>)
    %dma_wait3A_319 = arith.constant 0 : i32
    %dma_wait3A_320 = arith.constant 0 : i32
    %dma_wait3A_321 = tpu.memref_slice %arg2[%dma_wait3A_319, %dma_wait3A_320] : memref<4096x128xf32, #tpu.memory_space<hbm>> -> memref<256x128xf32, #tpu.memory_space<hbm>>
    %dma_wait3A_322 = arith.constant 0 : i32
    %dma_wait3A_323 = arith.constant 0 : i32
    %dma_wait3A_324 = tpu.memref_slice %arg2[%dma_wait3A_322, %dma_wait3A_323] : memref<4096x128xf32, #tpu.memory_space<hbm>> -> memref<256x128xf32, #tpu.memory_space<hbm>>
    tpu.wait_dma2 semaphore(%arg9 : memref<!tpu.dma_semaphore, #tpu.memory_space<semaphore_mem>>) src(%dma_wait3A_324 : memref<256x128xf32, #tpu.memory_space<hbm>>) dst(%arg7 : memref<256x128xf32, #tpu.memory_space<vmem>>)
    %add3A_325 = arith.constant 1536 : i32
    %add3A_326 = arith.addi %mul3A_2, %add3A_325 : i32
    %dma_start3A_327 = arith.constant 0 : i32
    %dma_start3A_328 = tpu.memref_slice %arg4[%add3A_326, %dma_start3A_327] : memref<204800x128xf32, #tpu.memory_space<hbm>> -> memref<256x128xf32, #tpu.memory_space<hbm>>
    %dma_start3A_329 = arith.constant 0 : i32
    %dma_start3A_330 = tpu.memref_slice %arg4[%add3A_326, %dma_start3A_329] : memref<204800x128xf32, #tpu.memory_space<hbm>> -> memref<256x128xf32, #tpu.memory_space<hbm>>
    tpu.enqueue_dma source(%arg7 : memref<256x128xf32, #tpu.memory_space<vmem>>) target(%dma_start3A_330 : memref<256x128xf32, #tpu.memory_space<hbm>>) target_semaphore(%arg11 : memref<!tpu.dma_semaphore, #tpu.memory_space<semaphore_mem>>)
    %dma_wait3A_331 = arith.constant 0 : i32
    %dma_wait3A_332 = arith.constant 0 : i32
    %dma_wait3A_333 = tpu.memref_slice %arg2[%dma_wait3A_331, %dma_wait3A_332] : memref<4096x128xf32, #tpu.memory_space<hbm>> -> memref<256x128xf32, #tpu.memory_space<hbm>>
    %dma_wait3A_334 = arith.constant 0 : i32
    %dma_wait3A_335 = arith.constant 0 : i32
    %dma_wait3A_336 = tpu.memref_slice %arg2[%dma_wait3A_334, %dma_wait3A_335] : memref<4096x128xf32, #tpu.memory_space<hbm>> -> memref<256x128xf32, #tpu.memory_space<hbm>>
    tpu.wait_dma2 semaphore(%arg12 : memref<!tpu.dma_semaphore, #tpu.memory_space<semaphore_mem>>) src(%dma_wait3A_336 : memref<256x128xf32, #tpu.memory_space<hbm>>) dst(%arg8 : memref<256x128xf32, #tpu.memory_space<vmem>>)
    %dma_start3A_337 = arith.constant 0 : i32
    %dma_start3A_338 = arith.constant 0 : i32
    %dma_start3A_339 = tpu.memref_slice %arg8[%dma_start3A_337, %dma_start3A_338] : memref<256x128xf32, #tpu.memory_space<vmem>> -> memref<128x128xf32, #tpu.memory_space<vmem>>
    %dma_start3A_340 = arith.constant 1792 : i32
    %dma_start3A_341 = tpu.memref_slice %arg6[%dma_start3A_340] : memref<6400xi32, #tpu.memory_space<vmem>> -> memref<128xi32, #tpu.memory_space<vmem>>
    %dma_start3A_342 = arith.constant 0 : i32
    %dma_start3A_343 = arith.constant 0 : i32
    %dma_start3A_344 = tpu.memref_slice %arg5[%dma_start3A_342, %dma_start3A_343] : memref<4096x128xf32, #tpu.memory_space<vmem_shared>> -> memref<4096x128xf32, #tpu.memory_space<vmem_shared>>
    tpu.enqueue_indirect_dma source(%dma_start3A_344 : memref<4096x128xf32, #tpu.memory_space<vmem_shared>>) target(%dma_start3A_339 : memref<128x128xf32, #tpu.memory_space<vmem>>) offsets(%dma_start3A_341 : memref<128xi32, #tpu.memory_space<vmem>>) semaphore(%arg10 : memref<!tpu.dma_semaphore, #tpu.memory_space<semaphore_mem>>)
    %dma_start3A_345 = arith.constant 128 : i32
    %dma_start3A_346 = arith.constant 0 : i32
    %dma_start3A_347 = tpu.memref_slice %arg8[%dma_start3A_345, %dma_start3A_346] : memref<256x128xf32, #tpu.memory_space<vmem>> -> memref<128x128xf32, #tpu.memory_space<vmem>>
    %dma_start3A_348 = arith.constant 1920 : i32
    %dma_start3A_349 = tpu.memref_slice %arg6[%dma_start3A_348] : memref<6400xi32, #tpu.memory_space<vmem>> -> memref<128xi32, #tpu.memory_space<vmem>>
    %dma_start3A_350 = arith.constant 0 : i32
    %dma_start3A_351 = arith.constant 0 : i32
    %dma_start3A_352 = tpu.memref_slice %arg5[%dma_start3A_350, %dma_start3A_351] : memref<4096x128xf32, #tpu.memory_space<vmem_shared>> -> memref<4096x128xf32, #tpu.memory_space<vmem_shared>>
    tpu.enqueue_indirect_dma source(%dma_start3A_352 : memref<4096x128xf32, #tpu.memory_space<vmem_shared>>) target(%dma_start3A_347 : memref<128x128xf32, #tpu.memory_space<vmem>>) offsets(%dma_start3A_349 : memref<128xi32, #tpu.memory_space<vmem>>) semaphore(%arg10 : memref<!tpu.dma_semaphore, #tpu.memory_space<semaphore_mem>>)
    %dma_wait3A_353 = arith.constant 0 : i32
    %dma_wait3A_354 = arith.constant 0 : i32
    %dma_wait3A_355 = tpu.memref_slice %arg2[%dma_wait3A_353, %dma_wait3A_354] : memref<4096x128xf32, #tpu.memory_space<hbm>> -> memref<256x128xf32, #tpu.memory_space<hbm>>
    %dma_wait3A_356 = arith.constant 0 : i32
    %dma_wait3A_357 = arith.constant 0 : i32
    %dma_wait3A_358 = tpu.memref_slice %arg2[%dma_wait3A_356, %dma_wait3A_357] : memref<4096x128xf32, #tpu.memory_space<hbm>> -> memref<256x128xf32, #tpu.memory_space<hbm>>
    tpu.wait_dma2 semaphore(%arg10 : memref<!tpu.dma_semaphore, #tpu.memory_space<semaphore_mem>>) src(%dma_wait3A_358 : memref<256x128xf32, #tpu.memory_space<hbm>>) dst(%arg8 : memref<256x128xf32, #tpu.memory_space<vmem>>)
    %add3A_359 = arith.constant 1792 : i32
    %add3A_360 = arith.addi %mul3A_2, %add3A_359 : i32
    %dma_start3A_361 = arith.constant 0 : i32
    %dma_start3A_362 = tpu.memref_slice %arg4[%add3A_360, %dma_start3A_361] : memref<204800x128xf32, #tpu.memory_space<hbm>> -> memref<256x128xf32, #tpu.memory_space<hbm>>
    %dma_start3A_363 = arith.constant 0 : i32
    %dma_start3A_364 = tpu.memref_slice %arg4[%add3A_360, %dma_start3A_363] : memref<204800x128xf32, #tpu.memory_space<hbm>> -> memref<256x128xf32, #tpu.memory_space<hbm>>
    tpu.enqueue_dma source(%arg8 : memref<256x128xf32, #tpu.memory_space<vmem>>) target(%dma_start3A_364 : memref<256x128xf32, #tpu.memory_space<hbm>>) target_semaphore(%arg12 : memref<!tpu.dma_semaphore, #tpu.memory_space<semaphore_mem>>)
    %dma_wait3A_365 = arith.constant 0 : i32
    %dma_wait3A_366 = arith.constant 0 : i32
    %dma_wait3A_367 = tpu.memref_slice %arg2[%dma_wait3A_365, %dma_wait3A_366] : memref<4096x128xf32, #tpu.memory_space<hbm>> -> memref<256x128xf32, #tpu.memory_space<hbm>>
    %dma_wait3A_368 = arith.constant 0 : i32
    %dma_wait3A_369 = arith.constant 0 : i32
    %dma_wait3A_370 = tpu.memref_slice %arg2[%dma_wait3A_368, %dma_wait3A_369] : memref<4096x128xf32, #tpu.memory_space<hbm>> -> memref<256x128xf32, #tpu.memory_space<hbm>>
    tpu.wait_dma2 semaphore(%arg11 : memref<!tpu.dma_semaphore, #tpu.memory_space<semaphore_mem>>) src(%dma_wait3A_370 : memref<256x128xf32, #tpu.memory_space<hbm>>) dst(%arg7 : memref<256x128xf32, #tpu.memory_space<vmem>>)
    %dma_start3A_371 = arith.constant 0 : i32
    %dma_start3A_372 = arith.constant 0 : i32
    %dma_start3A_373 = tpu.memref_slice %arg7[%dma_start3A_371, %dma_start3A_372] : memref<256x128xf32, #tpu.memory_space<vmem>> -> memref<128x128xf32, #tpu.memory_space<vmem>>
    %dma_start3A_374 = arith.constant 2048 : i32
    %dma_start3A_375 = tpu.memref_slice %arg6[%dma_start3A_374] : memref<6400xi32, #tpu.memory_space<vmem>> -> memref<128xi32, #tpu.memory_space<vmem>>
    %dma_start3A_376 = arith.constant 0 : i32
    %dma_start3A_377 = arith.constant 0 : i32
    %dma_start3A_378 = tpu.memref_slice %arg5[%dma_start3A_376, %dma_start3A_377] : memref<4096x128xf32, #tpu.memory_space<vmem_shared>> -> memref<4096x128xf32, #tpu.memory_space<vmem_shared>>
    tpu.enqueue_indirect_dma source(%dma_start3A_378 : memref<4096x128xf32, #tpu.memory_space<vmem_shared>>) target(%dma_start3A_373 : memref<128x128xf32, #tpu.memory_space<vmem>>) offsets(%dma_start3A_375 : memref<128xi32, #tpu.memory_space<vmem>>) semaphore(%arg9 : memref<!tpu.dma_semaphore, #tpu.memory_space<semaphore_mem>>)
    %dma_start3A_379 = arith.constant 128 : i32
    %dma_start3A_380 = arith.constant 0 : i32
    %dma_start3A_381 = tpu.memref_slice %arg7[%dma_start3A_379, %dma_start3A_380] : memref<256x128xf32, #tpu.memory_space<vmem>> -> memref<128x128xf32, #tpu.memory_space<vmem>>
    %dma_start3A_382 = arith.constant 2176 : i32
    %dma_start3A_383 = tpu.memref_slice %arg6[%dma_start3A_382] : memref<6400xi32, #tpu.memory_space<vmem>> -> memref<128xi32, #tpu.memory_space<vmem>>
    %dma_start3A_384 = arith.constant 0 : i32
    %dma_start3A_385 = arith.constant 0 : i32
    %dma_start3A_386 = tpu.memref_slice %arg5[%dma_start3A_384, %dma_start3A_385] : memref<4096x128xf32, #tpu.memory_space<vmem_shared>> -> memref<4096x128xf32, #tpu.memory_space<vmem_shared>>
    tpu.enqueue_indirect_dma source(%dma_start3A_386 : memref<4096x128xf32, #tpu.memory_space<vmem_shared>>) target(%dma_start3A_381 : memref<128x128xf32, #tpu.memory_space<vmem>>) offsets(%dma_start3A_383 : memref<128xi32, #tpu.memory_space<vmem>>) semaphore(%arg9 : memref<!tpu.dma_semaphore, #tpu.memory_space<semaphore_mem>>)
    %dma_wait3A_387 = arith.constant 0 : i32
    %dma_wait3A_388 = arith.constant 0 : i32
    %dma_wait3A_389 = tpu.memref_slice %arg2[%dma_wait3A_387, %dma_wait3A_388] : memref<4096x128xf32, #tpu.memory_space<hbm>> -> memref<256x128xf32, #tpu.memory_space<hbm>>
    %dma_wait3A_390 = arith.constant 0 : i32
    %dma_wait3A_391 = arith.constant 0 : i32
    %dma_wait3A_392 = tpu.memref_slice %arg2[%dma_wait3A_390, %dma_wait3A_391] : memref<4096x128xf32, #tpu.memory_space<hbm>> -> memref<256x128xf32, #tpu.memory_space<hbm>>
    tpu.wait_dma2 semaphore(%arg9 : memref<!tpu.dma_semaphore, #tpu.memory_space<semaphore_mem>>) src(%dma_wait3A_392 : memref<256x128xf32, #tpu.memory_space<hbm>>) dst(%arg7 : memref<256x128xf32, #tpu.memory_space<vmem>>)
    %add3A_393 = arith.constant 2048 : i32
    %add3A_394 = arith.addi %mul3A_2, %add3A_393 : i32
    %dma_start3A_395 = arith.constant 0 : i32
    %dma_start3A_396 = tpu.memref_slice %arg4[%add3A_394, %dma_start3A_395] : memref<204800x128xf32, #tpu.memory_space<hbm>> -> memref<256x128xf32, #tpu.memory_space<hbm>>
    %dma_start3A_397 = arith.constant 0 : i32
    %dma_start3A_398 = tpu.memref_slice %arg4[%add3A_394, %dma_start3A_397] : memref<204800x128xf32, #tpu.memory_space<hbm>> -> memref<256x128xf32, #tpu.memory_space<hbm>>
    tpu.enqueue_dma source(%arg7 : memref<256x128xf32, #tpu.memory_space<vmem>>) target(%dma_start3A_398 : memref<256x128xf32, #tpu.memory_space<hbm>>) target_semaphore(%arg11 : memref<!tpu.dma_semaphore, #tpu.memory_space<semaphore_mem>>)
    %dma_wait3A_399 = arith.constant 0 : i32
    %dma_wait3A_400 = arith.constant 0 : i32
    %dma_wait3A_401 = tpu.memref_slice %arg2[%dma_wait3A_399, %dma_wait3A_400] : memref<4096x128xf32, #tpu.memory_space<hbm>> -> memref<256x128xf32, #tpu.memory_space<hbm>>
    %dma_wait3A_402 = arith.constant 0 : i32
    %dma_wait3A_403 = arith.constant 0 : i32
    %dma_wait3A_404 = tpu.memref_slice %arg2[%dma_wait3A_402, %dma_wait3A_403] : memref<4096x128xf32, #tpu.memory_space<hbm>> -> memref<256x128xf32, #tpu.memory_space<hbm>>
    tpu.wait_dma2 semaphore(%arg12 : memref<!tpu.dma_semaphore, #tpu.memory_space<semaphore_mem>>) src(%dma_wait3A_404 : memref<256x128xf32, #tpu.memory_space<hbm>>) dst(%arg8 : memref<256x128xf32, #tpu.memory_space<vmem>>)
    %dma_start3A_405 = arith.constant 0 : i32
    %dma_start3A_406 = arith.constant 0 : i32
    %dma_start3A_407 = tpu.memref_slice %arg8[%dma_start3A_405, %dma_start3A_406] : memref<256x128xf32, #tpu.memory_space<vmem>> -> memref<128x128xf32, #tpu.memory_space<vmem>>
    %dma_start3A_408 = arith.constant 2304 : i32
    %dma_start3A_409 = tpu.memref_slice %arg6[%dma_start3A_408] : memref<6400xi32, #tpu.memory_space<vmem>> -> memref<128xi32, #tpu.memory_space<vmem>>
    %dma_start3A_410 = arith.constant 0 : i32
    %dma_start3A_411 = arith.constant 0 : i32
    %dma_start3A_412 = tpu.memref_slice %arg5[%dma_start3A_410, %dma_start3A_411] : memref<4096x128xf32, #tpu.memory_space<vmem_shared>> -> memref<4096x128xf32, #tpu.memory_space<vmem_shared>>
    tpu.enqueue_indirect_dma source(%dma_start3A_412 : memref<4096x128xf32, #tpu.memory_space<vmem_shared>>) target(%dma_start3A_407 : memref<128x128xf32, #tpu.memory_space<vmem>>) offsets(%dma_start3A_409 : memref<128xi32, #tpu.memory_space<vmem>>) semaphore(%arg10 : memref<!tpu.dma_semaphore, #tpu.memory_space<semaphore_mem>>)
    %dma_start3A_413 = arith.constant 128 : i32
    %dma_start3A_414 = arith.constant 0 : i32
    %dma_start3A_415 = tpu.memref_slice %arg8[%dma_start3A_413, %dma_start3A_414] : memref<256x128xf32, #tpu.memory_space<vmem>> -> memref<128x128xf32, #tpu.memory_space<vmem>>
    %dma_start3A_416 = arith.constant 2432 : i32
    %dma_start3A_417 = tpu.memref_slice %arg6[%dma_start3A_416] : memref<6400xi32, #tpu.memory_space<vmem>> -> memref<128xi32, #tpu.memory_space<vmem>>
    %dma_start3A_418 = arith.constant 0 : i32
    %dma_start3A_419 = arith.constant 0 : i32
    %dma_start3A_420 = tpu.memref_slice %arg5[%dma_start3A_418, %dma_start3A_419] : memref<4096x128xf32, #tpu.memory_space<vmem_shared>> -> memref<4096x128xf32, #tpu.memory_space<vmem_shared>>
    tpu.enqueue_indirect_dma source(%dma_start3A_420 : memref<4096x128xf32, #tpu.memory_space<vmem_shared>>) target(%dma_start3A_415 : memref<128x128xf32, #tpu.memory_space<vmem>>) offsets(%dma_start3A_417 : memref<128xi32, #tpu.memory_space<vmem>>) semaphore(%arg10 : memref<!tpu.dma_semaphore, #tpu.memory_space<semaphore_mem>>)
    %dma_wait3A_421 = arith.constant 0 : i32
    %dma_wait3A_422 = arith.constant 0 : i32
    %dma_wait3A_423 = tpu.memref_slice %arg2[%dma_wait3A_421, %dma_wait3A_422] : memref<4096x128xf32, #tpu.memory_space<hbm>> -> memref<256x128xf32, #tpu.memory_space<hbm>>
    %dma_wait3A_424 = arith.constant 0 : i32
    %dma_wait3A_425 = arith.constant 0 : i32
    %dma_wait3A_426 = tpu.memref_slice %arg2[%dma_wait3A_424, %dma_wait3A_425] : memref<4096x128xf32, #tpu.memory_space<hbm>> -> memref<256x128xf32, #tpu.memory_space<hbm>>
    tpu.wait_dma2 semaphore(%arg10 : memref<!tpu.dma_semaphore, #tpu.memory_space<semaphore_mem>>) src(%dma_wait3A_426 : memref<256x128xf32, #tpu.memory_space<hbm>>) dst(%arg8 : memref<256x128xf32, #tpu.memory_space<vmem>>)
    %add3A_427 = arith.constant 2304 : i32
    %add3A_428 = arith.addi %mul3A_2, %add3A_427 : i32
    %dma_start3A_429 = arith.constant 0 : i32
    %dma_start3A_430 = tpu.memref_slice %arg4[%add3A_428, %dma_start3A_429] : memref<204800x128xf32, #tpu.memory_space<hbm>> -> memref<256x128xf32, #tpu.memory_space<hbm>>
    %dma_start3A_431 = arith.constant 0 : i32
    %dma_start3A_432 = tpu.memref_slice %arg4[%add3A_428, %dma_start3A_431] : memref<204800x128xf32, #tpu.memory_space<hbm>> -> memref<256x128xf32, #tpu.memory_space<hbm>>
    tpu.enqueue_dma source(%arg8 : memref<256x128xf32, #tpu.memory_space<vmem>>) target(%dma_start3A_432 : memref<256x128xf32, #tpu.memory_space<hbm>>) target_semaphore(%arg12 : memref<!tpu.dma_semaphore, #tpu.memory_space<semaphore_mem>>)
    %dma_wait3A_433 = arith.constant 0 : i32
    %dma_wait3A_434 = arith.constant 0 : i32
    %dma_wait3A_435 = tpu.memref_slice %arg2[%dma_wait3A_433, %dma_wait3A_434] : memref<4096x128xf32, #tpu.memory_space<hbm>> -> memref<256x128xf32, #tpu.memory_space<hbm>>
    %dma_wait3A_436 = arith.constant 0 : i32
    %dma_wait3A_437 = arith.constant 0 : i32
    %dma_wait3A_438 = tpu.memref_slice %arg2[%dma_wait3A_436, %dma_wait3A_437] : memref<4096x128xf32, #tpu.memory_space<hbm>> -> memref<256x128xf32, #tpu.memory_space<hbm>>
    tpu.wait_dma2 semaphore(%arg11 : memref<!tpu.dma_semaphore, #tpu.memory_space<semaphore_mem>>) src(%dma_wait3A_438 : memref<256x128xf32, #tpu.memory_space<hbm>>) dst(%arg7 : memref<256x128xf32, #tpu.memory_space<vmem>>)
    %dma_start3A_439 = arith.constant 0 : i32
    %dma_start3A_440 = arith.constant 0 : i32
    %dma_start3A_441 = tpu.memref_slice %arg7[%dma_start3A_439, %dma_start3A_440] : memref<256x128xf32, #tpu.memory_space<vmem>> -> memref<128x128xf32, #tpu.memory_space<vmem>>
    %dma_start3A_442 = arith.constant 2560 : i32
    %dma_start3A_443 = tpu.memref_slice %arg6[%dma_start3A_442] : memref<6400xi32, #tpu.memory_space<vmem>> -> memref<128xi32, #tpu.memory_space<vmem>>
    %dma_start3A_444 = arith.constant 0 : i32
    %dma_start3A_445 = arith.constant 0 : i32
    %dma_start3A_446 = tpu.memref_slice %arg5[%dma_start3A_444, %dma_start3A_445] : memref<4096x128xf32, #tpu.memory_space<vmem_shared>> -> memref<4096x128xf32, #tpu.memory_space<vmem_shared>>
    tpu.enqueue_indirect_dma source(%dma_start3A_446 : memref<4096x128xf32, #tpu.memory_space<vmem_shared>>) target(%dma_start3A_441 : memref<128x128xf32, #tpu.memory_space<vmem>>) offsets(%dma_start3A_443 : memref<128xi32, #tpu.memory_space<vmem>>) semaphore(%arg9 : memref<!tpu.dma_semaphore, #tpu.memory_space<semaphore_mem>>)
    %dma_start3A_447 = arith.constant 128 : i32
    %dma_start3A_448 = arith.constant 0 : i32
    %dma_start3A_449 = tpu.memref_slice %arg7[%dma_start3A_447, %dma_start3A_448] : memref<256x128xf32, #tpu.memory_space<vmem>> -> memref<128x128xf32, #tpu.memory_space<vmem>>
    %dma_start3A_450 = arith.constant 2688 : i32
    %dma_start3A_451 = tpu.memref_slice %arg6[%dma_start3A_450] : memref<6400xi32, #tpu.memory_space<vmem>> -> memref<128xi32, #tpu.memory_space<vmem>>
    %dma_start3A_452 = arith.constant 0 : i32
    %dma_start3A_453 = arith.constant 0 : i32
    %dma_start3A_454 = tpu.memref_slice %arg5[%dma_start3A_452, %dma_start3A_453] : memref<4096x128xf32, #tpu.memory_space<vmem_shared>> -> memref<4096x128xf32, #tpu.memory_space<vmem_shared>>
    tpu.enqueue_indirect_dma source(%dma_start3A_454 : memref<4096x128xf32, #tpu.memory_space<vmem_shared>>) target(%dma_start3A_449 : memref<128x128xf32, #tpu.memory_space<vmem>>) offsets(%dma_start3A_451 : memref<128xi32, #tpu.memory_space<vmem>>) semaphore(%arg9 : memref<!tpu.dma_semaphore, #tpu.memory_space<semaphore_mem>>)
    %dma_wait3A_455 = arith.constant 0 : i32
    %dma_wait3A_456 = arith.constant 0 : i32
    %dma_wait3A_457 = tpu.memref_slice %arg2[%dma_wait3A_455, %dma_wait3A_456] : memref<4096x128xf32, #tpu.memory_space<hbm>> -> memref<256x128xf32, #tpu.memory_space<hbm>>
    %dma_wait3A_458 = arith.constant 0 : i32
    %dma_wait3A_459 = arith.constant 0 : i32
    %dma_wait3A_460 = tpu.memref_slice %arg2[%dma_wait3A_458, %dma_wait3A_459] : memref<4096x128xf32, #tpu.memory_space<hbm>> -> memref<256x128xf32, #tpu.memory_space<hbm>>
    tpu.wait_dma2 semaphore(%arg9 : memref<!tpu.dma_semaphore, #tpu.memory_space<semaphore_mem>>) src(%dma_wait3A_460 : memref<256x128xf32, #tpu.memory_space<hbm>>) dst(%arg7 : memref<256x128xf32, #tpu.memory_space<vmem>>)
    %add3A_461 = arith.constant 2560 : i32
    %add3A_462 = arith.addi %mul3A_2, %add3A_461 : i32
    %dma_start3A_463 = arith.constant 0 : i32
    %dma_start3A_464 = tpu.memref_slice %arg4[%add3A_462, %dma_start3A_463] : memref<204800x128xf32, #tpu.memory_space<hbm>> -> memref<256x128xf32, #tpu.memory_space<hbm>>
    %dma_start3A_465 = arith.constant 0 : i32
    %dma_start3A_466 = tpu.memref_slice %arg4[%add3A_462, %dma_start3A_465] : memref<204800x128xf32, #tpu.memory_space<hbm>> -> memref<256x128xf32, #tpu.memory_space<hbm>>
    tpu.enqueue_dma source(%arg7 : memref<256x128xf32, #tpu.memory_space<vmem>>) target(%dma_start3A_466 : memref<256x128xf32, #tpu.memory_space<hbm>>) target_semaphore(%arg11 : memref<!tpu.dma_semaphore, #tpu.memory_space<semaphore_mem>>)
    %dma_wait3A_467 = arith.constant 0 : i32
    %dma_wait3A_468 = arith.constant 0 : i32
    %dma_wait3A_469 = tpu.memref_slice %arg2[%dma_wait3A_467, %dma_wait3A_468] : memref<4096x128xf32, #tpu.memory_space<hbm>> -> memref<256x128xf32, #tpu.memory_space<hbm>>
    %dma_wait3A_470 = arith.constant 0 : i32
    %dma_wait3A_471 = arith.constant 0 : i32
    %dma_wait3A_472 = tpu.memref_slice %arg2[%dma_wait3A_470, %dma_wait3A_471] : memref<4096x128xf32, #tpu.memory_space<hbm>> -> memref<256x128xf32, #tpu.memory_space<hbm>>
    tpu.wait_dma2 semaphore(%arg12 : memref<!tpu.dma_semaphore, #tpu.memory_space<semaphore_mem>>) src(%dma_wait3A_472 : memref<256x128xf32, #tpu.memory_space<hbm>>) dst(%arg8 : memref<256x128xf32, #tpu.memory_space<vmem>>)
    %dma_start3A_473 = arith.constant 0 : i32
    %dma_start3A_474 = arith.constant 0 : i32
    %dma_start3A_475 = tpu.memref_slice %arg8[%dma_start3A_473, %dma_start3A_474] : memref<256x128xf32, #tpu.memory_space<vmem>> -> memref<128x128xf32, #tpu.memory_space<vmem>>
    %dma_start3A_476 = arith.constant 2816 : i32
    %dma_start3A_477 = tpu.memref_slice %arg6[%dma_start3A_476] : memref<6400xi32, #tpu.memory_space<vmem>> -> memref<128xi32, #tpu.memory_space<vmem>>
    %dma_start3A_478 = arith.constant 0 : i32
    %dma_start3A_479 = arith.constant 0 : i32
    %dma_start3A_480 = tpu.memref_slice %arg5[%dma_start3A_478, %dma_start3A_479] : memref<4096x128xf32, #tpu.memory_space<vmem_shared>> -> memref<4096x128xf32, #tpu.memory_space<vmem_shared>>
    tpu.enqueue_indirect_dma source(%dma_start3A_480 : memref<4096x128xf32, #tpu.memory_space<vmem_shared>>) target(%dma_start3A_475 : memref<128x128xf32, #tpu.memory_space<vmem>>) offsets(%dma_start3A_477 : memref<128xi32, #tpu.memory_space<vmem>>) semaphore(%arg10 : memref<!tpu.dma_semaphore, #tpu.memory_space<semaphore_mem>>)
    %dma_start3A_481 = arith.constant 128 : i32
    %dma_start3A_482 = arith.constant 0 : i32
    %dma_start3A_483 = tpu.memref_slice %arg8[%dma_start3A_481, %dma_start3A_482] : memref<256x128xf32, #tpu.memory_space<vmem>> -> memref<128x128xf32, #tpu.memory_space<vmem>>
    %dma_start3A_484 = arith.constant 2944 : i32
    %dma_start3A_485 = tpu.memref_slice %arg6[%dma_start3A_484] : memref<6400xi32, #tpu.memory_space<vmem>> -> memref<128xi32, #tpu.memory_space<vmem>>
    %dma_start3A_486 = arith.constant 0 : i32
    %dma_start3A_487 = arith.constant 0 : i32
    %dma_start3A_488 = tpu.memref_slice %arg5[%dma_start3A_486, %dma_start3A_487] : memref<4096x128xf32, #tpu.memory_space<vmem_shared>> -> memref<4096x128xf32, #tpu.memory_space<vmem_shared>>
    tpu.enqueue_indirect_dma source(%dma_start3A_488 : memref<4096x128xf32, #tpu.memory_space<vmem_shared>>) target(%dma_start3A_483 : memref<128x128xf32, #tpu.memory_space<vmem>>) offsets(%dma_start3A_485 : memref<128xi32, #tpu.memory_space<vmem>>) semaphore(%arg10 : memref<!tpu.dma_semaphore, #tpu.memory_space<semaphore_mem>>)
    %dma_wait3A_489 = arith.constant 0 : i32
    %dma_wait3A_490 = arith.constant 0 : i32
    %dma_wait3A_491 = tpu.memref_slice %arg2[%dma_wait3A_489, %dma_wait3A_490] : memref<4096x128xf32, #tpu.memory_space<hbm>> -> memref<256x128xf32, #tpu.memory_space<hbm>>
    %dma_wait3A_492 = arith.constant 0 : i32
    %dma_wait3A_493 = arith.constant 0 : i32
    %dma_wait3A_494 = tpu.memref_slice %arg2[%dma_wait3A_492, %dma_wait3A_493] : memref<4096x128xf32, #tpu.memory_space<hbm>> -> memref<256x128xf32, #tpu.memory_space<hbm>>
    tpu.wait_dma2 semaphore(%arg10 : memref<!tpu.dma_semaphore, #tpu.memory_space<semaphore_mem>>) src(%dma_wait3A_494 : memref<256x128xf32, #tpu.memory_space<hbm>>) dst(%arg8 : memref<256x128xf32, #tpu.memory_space<vmem>>)
    %add3A_495 = arith.constant 2816 : i32
    %add3A_496 = arith.addi %mul3A_2, %add3A_495 : i32
    %dma_start3A_497 = arith.constant 0 : i32
    %dma_start3A_498 = tpu.memref_slice %arg4[%add3A_496, %dma_start3A_497] : memref<204800x128xf32, #tpu.memory_space<hbm>> -> memref<256x128xf32, #tpu.memory_space<hbm>>
    %dma_start3A_499 = arith.constant 0 : i32
    %dma_start3A_500 = tpu.memref_slice %arg4[%add3A_496, %dma_start3A_499] : memref<204800x128xf32, #tpu.memory_space<hbm>> -> memref<256x128xf32, #tpu.memory_space<hbm>>
    tpu.enqueue_dma source(%arg8 : memref<256x128xf32, #tpu.memory_space<vmem>>) target(%dma_start3A_500 : memref<256x128xf32, #tpu.memory_space<hbm>>) target_semaphore(%arg12 : memref<!tpu.dma_semaphore, #tpu.memory_space<semaphore_mem>>)
    %dma_wait3A_501 = arith.constant 0 : i32
    %dma_wait3A_502 = arith.constant 0 : i32
    %dma_wait3A_503 = tpu.memref_slice %arg2[%dma_wait3A_501, %dma_wait3A_502] : memref<4096x128xf32, #tpu.memory_space<hbm>> -> memref<256x128xf32, #tpu.memory_space<hbm>>
    %dma_wait3A_504 = arith.constant 0 : i32
    %dma_wait3A_505 = arith.constant 0 : i32
    %dma_wait3A_506 = tpu.memref_slice %arg2[%dma_wait3A_504, %dma_wait3A_505] : memref<4096x128xf32, #tpu.memory_space<hbm>> -> memref<256x128xf32, #tpu.memory_space<hbm>>
    tpu.wait_dma2 semaphore(%arg11 : memref<!tpu.dma_semaphore, #tpu.memory_space<semaphore_mem>>) src(%dma_wait3A_506 : memref<256x128xf32, #tpu.memory_space<hbm>>) dst(%arg7 : memref<256x128xf32, #tpu.memory_space<vmem>>)
    %dma_start3A_507 = arith.constant 0 : i32
    %dma_start3A_508 = arith.constant 0 : i32
    %dma_start3A_509 = tpu.memref_slice %arg7[%dma_start3A_507, %dma_start3A_508] : memref<256x128xf32, #tpu.memory_space<vmem>> -> memref<128x128xf32, #tpu.memory_space<vmem>>
    %dma_start3A_510 = arith.constant 3072 : i32
    %dma_start3A_511 = tpu.memref_slice %arg6[%dma_start3A_510] : memref<6400xi32, #tpu.memory_space<vmem>> -> memref<128xi32, #tpu.memory_space<vmem>>
    %dma_start3A_512 = arith.constant 0 : i32
    %dma_start3A_513 = arith.constant 0 : i32
    %dma_start3A_514 = tpu.memref_slice %arg5[%dma_start3A_512, %dma_start3A_513] : memref<4096x128xf32, #tpu.memory_space<vmem_shared>> -> memref<4096x128xf32, #tpu.memory_space<vmem_shared>>
    tpu.enqueue_indirect_dma source(%dma_start3A_514 : memref<4096x128xf32, #tpu.memory_space<vmem_shared>>) target(%dma_start3A_509 : memref<128x128xf32, #tpu.memory_space<vmem>>) offsets(%dma_start3A_511 : memref<128xi32, #tpu.memory_space<vmem>>) semaphore(%arg9 : memref<!tpu.dma_semaphore, #tpu.memory_space<semaphore_mem>>)
    %dma_start3A_515 = arith.constant 128 : i32
    %dma_start3A_516 = arith.constant 0 : i32
    %dma_start3A_517 = tpu.memref_slice %arg7[%dma_start3A_515, %dma_start3A_516] : memref<256x128xf32, #tpu.memory_space<vmem>> -> memref<128x128xf32, #tpu.memory_space<vmem>>
    %dma_start3A_518 = arith.constant 3200 : i32
    %dma_start3A_519 = tpu.memref_slice %arg6[%dma_start3A_518] : memref<6400xi32, #tpu.memory_space<vmem>> -> memref<128xi32, #tpu.memory_space<vmem>>
    %dma_start3A_520 = arith.constant 0 : i32
    %dma_start3A_521 = arith.constant 0 : i32
    %dma_start3A_522 = tpu.memref_slice %arg5[%dma_start3A_520, %dma_start3A_521] : memref<4096x128xf32, #tpu.memory_space<vmem_shared>> -> memref<4096x128xf32, #tpu.memory_space<vmem_shared>>
    tpu.enqueue_indirect_dma source(%dma_start3A_522 : memref<4096x128xf32, #tpu.memory_space<vmem_shared>>) target(%dma_start3A_517 : memref<128x128xf32, #tpu.memory_space<vmem>>) offsets(%dma_start3A_519 : memref<128xi32, #tpu.memory_space<vmem>>) semaphore(%arg9 : memref<!tpu.dma_semaphore, #tpu.memory_space<semaphore_mem>>)
    %dma_wait3A_523 = arith.constant 0 : i32
    %dma_wait3A_524 = arith.constant 0 : i32
    %dma_wait3A_525 = tpu.memref_slice %arg2[%dma_wait3A_523, %dma_wait3A_524] : memref<4096x128xf32, #tpu.memory_space<hbm>> -> memref<256x128xf32, #tpu.memory_space<hbm>>
    %dma_wait3A_526 = arith.constant 0 : i32
    %dma_wait3A_527 = arith.constant 0 : i32
    %dma_wait3A_528 = tpu.memref_slice %arg2[%dma_wait3A_526, %dma_wait3A_527] : memref<4096x128xf32, #tpu.memory_space<hbm>> -> memref<256x128xf32, #tpu.memory_space<hbm>>
    tpu.wait_dma2 semaphore(%arg9 : memref<!tpu.dma_semaphore, #tpu.memory_space<semaphore_mem>>) src(%dma_wait3A_528 : memref<256x128xf32, #tpu.memory_space<hbm>>) dst(%arg7 : memref<256x128xf32, #tpu.memory_space<vmem>>)
    %add3A_529 = arith.constant 3072 : i32
    %add3A_530 = arith.addi %mul3A_2, %add3A_529 : i32
    %dma_start3A_531 = arith.constant 0 : i32
    %dma_start3A_532 = tpu.memref_slice %arg4[%add3A_530, %dma_start3A_531] : memref<204800x128xf32, #tpu.memory_space<hbm>> -> memref<256x128xf32, #tpu.memory_space<hbm>>
    %dma_start3A_533 = arith.constant 0 : i32
    %dma_start3A_534 = tpu.memref_slice %arg4[%add3A_530, %dma_start3A_533] : memref<204800x128xf32, #tpu.memory_space<hbm>> -> memref<256x128xf32, #tpu.memory_space<hbm>>
    tpu.enqueue_dma source(%arg7 : memref<256x128xf32, #tpu.memory_space<vmem>>) target(%dma_start3A_534 : memref<256x128xf32, #tpu.memory_space<hbm>>) target_semaphore(%arg11 : memref<!tpu.dma_semaphore, #tpu.memory_space<semaphore_mem>>)
    %dma_wait3A_535 = arith.constant 0 : i32
    %dma_wait3A_536 = arith.constant 0 : i32
    %dma_wait3A_537 = tpu.memref_slice %arg2[%dma_wait3A_535, %dma_wait3A_536] : memref<4096x128xf32, #tpu.memory_space<hbm>> -> memref<256x128xf32, #tpu.memory_space<hbm>>
    %dma_wait3A_538 = arith.constant 0 : i32
    %dma_wait3A_539 = arith.constant 0 : i32
    %dma_wait3A_540 = tpu.memref_slice %arg2[%dma_wait3A_538, %dma_wait3A_539] : memref<4096x128xf32, #tpu.memory_space<hbm>> -> memref<256x128xf32, #tpu.memory_space<hbm>>
    tpu.wait_dma2 semaphore(%arg12 : memref<!tpu.dma_semaphore, #tpu.memory_space<semaphore_mem>>) src(%dma_wait3A_540 : memref<256x128xf32, #tpu.memory_space<hbm>>) dst(%arg8 : memref<256x128xf32, #tpu.memory_space<vmem>>)
    %dma_start3A_541 = arith.constant 0 : i32
    %dma_start3A_542 = arith.constant 0 : i32
    %dma_start3A_543 = tpu.memref_slice %arg8[%dma_start3A_541, %dma_start3A_542] : memref<256x128xf32, #tpu.memory_space<vmem>> -> memref<128x128xf32, #tpu.memory_space<vmem>>
    %dma_start3A_544 = arith.constant 3328 : i32
    %dma_start3A_545 = tpu.memref_slice %arg6[%dma_start3A_544] : memref<6400xi32, #tpu.memory_space<vmem>> -> memref<128xi32, #tpu.memory_space<vmem>>
    %dma_start3A_546 = arith.constant 0 : i32
    %dma_start3A_547 = arith.constant 0 : i32
    %dma_start3A_548 = tpu.memref_slice %arg5[%dma_start3A_546, %dma_start3A_547] : memref<4096x128xf32, #tpu.memory_space<vmem_shared>> -> memref<4096x128xf32, #tpu.memory_space<vmem_shared>>
    tpu.enqueue_indirect_dma source(%dma_start3A_548 : memref<4096x128xf32, #tpu.memory_space<vmem_shared>>) target(%dma_start3A_543 : memref<128x128xf32, #tpu.memory_space<vmem>>) offsets(%dma_start3A_545 : memref<128xi32, #tpu.memory_space<vmem>>) semaphore(%arg10 : memref<!tpu.dma_semaphore, #tpu.memory_space<semaphore_mem>>)
    %dma_start3A_549 = arith.constant 128 : i32
    %dma_start3A_550 = arith.constant 0 : i32
    %dma_start3A_551 = tpu.memref_slice %arg8[%dma_start3A_549, %dma_start3A_550] : memref<256x128xf32, #tpu.memory_space<vmem>> -> memref<128x128xf32, #tpu.memory_space<vmem>>
    %dma_start3A_552 = arith.constant 3456 : i32
    %dma_start3A_553 = tpu.memref_slice %arg6[%dma_start3A_552] : memref<6400xi32, #tpu.memory_space<vmem>> -> memref<128xi32, #tpu.memory_space<vmem>>
    %dma_start3A_554 = arith.constant 0 : i32
    %dma_start3A_555 = arith.constant 0 : i32
    %dma_start3A_556 = tpu.memref_slice %arg5[%dma_start3A_554, %dma_start3A_555] : memref<4096x128xf32, #tpu.memory_space<vmem_shared>> -> memref<4096x128xf32, #tpu.memory_space<vmem_shared>>
    tpu.enqueue_indirect_dma source(%dma_start3A_556 : memref<4096x128xf32, #tpu.memory_space<vmem_shared>>) target(%dma_start3A_551 : memref<128x128xf32, #tpu.memory_space<vmem>>) offsets(%dma_start3A_553 : memref<128xi32, #tpu.memory_space<vmem>>) semaphore(%arg10 : memref<!tpu.dma_semaphore, #tpu.memory_space<semaphore_mem>>)
    %dma_wait3A_557 = arith.constant 0 : i32
    %dma_wait3A_558 = arith.constant 0 : i32
    %dma_wait3A_559 = tpu.memref_slice %arg2[%dma_wait3A_557, %dma_wait3A_558] : memref<4096x128xf32, #tpu.memory_space<hbm>> -> memref<256x128xf32, #tpu.memory_space<hbm>>
    %dma_wait3A_560 = arith.constant 0 : i32
    %dma_wait3A_561 = arith.constant 0 : i32
    %dma_wait3A_562 = tpu.memref_slice %arg2[%dma_wait3A_560, %dma_wait3A_561] : memref<4096x128xf32, #tpu.memory_space<hbm>> -> memref<256x128xf32, #tpu.memory_space<hbm>>
    tpu.wait_dma2 semaphore(%arg10 : memref<!tpu.dma_semaphore, #tpu.memory_space<semaphore_mem>>) src(%dma_wait3A_562 : memref<256x128xf32, #tpu.memory_space<hbm>>) dst(%arg8 : memref<256x128xf32, #tpu.memory_space<vmem>>)
    %add3A_563 = arith.constant 3328 : i32
    %add3A_564 = arith.addi %mul3A_2, %add3A_563 : i32
    %dma_start3A_565 = arith.constant 0 : i32
    %dma_start3A_566 = tpu.memref_slice %arg4[%add3A_564, %dma_start3A_565] : memref<204800x128xf32, #tpu.memory_space<hbm>> -> memref<256x128xf32, #tpu.memory_space<hbm>>
    %dma_start3A_567 = arith.constant 0 : i32
    %dma_start3A_568 = tpu.memref_slice %arg4[%add3A_564, %dma_start3A_567] : memref<204800x128xf32, #tpu.memory_space<hbm>> -> memref<256x128xf32, #tpu.memory_space<hbm>>
    tpu.enqueue_dma source(%arg8 : memref<256x128xf32, #tpu.memory_space<vmem>>) target(%dma_start3A_568 : memref<256x128xf32, #tpu.memory_space<hbm>>) target_semaphore(%arg12 : memref<!tpu.dma_semaphore, #tpu.memory_space<semaphore_mem>>)
    %dma_wait3A_569 = arith.constant 0 : i32
    %dma_wait3A_570 = arith.constant 0 : i32
    %dma_wait3A_571 = tpu.memref_slice %arg2[%dma_wait3A_569, %dma_wait3A_570] : memref<4096x128xf32, #tpu.memory_space<hbm>> -> memref<256x128xf32, #tpu.memory_space<hbm>>
    %dma_wait3A_572 = arith.constant 0 : i32
    %dma_wait3A_573 = arith.constant 0 : i32
    %dma_wait3A_574 = tpu.memref_slice %arg2[%dma_wait3A_572, %dma_wait3A_573] : memref<4096x128xf32, #tpu.memory_space<hbm>> -> memref<256x128xf32, #tpu.memory_space<hbm>>
    tpu.wait_dma2 semaphore(%arg11 : memref<!tpu.dma_semaphore, #tpu.memory_space<semaphore_mem>>) src(%dma_wait3A_574 : memref<256x128xf32, #tpu.memory_space<hbm>>) dst(%arg7 : memref<256x128xf32, #tpu.memory_space<vmem>>)
    %dma_start3A_575 = arith.constant 0 : i32
    %dma_start3A_576 = arith.constant 0 : i32
    %dma_start3A_577 = tpu.memref_slice %arg7[%dma_start3A_575, %dma_start3A_576] : memref<256x128xf32, #tpu.memory_space<vmem>> -> memref<128x128xf32, #tpu.memory_space<vmem>>
    %dma_start3A_578 = arith.constant 3584 : i32
    %dma_start3A_579 = tpu.memref_slice %arg6[%dma_start3A_578] : memref<6400xi32, #tpu.memory_space<vmem>> -> memref<128xi32, #tpu.memory_space<vmem>>
    %dma_start3A_580 = arith.constant 0 : i32
    %dma_start3A_581 = arith.constant 0 : i32
    %dma_start3A_582 = tpu.memref_slice %arg5[%dma_start3A_580, %dma_start3A_581] : memref<4096x128xf32, #tpu.memory_space<vmem_shared>> -> memref<4096x128xf32, #tpu.memory_space<vmem_shared>>
    tpu.enqueue_indirect_dma source(%dma_start3A_582 : memref<4096x128xf32, #tpu.memory_space<vmem_shared>>) target(%dma_start3A_577 : memref<128x128xf32, #tpu.memory_space<vmem>>) offsets(%dma_start3A_579 : memref<128xi32, #tpu.memory_space<vmem>>) semaphore(%arg9 : memref<!tpu.dma_semaphore, #tpu.memory_space<semaphore_mem>>)
    %dma_start3A_583 = arith.constant 128 : i32
    %dma_start3A_584 = arith.constant 0 : i32
    %dma_start3A_585 = tpu.memref_slice %arg7[%dma_start3A_583, %dma_start3A_584] : memref<256x128xf32, #tpu.memory_space<vmem>> -> memref<128x128xf32, #tpu.memory_space<vmem>>
    %dma_start3A_586 = arith.constant 3712 : i32
    %dma_start3A_587 = tpu.memref_slice %arg6[%dma_start3A_586] : memref<6400xi32, #tpu.memory_space<vmem>> -> memref<128xi32, #tpu.memory_space<vmem>>
    %dma_start3A_588 = arith.constant 0 : i32
    %dma_start3A_589 = arith.constant 0 : i32
    %dma_start3A_590 = tpu.memref_slice %arg5[%dma_start3A_588, %dma_start3A_589] : memref<4096x128xf32, #tpu.memory_space<vmem_shared>> -> memref<4096x128xf32, #tpu.memory_space<vmem_shared>>
    tpu.enqueue_indirect_dma source(%dma_start3A_590 : memref<4096x128xf32, #tpu.memory_space<vmem_shared>>) target(%dma_start3A_585 : memref<128x128xf32, #tpu.memory_space<vmem>>) offsets(%dma_start3A_587 : memref<128xi32, #tpu.memory_space<vmem>>) semaphore(%arg9 : memref<!tpu.dma_semaphore, #tpu.memory_space<semaphore_mem>>)
    %dma_wait3A_591 = arith.constant 0 : i32
    %dma_wait3A_592 = arith.constant 0 : i32
    %dma_wait3A_593 = tpu.memref_slice %arg2[%dma_wait3A_591, %dma_wait3A_592] : memref<4096x128xf32, #tpu.memory_space<hbm>> -> memref<256x128xf32, #tpu.memory_space<hbm>>
    %dma_wait3A_594 = arith.constant 0 : i32
    %dma_wait3A_595 = arith.constant 0 : i32
    %dma_wait3A_596 = tpu.memref_slice %arg2[%dma_wait3A_594, %dma_wait3A_595] : memref<4096x128xf32, #tpu.memory_space<hbm>> -> memref<256x128xf32, #tpu.memory_space<hbm>>
    tpu.wait_dma2 semaphore(%arg9 : memref<!tpu.dma_semaphore, #tpu.memory_space<semaphore_mem>>) src(%dma_wait3A_596 : memref<256x128xf32, #tpu.memory_space<hbm>>) dst(%arg7 : memref<256x128xf32, #tpu.memory_space<vmem>>)
    %add3A_597 = arith.constant 3584 : i32
    %add3A_598 = arith.addi %mul3A_2, %add3A_597 : i32
    %dma_start3A_599 = arith.constant 0 : i32
    %dma_start3A_600 = tpu.memref_slice %arg4[%add3A_598, %dma_start3A_599] : memref<204800x128xf32, #tpu.memory_space<hbm>> -> memref<256x128xf32, #tpu.memory_space<hbm>>
    %dma_start3A_601 = arith.constant 0 : i32
    %dma_start3A_602 = tpu.memref_slice %arg4[%add3A_598, %dma_start3A_601] : memref<204800x128xf32, #tpu.memory_space<hbm>> -> memref<256x128xf32, #tpu.memory_space<hbm>>
    tpu.enqueue_dma source(%arg7 : memref<256x128xf32, #tpu.memory_space<vmem>>) target(%dma_start3A_602 : memref<256x128xf32, #tpu.memory_space<hbm>>) target_semaphore(%arg11 : memref<!tpu.dma_semaphore, #tpu.memory_space<semaphore_mem>>)
    %dma_wait3A_603 = arith.constant 0 : i32
    %dma_wait3A_604 = arith.constant 0 : i32
    %dma_wait3A_605 = tpu.memref_slice %arg2[%dma_wait3A_603, %dma_wait3A_604] : memref<4096x128xf32, #tpu.memory_space<hbm>> -> memref<256x128xf32, #tpu.memory_space<hbm>>
    %dma_wait3A_606 = arith.constant 0 : i32
    %dma_wait3A_607 = arith.constant 0 : i32
    %dma_wait3A_608 = tpu.memref_slice %arg2[%dma_wait3A_606, %dma_wait3A_607] : memref<4096x128xf32, #tpu.memory_space<hbm>> -> memref<256x128xf32, #tpu.memory_space<hbm>>
    tpu.wait_dma2 semaphore(%arg12 : memref<!tpu.dma_semaphore, #tpu.memory_space<semaphore_mem>>) src(%dma_wait3A_608 : memref<256x128xf32, #tpu.memory_space<hbm>>) dst(%arg8 : memref<256x128xf32, #tpu.memory_space<vmem>>)
    %dma_start3A_609 = arith.constant 0 : i32
    %dma_start3A_610 = arith.constant 0 : i32
    %dma_start3A_611 = tpu.memref_slice %arg8[%dma_start3A_609, %dma_start3A_610] : memref<256x128xf32, #tpu.memory_space<vmem>> -> memref<128x128xf32, #tpu.memory_space<vmem>>
    %dma_start3A_612 = arith.constant 3840 : i32
    %dma_start3A_613 = tpu.memref_slice %arg6[%dma_start3A_612] : memref<6400xi32, #tpu.memory_space<vmem>> -> memref<128xi32, #tpu.memory_space<vmem>>
    %dma_start3A_614 = arith.constant 0 : i32
    %dma_start3A_615 = arith.constant 0 : i32
    %dma_start3A_616 = tpu.memref_slice %arg5[%dma_start3A_614, %dma_start3A_615] : memref<4096x128xf32, #tpu.memory_space<vmem_shared>> -> memref<4096x128xf32, #tpu.memory_space<vmem_shared>>
    tpu.enqueue_indirect_dma source(%dma_start3A_616 : memref<4096x128xf32, #tpu.memory_space<vmem_shared>>) target(%dma_start3A_611 : memref<128x128xf32, #tpu.memory_space<vmem>>) offsets(%dma_start3A_613 : memref<128xi32, #tpu.memory_space<vmem>>) semaphore(%arg10 : memref<!tpu.dma_semaphore, #tpu.memory_space<semaphore_mem>>)
    %dma_start3A_617 = arith.constant 128 : i32
    %dma_start3A_618 = arith.constant 0 : i32
    %dma_start3A_619 = tpu.memref_slice %arg8[%dma_start3A_617, %dma_start3A_618] : memref<256x128xf32, #tpu.memory_space<vmem>> -> memref<128x128xf32, #tpu.memory_space<vmem>>
    %dma_start3A_620 = arith.constant 3968 : i32
    %dma_start3A_621 = tpu.memref_slice %arg6[%dma_start3A_620] : memref<6400xi32, #tpu.memory_space<vmem>> -> memref<128xi32, #tpu.memory_space<vmem>>
    %dma_start3A_622 = arith.constant 0 : i32
    %dma_start3A_623 = arith.constant 0 : i32
    %dma_start3A_624 = tpu.memref_slice %arg5[%dma_start3A_622, %dma_start3A_623] : memref<4096x128xf32, #tpu.memory_space<vmem_shared>> -> memref<4096x128xf32, #tpu.memory_space<vmem_shared>>
    tpu.enqueue_indirect_dma source(%dma_start3A_624 : memref<4096x128xf32, #tpu.memory_space<vmem_shared>>) target(%dma_start3A_619 : memref<128x128xf32, #tpu.memory_space<vmem>>) offsets(%dma_start3A_621 : memref<128xi32, #tpu.memory_space<vmem>>) semaphore(%arg10 : memref<!tpu.dma_semaphore, #tpu.memory_space<semaphore_mem>>)
    %dma_wait3A_625 = arith.constant 0 : i32
    %dma_wait3A_626 = arith.constant 0 : i32
    %dma_wait3A_627 = tpu.memref_slice %arg2[%dma_wait3A_625, %dma_wait3A_626] : memref<4096x128xf32, #tpu.memory_space<hbm>> -> memref<256x128xf32, #tpu.memory_space<hbm>>
    %dma_wait3A_628 = arith.constant 0 : i32
    %dma_wait3A_629 = arith.constant 0 : i32
    %dma_wait3A_630 = tpu.memref_slice %arg2[%dma_wait3A_628, %dma_wait3A_629] : memref<4096x128xf32, #tpu.memory_space<hbm>> -> memref<256x128xf32, #tpu.memory_space<hbm>>
    tpu.wait_dma2 semaphore(%arg10 : memref<!tpu.dma_semaphore, #tpu.memory_space<semaphore_mem>>) src(%dma_wait3A_630 : memref<256x128xf32, #tpu.memory_space<hbm>>) dst(%arg8 : memref<256x128xf32, #tpu.memory_space<vmem>>)
    %add3A_631 = arith.constant 3840 : i32
    %add3A_632 = arith.addi %mul3A_2, %add3A_631 : i32
    %dma_start3A_633 = arith.constant 0 : i32
    %dma_start3A_634 = tpu.memref_slice %arg4[%add3A_632, %dma_start3A_633] : memref<204800x128xf32, #tpu.memory_space<hbm>> -> memref<256x128xf32, #tpu.memory_space<hbm>>
    %dma_start3A_635 = arith.constant 0 : i32
    %dma_start3A_636 = tpu.memref_slice %arg4[%add3A_632, %dma_start3A_635] : memref<204800x128xf32, #tpu.memory_space<hbm>> -> memref<256x128xf32, #tpu.memory_space<hbm>>
    tpu.enqueue_dma source(%arg8 : memref<256x128xf32, #tpu.memory_space<vmem>>) target(%dma_start3A_636 : memref<256x128xf32, #tpu.memory_space<hbm>>) target_semaphore(%arg12 : memref<!tpu.dma_semaphore, #tpu.memory_space<semaphore_mem>>)
    %dma_wait3A_637 = arith.constant 0 : i32
    %dma_wait3A_638 = arith.constant 0 : i32
    %dma_wait3A_639 = tpu.memref_slice %arg2[%dma_wait3A_637, %dma_wait3A_638] : memref<4096x128xf32, #tpu.memory_space<hbm>> -> memref<256x128xf32, #tpu.memory_space<hbm>>
    %dma_wait3A_640 = arith.constant 0 : i32
    %dma_wait3A_641 = arith.constant 0 : i32
    %dma_wait3A_642 = tpu.memref_slice %arg2[%dma_wait3A_640, %dma_wait3A_641] : memref<4096x128xf32, #tpu.memory_space<hbm>> -> memref<256x128xf32, #tpu.memory_space<hbm>>
    tpu.wait_dma2 semaphore(%arg11 : memref<!tpu.dma_semaphore, #tpu.memory_space<semaphore_mem>>) src(%dma_wait3A_642 : memref<256x128xf32, #tpu.memory_space<hbm>>) dst(%arg7 : memref<256x128xf32, #tpu.memory_space<vmem>>)
    %dma_start3A_643 = arith.constant 0 : i32
    %dma_start3A_644 = arith.constant 0 : i32
    %dma_start3A_645 = tpu.memref_slice %arg7[%dma_start3A_643, %dma_start3A_644] : memref<256x128xf32, #tpu.memory_space<vmem>> -> memref<128x128xf32, #tpu.memory_space<vmem>>
    %dma_start3A_646 = arith.constant 4096 : i32
    %dma_start3A_647 = tpu.memref_slice %arg6[%dma_start3A_646] : memref<6400xi32, #tpu.memory_space<vmem>> -> memref<128xi32, #tpu.memory_space<vmem>>
    %dma_start3A_648 = arith.constant 0 : i32
    %dma_start3A_649 = arith.constant 0 : i32
    %dma_start3A_650 = tpu.memref_slice %arg5[%dma_start3A_648, %dma_start3A_649] : memref<4096x128xf32, #tpu.memory_space<vmem_shared>> -> memref<4096x128xf32, #tpu.memory_space<vmem_shared>>
    tpu.enqueue_indirect_dma source(%dma_start3A_650 : memref<4096x128xf32, #tpu.memory_space<vmem_shared>>) target(%dma_start3A_645 : memref<128x128xf32, #tpu.memory_space<vmem>>) offsets(%dma_start3A_647 : memref<128xi32, #tpu.memory_space<vmem>>) semaphore(%arg9 : memref<!tpu.dma_semaphore, #tpu.memory_space<semaphore_mem>>)
    %dma_start3A_651 = arith.constant 128 : i32
    %dma_start3A_652 = arith.constant 0 : i32
    %dma_start3A_653 = tpu.memref_slice %arg7[%dma_start3A_651, %dma_start3A_652] : memref<256x128xf32, #tpu.memory_space<vmem>> -> memref<128x128xf32, #tpu.memory_space<vmem>>
    %dma_start3A_654 = arith.constant 4224 : i32
    %dma_start3A_655 = tpu.memref_slice %arg6[%dma_start3A_654] : memref<6400xi32, #tpu.memory_space<vmem>> -> memref<128xi32, #tpu.memory_space<vmem>>
    %dma_start3A_656 = arith.constant 0 : i32
    %dma_start3A_657 = arith.constant 0 : i32
    %dma_start3A_658 = tpu.memref_slice %arg5[%dma_start3A_656, %dma_start3A_657] : memref<4096x128xf32, #tpu.memory_space<vmem_shared>> -> memref<4096x128xf32, #tpu.memory_space<vmem_shared>>
    tpu.enqueue_indirect_dma source(%dma_start3A_658 : memref<4096x128xf32, #tpu.memory_space<vmem_shared>>) target(%dma_start3A_653 : memref<128x128xf32, #tpu.memory_space<vmem>>) offsets(%dma_start3A_655 : memref<128xi32, #tpu.memory_space<vmem>>) semaphore(%arg9 : memref<!tpu.dma_semaphore, #tpu.memory_space<semaphore_mem>>)
    %dma_wait3A_659 = arith.constant 0 : i32
    %dma_wait3A_660 = arith.constant 0 : i32
    %dma_wait3A_661 = tpu.memref_slice %arg2[%dma_wait3A_659, %dma_wait3A_660] : memref<4096x128xf32, #tpu.memory_space<hbm>> -> memref<256x128xf32, #tpu.memory_space<hbm>>
    %dma_wait3A_662 = arith.constant 0 : i32
    %dma_wait3A_663 = arith.constant 0 : i32
    %dma_wait3A_664 = tpu.memref_slice %arg2[%dma_wait3A_662, %dma_wait3A_663] : memref<4096x128xf32, #tpu.memory_space<hbm>> -> memref<256x128xf32, #tpu.memory_space<hbm>>
    tpu.wait_dma2 semaphore(%arg9 : memref<!tpu.dma_semaphore, #tpu.memory_space<semaphore_mem>>) src(%dma_wait3A_664 : memref<256x128xf32, #tpu.memory_space<hbm>>) dst(%arg7 : memref<256x128xf32, #tpu.memory_space<vmem>>)
    %add3A_665 = arith.constant 4096 : i32
    %add3A_666 = arith.addi %mul3A_2, %add3A_665 : i32
    %dma_start3A_667 = arith.constant 0 : i32
    %dma_start3A_668 = tpu.memref_slice %arg4[%add3A_666, %dma_start3A_667] : memref<204800x128xf32, #tpu.memory_space<hbm>> -> memref<256x128xf32, #tpu.memory_space<hbm>>
    %dma_start3A_669 = arith.constant 0 : i32
    %dma_start3A_670 = tpu.memref_slice %arg4[%add3A_666, %dma_start3A_669] : memref<204800x128xf32, #tpu.memory_space<hbm>> -> memref<256x128xf32, #tpu.memory_space<hbm>>
    tpu.enqueue_dma source(%arg7 : memref<256x128xf32, #tpu.memory_space<vmem>>) target(%dma_start3A_670 : memref<256x128xf32, #tpu.memory_space<hbm>>) target_semaphore(%arg11 : memref<!tpu.dma_semaphore, #tpu.memory_space<semaphore_mem>>)
    %dma_wait3A_671 = arith.constant 0 : i32
    %dma_wait3A_672 = arith.constant 0 : i32
    %dma_wait3A_673 = tpu.memref_slice %arg2[%dma_wait3A_671, %dma_wait3A_672] : memref<4096x128xf32, #tpu.memory_space<hbm>> -> memref<256x128xf32, #tpu.memory_space<hbm>>
    %dma_wait3A_674 = arith.constant 0 : i32
    %dma_wait3A_675 = arith.constant 0 : i32
    %dma_wait3A_676 = tpu.memref_slice %arg2[%dma_wait3A_674, %dma_wait3A_675] : memref<4096x128xf32, #tpu.memory_space<hbm>> -> memref<256x128xf32, #tpu.memory_space<hbm>>
    tpu.wait_dma2 semaphore(%arg12 : memref<!tpu.dma_semaphore, #tpu.memory_space<semaphore_mem>>) src(%dma_wait3A_676 : memref<256x128xf32, #tpu.memory_space<hbm>>) dst(%arg8 : memref<256x128xf32, #tpu.memory_space<vmem>>)
    %dma_start3A_677 = arith.constant 0 : i32
    %dma_start3A_678 = arith.constant 0 : i32
    %dma_start3A_679 = tpu.memref_slice %arg8[%dma_start3A_677, %dma_start3A_678] : memref<256x128xf32, #tpu.memory_space<vmem>> -> memref<128x128xf32, #tpu.memory_space<vmem>>
    %dma_start3A_680 = arith.constant 4352 : i32
    %dma_start3A_681 = tpu.memref_slice %arg6[%dma_start3A_680] : memref<6400xi32, #tpu.memory_space<vmem>> -> memref<128xi32, #tpu.memory_space<vmem>>
    %dma_start3A_682 = arith.constant 0 : i32
    %dma_start3A_683 = arith.constant 0 : i32
    %dma_start3A_684 = tpu.memref_slice %arg5[%dma_start3A_682, %dma_start3A_683] : memref<4096x128xf32, #tpu.memory_space<vmem_shared>> -> memref<4096x128xf32, #tpu.memory_space<vmem_shared>>
    tpu.enqueue_indirect_dma source(%dma_start3A_684 : memref<4096x128xf32, #tpu.memory_space<vmem_shared>>) target(%dma_start3A_679 : memref<128x128xf32, #tpu.memory_space<vmem>>) offsets(%dma_start3A_681 : memref<128xi32, #tpu.memory_space<vmem>>) semaphore(%arg10 : memref<!tpu.dma_semaphore, #tpu.memory_space<semaphore_mem>>)
    %dma_start3A_685 = arith.constant 128 : i32
    %dma_start3A_686 = arith.constant 0 : i32
    %dma_start3A_687 = tpu.memref_slice %arg8[%dma_start3A_685, %dma_start3A_686] : memref<256x128xf32, #tpu.memory_space<vmem>> -> memref<128x128xf32, #tpu.memory_space<vmem>>
    %dma_start3A_688 = arith.constant 4480 : i32
    %dma_start3A_689 = tpu.memref_slice %arg6[%dma_start3A_688] : memref<6400xi32, #tpu.memory_space<vmem>> -> memref<128xi32, #tpu.memory_space<vmem>>
    %dma_start3A_690 = arith.constant 0 : i32
    %dma_start3A_691 = arith.constant 0 : i32
    %dma_start3A_692 = tpu.memref_slice %arg5[%dma_start3A_690, %dma_start3A_691] : memref<4096x128xf32, #tpu.memory_space<vmem_shared>> -> memref<4096x128xf32, #tpu.memory_space<vmem_shared>>
    tpu.enqueue_indirect_dma source(%dma_start3A_692 : memref<4096x128xf32, #tpu.memory_space<vmem_shared>>) target(%dma_start3A_687 : memref<128x128xf32, #tpu.memory_space<vmem>>) offsets(%dma_start3A_689 : memref<128xi32, #tpu.memory_space<vmem>>) semaphore(%arg10 : memref<!tpu.dma_semaphore, #tpu.memory_space<semaphore_mem>>)
    %dma_wait3A_693 = arith.constant 0 : i32
    %dma_wait3A_694 = arith.constant 0 : i32
    %dma_wait3A_695 = tpu.memref_slice %arg2[%dma_wait3A_693, %dma_wait3A_694] : memref<4096x128xf32, #tpu.memory_space<hbm>> -> memref<256x128xf32, #tpu.memory_space<hbm>>
    %dma_wait3A_696 = arith.constant 0 : i32
    %dma_wait3A_697 = arith.constant 0 : i32
    %dma_wait3A_698 = tpu.memref_slice %arg2[%dma_wait3A_696, %dma_wait3A_697] : memref<4096x128xf32, #tpu.memory_space<hbm>> -> memref<256x128xf32, #tpu.memory_space<hbm>>
    tpu.wait_dma2 semaphore(%arg10 : memref<!tpu.dma_semaphore, #tpu.memory_space<semaphore_mem>>) src(%dma_wait3A_698 : memref<256x128xf32, #tpu.memory_space<hbm>>) dst(%arg8 : memref<256x128xf32, #tpu.memory_space<vmem>>)
    %add3A_699 = arith.constant 4352 : i32
    %add3A_700 = arith.addi %mul3A_2, %add3A_699 : i32
    %dma_start3A_701 = arith.constant 0 : i32
    %dma_start3A_702 = tpu.memref_slice %arg4[%add3A_700, %dma_start3A_701] : memref<204800x128xf32, #tpu.memory_space<hbm>> -> memref<256x128xf32, #tpu.memory_space<hbm>>
    %dma_start3A_703 = arith.constant 0 : i32
    %dma_start3A_704 = tpu.memref_slice %arg4[%add3A_700, %dma_start3A_703] : memref<204800x128xf32, #tpu.memory_space<hbm>> -> memref<256x128xf32, #tpu.memory_space<hbm>>
    tpu.enqueue_dma source(%arg8 : memref<256x128xf32, #tpu.memory_space<vmem>>) target(%dma_start3A_704 : memref<256x128xf32, #tpu.memory_space<hbm>>) target_semaphore(%arg12 : memref<!tpu.dma_semaphore, #tpu.memory_space<semaphore_mem>>)
    %dma_wait3A_705 = arith.constant 0 : i32
    %dma_wait3A_706 = arith.constant 0 : i32
    %dma_wait3A_707 = tpu.memref_slice %arg2[%dma_wait3A_705, %dma_wait3A_706] : memref<4096x128xf32, #tpu.memory_space<hbm>> -> memref<256x128xf32, #tpu.memory_space<hbm>>
    %dma_wait3A_708 = arith.constant 0 : i32
    %dma_wait3A_709 = arith.constant 0 : i32
    %dma_wait3A_710 = tpu.memref_slice %arg2[%dma_wait3A_708, %dma_wait3A_709] : memref<4096x128xf32, #tpu.memory_space<hbm>> -> memref<256x128xf32, #tpu.memory_space<hbm>>
    tpu.wait_dma2 semaphore(%arg11 : memref<!tpu.dma_semaphore, #tpu.memory_space<semaphore_mem>>) src(%dma_wait3A_710 : memref<256x128xf32, #tpu.memory_space<hbm>>) dst(%arg7 : memref<256x128xf32, #tpu.memory_space<vmem>>)
    %dma_start3A_711 = arith.constant 0 : i32
    %dma_start3A_712 = arith.constant 0 : i32
    %dma_start3A_713 = tpu.memref_slice %arg7[%dma_start3A_711, %dma_start3A_712] : memref<256x128xf32, #tpu.memory_space<vmem>> -> memref<128x128xf32, #tpu.memory_space<vmem>>
    %dma_start3A_714 = arith.constant 4608 : i32
    %dma_start3A_715 = tpu.memref_slice %arg6[%dma_start3A_714] : memref<6400xi32, #tpu.memory_space<vmem>> -> memref<128xi32, #tpu.memory_space<vmem>>
    %dma_start3A_716 = arith.constant 0 : i32
    %dma_start3A_717 = arith.constant 0 : i32
    %dma_start3A_718 = tpu.memref_slice %arg5[%dma_start3A_716, %dma_start3A_717] : memref<4096x128xf32, #tpu.memory_space<vmem_shared>> -> memref<4096x128xf32, #tpu.memory_space<vmem_shared>>
    tpu.enqueue_indirect_dma source(%dma_start3A_718 : memref<4096x128xf32, #tpu.memory_space<vmem_shared>>) target(%dma_start3A_713 : memref<128x128xf32, #tpu.memory_space<vmem>>) offsets(%dma_start3A_715 : memref<128xi32, #tpu.memory_space<vmem>>) semaphore(%arg9 : memref<!tpu.dma_semaphore, #tpu.memory_space<semaphore_mem>>)
    %dma_start3A_719 = arith.constant 128 : i32
    %dma_start3A_720 = arith.constant 0 : i32
    %dma_start3A_721 = tpu.memref_slice %arg7[%dma_start3A_719, %dma_start3A_720] : memref<256x128xf32, #tpu.memory_space<vmem>> -> memref<128x128xf32, #tpu.memory_space<vmem>>
    %dma_start3A_722 = arith.constant 4736 : i32
    %dma_start3A_723 = tpu.memref_slice %arg6[%dma_start3A_722] : memref<6400xi32, #tpu.memory_space<vmem>> -> memref<128xi32, #tpu.memory_space<vmem>>
    %dma_start3A_724 = arith.constant 0 : i32
    %dma_start3A_725 = arith.constant 0 : i32
    %dma_start3A_726 = tpu.memref_slice %arg5[%dma_start3A_724, %dma_start3A_725] : memref<4096x128xf32, #tpu.memory_space<vmem_shared>> -> memref<4096x128xf32, #tpu.memory_space<vmem_shared>>
    tpu.enqueue_indirect_dma source(%dma_start3A_726 : memref<4096x128xf32, #tpu.memory_space<vmem_shared>>) target(%dma_start3A_721 : memref<128x128xf32, #tpu.memory_space<vmem>>) offsets(%dma_start3A_723 : memref<128xi32, #tpu.memory_space<vmem>>) semaphore(%arg9 : memref<!tpu.dma_semaphore, #tpu.memory_space<semaphore_mem>>)
    %dma_wait3A_727 = arith.constant 0 : i32
    %dma_wait3A_728 = arith.constant 0 : i32
    %dma_wait3A_729 = tpu.memref_slice %arg2[%dma_wait3A_727, %dma_wait3A_728] : memref<4096x128xf32, #tpu.memory_space<hbm>> -> memref<256x128xf32, #tpu.memory_space<hbm>>
    %dma_wait3A_730 = arith.constant 0 : i32
    %dma_wait3A_731 = arith.constant 0 : i32
    %dma_wait3A_732 = tpu.memref_slice %arg2[%dma_wait3A_730, %dma_wait3A_731] : memref<4096x128xf32, #tpu.memory_space<hbm>> -> memref<256x128xf32, #tpu.memory_space<hbm>>
    tpu.wait_dma2 semaphore(%arg9 : memref<!tpu.dma_semaphore, #tpu.memory_space<semaphore_mem>>) src(%dma_wait3A_732 : memref<256x128xf32, #tpu.memory_space<hbm>>) dst(%arg7 : memref<256x128xf32, #tpu.memory_space<vmem>>)
    %add3A_733 = arith.constant 4608 : i32
    %add3A_734 = arith.addi %mul3A_2, %add3A_733 : i32
    %dma_start3A_735 = arith.constant 0 : i32
    %dma_start3A_736 = tpu.memref_slice %arg4[%add3A_734, %dma_start3A_735] : memref<204800x128xf32, #tpu.memory_space<hbm>> -> memref<256x128xf32, #tpu.memory_space<hbm>>
    %dma_start3A_737 = arith.constant 0 : i32
    %dma_start3A_738 = tpu.memref_slice %arg4[%add3A_734, %dma_start3A_737] : memref<204800x128xf32, #tpu.memory_space<hbm>> -> memref<256x128xf32, #tpu.memory_space<hbm>>
    tpu.enqueue_dma source(%arg7 : memref<256x128xf32, #tpu.memory_space<vmem>>) target(%dma_start3A_738 : memref<256x128xf32, #tpu.memory_space<hbm>>) target_semaphore(%arg11 : memref<!tpu.dma_semaphore, #tpu.memory_space<semaphore_mem>>)
    %dma_wait3A_739 = arith.constant 0 : i32
    %dma_wait3A_740 = arith.constant 0 : i32
    %dma_wait3A_741 = tpu.memref_slice %arg2[%dma_wait3A_739, %dma_wait3A_740] : memref<4096x128xf32, #tpu.memory_space<hbm>> -> memref<256x128xf32, #tpu.memory_space<hbm>>
    %dma_wait3A_742 = arith.constant 0 : i32
    %dma_wait3A_743 = arith.constant 0 : i32
    %dma_wait3A_744 = tpu.memref_slice %arg2[%dma_wait3A_742, %dma_wait3A_743] : memref<4096x128xf32, #tpu.memory_space<hbm>> -> memref<256x128xf32, #tpu.memory_space<hbm>>
    tpu.wait_dma2 semaphore(%arg12 : memref<!tpu.dma_semaphore, #tpu.memory_space<semaphore_mem>>) src(%dma_wait3A_744 : memref<256x128xf32, #tpu.memory_space<hbm>>) dst(%arg8 : memref<256x128xf32, #tpu.memory_space<vmem>>)
    %dma_start3A_745 = arith.constant 0 : i32
    %dma_start3A_746 = arith.constant 0 : i32
    %dma_start3A_747 = tpu.memref_slice %arg8[%dma_start3A_745, %dma_start3A_746] : memref<256x128xf32, #tpu.memory_space<vmem>> -> memref<128x128xf32, #tpu.memory_space<vmem>>
    %dma_start3A_748 = arith.constant 4864 : i32
    %dma_start3A_749 = tpu.memref_slice %arg6[%dma_start3A_748] : memref<6400xi32, #tpu.memory_space<vmem>> -> memref<128xi32, #tpu.memory_space<vmem>>
    %dma_start3A_750 = arith.constant 0 : i32
    %dma_start3A_751 = arith.constant 0 : i32
    %dma_start3A_752 = tpu.memref_slice %arg5[%dma_start3A_750, %dma_start3A_751] : memref<4096x128xf32, #tpu.memory_space<vmem_shared>> -> memref<4096x128xf32, #tpu.memory_space<vmem_shared>>
    tpu.enqueue_indirect_dma source(%dma_start3A_752 : memref<4096x128xf32, #tpu.memory_space<vmem_shared>>) target(%dma_start3A_747 : memref<128x128xf32, #tpu.memory_space<vmem>>) offsets(%dma_start3A_749 : memref<128xi32, #tpu.memory_space<vmem>>) semaphore(%arg10 : memref<!tpu.dma_semaphore, #tpu.memory_space<semaphore_mem>>)
    %dma_start3A_753 = arith.constant 128 : i32
    %dma_start3A_754 = arith.constant 0 : i32
    %dma_start3A_755 = tpu.memref_slice %arg8[%dma_start3A_753, %dma_start3A_754] : memref<256x128xf32, #tpu.memory_space<vmem>> -> memref<128x128xf32, #tpu.memory_space<vmem>>
    %dma_start3A_756 = arith.constant 4992 : i32
    %dma_start3A_757 = tpu.memref_slice %arg6[%dma_start3A_756] : memref<6400xi32, #tpu.memory_space<vmem>> -> memref<128xi32, #tpu.memory_space<vmem>>
    %dma_start3A_758 = arith.constant 0 : i32
    %dma_start3A_759 = arith.constant 0 : i32
    %dma_start3A_760 = tpu.memref_slice %arg5[%dma_start3A_758, %dma_start3A_759] : memref<4096x128xf32, #tpu.memory_space<vmem_shared>> -> memref<4096x128xf32, #tpu.memory_space<vmem_shared>>
    tpu.enqueue_indirect_dma source(%dma_start3A_760 : memref<4096x128xf32, #tpu.memory_space<vmem_shared>>) target(%dma_start3A_755 : memref<128x128xf32, #tpu.memory_space<vmem>>) offsets(%dma_start3A_757 : memref<128xi32, #tpu.memory_space<vmem>>) semaphore(%arg10 : memref<!tpu.dma_semaphore, #tpu.memory_space<semaphore_mem>>)
    %dma_wait3A_761 = arith.constant 0 : i32
    %dma_wait3A_762 = arith.constant 0 : i32
    %dma_wait3A_763 = tpu.memref_slice %arg2[%dma_wait3A_761, %dma_wait3A_762] : memref<4096x128xf32, #tpu.memory_space<hbm>> -> memref<256x128xf32, #tpu.memory_space<hbm>>
    %dma_wait3A_764 = arith.constant 0 : i32
    %dma_wait3A_765 = arith.constant 0 : i32
    %dma_wait3A_766 = tpu.memref_slice %arg2[%dma_wait3A_764, %dma_wait3A_765] : memref<4096x128xf32, #tpu.memory_space<hbm>> -> memref<256x128xf32, #tpu.memory_space<hbm>>
    tpu.wait_dma2 semaphore(%arg10 : memref<!tpu.dma_semaphore, #tpu.memory_space<semaphore_mem>>) src(%dma_wait3A_766 : memref<256x128xf32, #tpu.memory_space<hbm>>) dst(%arg8 : memref<256x128xf32, #tpu.memory_space<vmem>>)
    %add3A_767 = arith.constant 4864 : i32
    %add3A_768 = arith.addi %mul3A_2, %add3A_767 : i32
    %dma_start3A_769 = arith.constant 0 : i32
    %dma_start3A_770 = tpu.memref_slice %arg4[%add3A_768, %dma_start3A_769] : memref<204800x128xf32, #tpu.memory_space<hbm>> -> memref<256x128xf32, #tpu.memory_space<hbm>>
    %dma_start3A_771 = arith.constant 0 : i32
    %dma_start3A_772 = tpu.memref_slice %arg4[%add3A_768, %dma_start3A_771] : memref<204800x128xf32, #tpu.memory_space<hbm>> -> memref<256x128xf32, #tpu.memory_space<hbm>>
    tpu.enqueue_dma source(%arg8 : memref<256x128xf32, #tpu.memory_space<vmem>>) target(%dma_start3A_772 : memref<256x128xf32, #tpu.memory_space<hbm>>) target_semaphore(%arg12 : memref<!tpu.dma_semaphore, #tpu.memory_space<semaphore_mem>>)
    %dma_wait3A_773 = arith.constant 0 : i32
    %dma_wait3A_774 = arith.constant 0 : i32
    %dma_wait3A_775 = tpu.memref_slice %arg2[%dma_wait3A_773, %dma_wait3A_774] : memref<4096x128xf32, #tpu.memory_space<hbm>> -> memref<256x128xf32, #tpu.memory_space<hbm>>
    %dma_wait3A_776 = arith.constant 0 : i32
    %dma_wait3A_777 = arith.constant 0 : i32
    %dma_wait3A_778 = tpu.memref_slice %arg2[%dma_wait3A_776, %dma_wait3A_777] : memref<4096x128xf32, #tpu.memory_space<hbm>> -> memref<256x128xf32, #tpu.memory_space<hbm>>
    tpu.wait_dma2 semaphore(%arg11 : memref<!tpu.dma_semaphore, #tpu.memory_space<semaphore_mem>>) src(%dma_wait3A_778 : memref<256x128xf32, #tpu.memory_space<hbm>>) dst(%arg7 : memref<256x128xf32, #tpu.memory_space<vmem>>)
    %dma_start3A_779 = arith.constant 0 : i32
    %dma_start3A_780 = arith.constant 0 : i32
    %dma_start3A_781 = tpu.memref_slice %arg7[%dma_start3A_779, %dma_start3A_780] : memref<256x128xf32, #tpu.memory_space<vmem>> -> memref<128x128xf32, #tpu.memory_space<vmem>>
    %dma_start3A_782 = arith.constant 5120 : i32
    %dma_start3A_783 = tpu.memref_slice %arg6[%dma_start3A_782] : memref<6400xi32, #tpu.memory_space<vmem>> -> memref<128xi32, #tpu.memory_space<vmem>>
    %dma_start3A_784 = arith.constant 0 : i32
    %dma_start3A_785 = arith.constant 0 : i32
    %dma_start3A_786 = tpu.memref_slice %arg5[%dma_start3A_784, %dma_start3A_785] : memref<4096x128xf32, #tpu.memory_space<vmem_shared>> -> memref<4096x128xf32, #tpu.memory_space<vmem_shared>>
    tpu.enqueue_indirect_dma source(%dma_start3A_786 : memref<4096x128xf32, #tpu.memory_space<vmem_shared>>) target(%dma_start3A_781 : memref<128x128xf32, #tpu.memory_space<vmem>>) offsets(%dma_start3A_783 : memref<128xi32, #tpu.memory_space<vmem>>) semaphore(%arg9 : memref<!tpu.dma_semaphore, #tpu.memory_space<semaphore_mem>>)
    %dma_start3A_787 = arith.constant 128 : i32
    %dma_start3A_788 = arith.constant 0 : i32
    %dma_start3A_789 = tpu.memref_slice %arg7[%dma_start3A_787, %dma_start3A_788] : memref<256x128xf32, #tpu.memory_space<vmem>> -> memref<128x128xf32, #tpu.memory_space<vmem>>
    %dma_start3A_790 = arith.constant 5248 : i32
    %dma_start3A_791 = tpu.memref_slice %arg6[%dma_start3A_790] : memref<6400xi32, #tpu.memory_space<vmem>> -> memref<128xi32, #tpu.memory_space<vmem>>
    %dma_start3A_792 = arith.constant 0 : i32
    %dma_start3A_793 = arith.constant 0 : i32
    %dma_start3A_794 = tpu.memref_slice %arg5[%dma_start3A_792, %dma_start3A_793] : memref<4096x128xf32, #tpu.memory_space<vmem_shared>> -> memref<4096x128xf32, #tpu.memory_space<vmem_shared>>
    tpu.enqueue_indirect_dma source(%dma_start3A_794 : memref<4096x128xf32, #tpu.memory_space<vmem_shared>>) target(%dma_start3A_789 : memref<128x128xf32, #tpu.memory_space<vmem>>) offsets(%dma_start3A_791 : memref<128xi32, #tpu.memory_space<vmem>>) semaphore(%arg9 : memref<!tpu.dma_semaphore, #tpu.memory_space<semaphore_mem>>)
    %dma_wait3A_795 = arith.constant 0 : i32
    %dma_wait3A_796 = arith.constant 0 : i32
    %dma_wait3A_797 = tpu.memref_slice %arg2[%dma_wait3A_795, %dma_wait3A_796] : memref<4096x128xf32, #tpu.memory_space<hbm>> -> memref<256x128xf32, #tpu.memory_space<hbm>>
    %dma_wait3A_798 = arith.constant 0 : i32
    %dma_wait3A_799 = arith.constant 0 : i32
    %dma_wait3A_800 = tpu.memref_slice %arg2[%dma_wait3A_798, %dma_wait3A_799] : memref<4096x128xf32, #tpu.memory_space<hbm>> -> memref<256x128xf32, #tpu.memory_space<hbm>>
    tpu.wait_dma2 semaphore(%arg9 : memref<!tpu.dma_semaphore, #tpu.memory_space<semaphore_mem>>) src(%dma_wait3A_800 : memref<256x128xf32, #tpu.memory_space<hbm>>) dst(%arg7 : memref<256x128xf32, #tpu.memory_space<vmem>>)
    %add3A_801 = arith.constant 5120 : i32
    %add3A_802 = arith.addi %mul3A_2, %add3A_801 : i32
    %dma_start3A_803 = arith.constant 0 : i32
    %dma_start3A_804 = tpu.memref_slice %arg4[%add3A_802, %dma_start3A_803] : memref<204800x128xf32, #tpu.memory_space<hbm>> -> memref<256x128xf32, #tpu.memory_space<hbm>>
    %dma_start3A_805 = arith.constant 0 : i32
    %dma_start3A_806 = tpu.memref_slice %arg4[%add3A_802, %dma_start3A_805] : memref<204800x128xf32, #tpu.memory_space<hbm>> -> memref<256x128xf32, #tpu.memory_space<hbm>>
    tpu.enqueue_dma source(%arg7 : memref<256x128xf32, #tpu.memory_space<vmem>>) target(%dma_start3A_806 : memref<256x128xf32, #tpu.memory_space<hbm>>) target_semaphore(%arg11 : memref<!tpu.dma_semaphore, #tpu.memory_space<semaphore_mem>>)
    %dma_wait3A_807 = arith.constant 0 : i32
    %dma_wait3A_808 = arith.constant 0 : i32
    %dma_wait3A_809 = tpu.memref_slice %arg2[%dma_wait3A_807, %dma_wait3A_808] : memref<4096x128xf32, #tpu.memory_space<hbm>> -> memref<256x128xf32, #tpu.memory_space<hbm>>
    %dma_wait3A_810 = arith.constant 0 : i32
    %dma_wait3A_811 = arith.constant 0 : i32
    %dma_wait3A_812 = tpu.memref_slice %arg2[%dma_wait3A_810, %dma_wait3A_811] : memref<4096x128xf32, #tpu.memory_space<hbm>> -> memref<256x128xf32, #tpu.memory_space<hbm>>
    tpu.wait_dma2 semaphore(%arg12 : memref<!tpu.dma_semaphore, #tpu.memory_space<semaphore_mem>>) src(%dma_wait3A_812 : memref<256x128xf32, #tpu.memory_space<hbm>>) dst(%arg8 : memref<256x128xf32, #tpu.memory_space<vmem>>)
    %dma_start3A_813 = arith.constant 0 : i32
    %dma_start3A_814 = arith.constant 0 : i32
    %dma_start3A_815 = tpu.memref_slice %arg8[%dma_start3A_813, %dma_start3A_814] : memref<256x128xf32, #tpu.memory_space<vmem>> -> memref<128x128xf32, #tpu.memory_space<vmem>>
    %dma_start3A_816 = arith.constant 5376 : i32
    %dma_start3A_817 = tpu.memref_slice %arg6[%dma_start3A_816] : memref<6400xi32, #tpu.memory_space<vmem>> -> memref<128xi32, #tpu.memory_space<vmem>>
    %dma_start3A_818 = arith.constant 0 : i32
    %dma_start3A_819 = arith.constant 0 : i32
    %dma_start3A_820 = tpu.memref_slice %arg5[%dma_start3A_818, %dma_start3A_819] : memref<4096x128xf32, #tpu.memory_space<vmem_shared>> -> memref<4096x128xf32, #tpu.memory_space<vmem_shared>>
    tpu.enqueue_indirect_dma source(%dma_start3A_820 : memref<4096x128xf32, #tpu.memory_space<vmem_shared>>) target(%dma_start3A_815 : memref<128x128xf32, #tpu.memory_space<vmem>>) offsets(%dma_start3A_817 : memref<128xi32, #tpu.memory_space<vmem>>) semaphore(%arg10 : memref<!tpu.dma_semaphore, #tpu.memory_space<semaphore_mem>>)
    %dma_start3A_821 = arith.constant 128 : i32
    %dma_start3A_822 = arith.constant 0 : i32
    %dma_start3A_823 = tpu.memref_slice %arg8[%dma_start3A_821, %dma_start3A_822] : memref<256x128xf32, #tpu.memory_space<vmem>> -> memref<128x128xf32, #tpu.memory_space<vmem>>
    %dma_start3A_824 = arith.constant 5504 : i32
    %dma_start3A_825 = tpu.memref_slice %arg6[%dma_start3A_824] : memref<6400xi32, #tpu.memory_space<vmem>> -> memref<128xi32, #tpu.memory_space<vmem>>
    %dma_start3A_826 = arith.constant 0 : i32
    %dma_start3A_827 = arith.constant 0 : i32
    %dma_start3A_828 = tpu.memref_slice %arg5[%dma_start3A_826, %dma_start3A_827] : memref<4096x128xf32, #tpu.memory_space<vmem_shared>> -> memref<4096x128xf32, #tpu.memory_space<vmem_shared>>
    tpu.enqueue_indirect_dma source(%dma_start3A_828 : memref<4096x128xf32, #tpu.memory_space<vmem_shared>>) target(%dma_start3A_823 : memref<128x128xf32, #tpu.memory_space<vmem>>) offsets(%dma_start3A_825 : memref<128xi32, #tpu.memory_space<vmem>>) semaphore(%arg10 : memref<!tpu.dma_semaphore, #tpu.memory_space<semaphore_mem>>)
    %dma_wait3A_829 = arith.constant 0 : i32
    %dma_wait3A_830 = arith.constant 0 : i32
    %dma_wait3A_831 = tpu.memref_slice %arg2[%dma_wait3A_829, %dma_wait3A_830] : memref<4096x128xf32, #tpu.memory_space<hbm>> -> memref<256x128xf32, #tpu.memory_space<hbm>>
    %dma_wait3A_832 = arith.constant 0 : i32
    %dma_wait3A_833 = arith.constant 0 : i32
    %dma_wait3A_834 = tpu.memref_slice %arg2[%dma_wait3A_832, %dma_wait3A_833] : memref<4096x128xf32, #tpu.memory_space<hbm>> -> memref<256x128xf32, #tpu.memory_space<hbm>>
    tpu.wait_dma2 semaphore(%arg10 : memref<!tpu.dma_semaphore, #tpu.memory_space<semaphore_mem>>) src(%dma_wait3A_834 : memref<256x128xf32, #tpu.memory_space<hbm>>) dst(%arg8 : memref<256x128xf32, #tpu.memory_space<vmem>>)
    %add3A_835 = arith.constant 5376 : i32
    %add3A_836 = arith.addi %mul3A_2, %add3A_835 : i32
    %dma_start3A_837 = arith.constant 0 : i32
    %dma_start3A_838 = tpu.memref_slice %arg4[%add3A_836, %dma_start3A_837] : memref<204800x128xf32, #tpu.memory_space<hbm>> -> memref<256x128xf32, #tpu.memory_space<hbm>>
    %dma_start3A_839 = arith.constant 0 : i32
    %dma_start3A_840 = tpu.memref_slice %arg4[%add3A_836, %dma_start3A_839] : memref<204800x128xf32, #tpu.memory_space<hbm>> -> memref<256x128xf32, #tpu.memory_space<hbm>>
    tpu.enqueue_dma source(%arg8 : memref<256x128xf32, #tpu.memory_space<vmem>>) target(%dma_start3A_840 : memref<256x128xf32, #tpu.memory_space<hbm>>) target_semaphore(%arg12 : memref<!tpu.dma_semaphore, #tpu.memory_space<semaphore_mem>>)
    %dma_wait3A_841 = arith.constant 0 : i32
    %dma_wait3A_842 = arith.constant 0 : i32
    %dma_wait3A_843 = tpu.memref_slice %arg2[%dma_wait3A_841, %dma_wait3A_842] : memref<4096x128xf32, #tpu.memory_space<hbm>> -> memref<256x128xf32, #tpu.memory_space<hbm>>
    %dma_wait3A_844 = arith.constant 0 : i32
    %dma_wait3A_845 = arith.constant 0 : i32
    %dma_wait3A_846 = tpu.memref_slice %arg2[%dma_wait3A_844, %dma_wait3A_845] : memref<4096x128xf32, #tpu.memory_space<hbm>> -> memref<256x128xf32, #tpu.memory_space<hbm>>
    tpu.wait_dma2 semaphore(%arg11 : memref<!tpu.dma_semaphore, #tpu.memory_space<semaphore_mem>>) src(%dma_wait3A_846 : memref<256x128xf32, #tpu.memory_space<hbm>>) dst(%arg7 : memref<256x128xf32, #tpu.memory_space<vmem>>)
    %dma_start3A_847 = arith.constant 0 : i32
    %dma_start3A_848 = arith.constant 0 : i32
    %dma_start3A_849 = tpu.memref_slice %arg7[%dma_start3A_847, %dma_start3A_848] : memref<256x128xf32, #tpu.memory_space<vmem>> -> memref<128x128xf32, #tpu.memory_space<vmem>>
    %dma_start3A_850 = arith.constant 5632 : i32
    %dma_start3A_851 = tpu.memref_slice %arg6[%dma_start3A_850] : memref<6400xi32, #tpu.memory_space<vmem>> -> memref<128xi32, #tpu.memory_space<vmem>>
    %dma_start3A_852 = arith.constant 0 : i32
    %dma_start3A_853 = arith.constant 0 : i32
    %dma_start3A_854 = tpu.memref_slice %arg5[%dma_start3A_852, %dma_start3A_853] : memref<4096x128xf32, #tpu.memory_space<vmem_shared>> -> memref<4096x128xf32, #tpu.memory_space<vmem_shared>>
    tpu.enqueue_indirect_dma source(%dma_start3A_854 : memref<4096x128xf32, #tpu.memory_space<vmem_shared>>) target(%dma_start3A_849 : memref<128x128xf32, #tpu.memory_space<vmem>>) offsets(%dma_start3A_851 : memref<128xi32, #tpu.memory_space<vmem>>) semaphore(%arg9 : memref<!tpu.dma_semaphore, #tpu.memory_space<semaphore_mem>>)
    %dma_start3A_855 = arith.constant 128 : i32
    %dma_start3A_856 = arith.constant 0 : i32
    %dma_start3A_857 = tpu.memref_slice %arg7[%dma_start3A_855, %dma_start3A_856] : memref<256x128xf32, #tpu.memory_space<vmem>> -> memref<128x128xf32, #tpu.memory_space<vmem>>
    %dma_start3A_858 = arith.constant 5760 : i32
    %dma_start3A_859 = tpu.memref_slice %arg6[%dma_start3A_858] : memref<6400xi32, #tpu.memory_space<vmem>> -> memref<128xi32, #tpu.memory_space<vmem>>
    %dma_start3A_860 = arith.constant 0 : i32
    %dma_start3A_861 = arith.constant 0 : i32
    %dma_start3A_862 = tpu.memref_slice %arg5[%dma_start3A_860, %dma_start3A_861] : memref<4096x128xf32, #tpu.memory_space<vmem_shared>> -> memref<4096x128xf32, #tpu.memory_space<vmem_shared>>
    tpu.enqueue_indirect_dma source(%dma_start3A_862 : memref<4096x128xf32, #tpu.memory_space<vmem_shared>>) target(%dma_start3A_857 : memref<128x128xf32, #tpu.memory_space<vmem>>) offsets(%dma_start3A_859 : memref<128xi32, #tpu.memory_space<vmem>>) semaphore(%arg9 : memref<!tpu.dma_semaphore, #tpu.memory_space<semaphore_mem>>)
    %dma_wait3A_863 = arith.constant 0 : i32
    %dma_wait3A_864 = arith.constant 0 : i32
    %dma_wait3A_865 = tpu.memref_slice %arg2[%dma_wait3A_863, %dma_wait3A_864] : memref<4096x128xf32, #tpu.memory_space<hbm>> -> memref<256x128xf32, #tpu.memory_space<hbm>>
    %dma_wait3A_866 = arith.constant 0 : i32
    %dma_wait3A_867 = arith.constant 0 : i32
    %dma_wait3A_868 = tpu.memref_slice %arg2[%dma_wait3A_866, %dma_wait3A_867] : memref<4096x128xf32, #tpu.memory_space<hbm>> -> memref<256x128xf32, #tpu.memory_space<hbm>>
    tpu.wait_dma2 semaphore(%arg9 : memref<!tpu.dma_semaphore, #tpu.memory_space<semaphore_mem>>) src(%dma_wait3A_868 : memref<256x128xf32, #tpu.memory_space<hbm>>) dst(%arg7 : memref<256x128xf32, #tpu.memory_space<vmem>>)
    %add3A_869 = arith.constant 5632 : i32
    %add3A_870 = arith.addi %mul3A_2, %add3A_869 : i32
    %dma_start3A_871 = arith.constant 0 : i32
    %dma_start3A_872 = tpu.memref_slice %arg4[%add3A_870, %dma_start3A_871] : memref<204800x128xf32, #tpu.memory_space<hbm>> -> memref<256x128xf32, #tpu.memory_space<hbm>>
    %dma_start3A_873 = arith.constant 0 : i32
    %dma_start3A_874 = tpu.memref_slice %arg4[%add3A_870, %dma_start3A_873] : memref<204800x128xf32, #tpu.memory_space<hbm>> -> memref<256x128xf32, #tpu.memory_space<hbm>>
    tpu.enqueue_dma source(%arg7 : memref<256x128xf32, #tpu.memory_space<vmem>>) target(%dma_start3A_874 : memref<256x128xf32, #tpu.memory_space<hbm>>) target_semaphore(%arg11 : memref<!tpu.dma_semaphore, #tpu.memory_space<semaphore_mem>>)
    %dma_wait3A_875 = arith.constant 0 : i32
    %dma_wait3A_876 = arith.constant 0 : i32
    %dma_wait3A_877 = tpu.memref_slice %arg2[%dma_wait3A_875, %dma_wait3A_876] : memref<4096x128xf32, #tpu.memory_space<hbm>> -> memref<256x128xf32, #tpu.memory_space<hbm>>
    %dma_wait3A_878 = arith.constant 0 : i32
    %dma_wait3A_879 = arith.constant 0 : i32
    %dma_wait3A_880 = tpu.memref_slice %arg2[%dma_wait3A_878, %dma_wait3A_879] : memref<4096x128xf32, #tpu.memory_space<hbm>> -> memref<256x128xf32, #tpu.memory_space<hbm>>
    tpu.wait_dma2 semaphore(%arg12 : memref<!tpu.dma_semaphore, #tpu.memory_space<semaphore_mem>>) src(%dma_wait3A_880 : memref<256x128xf32, #tpu.memory_space<hbm>>) dst(%arg8 : memref<256x128xf32, #tpu.memory_space<vmem>>)
    %dma_start3A_881 = arith.constant 0 : i32
    %dma_start3A_882 = arith.constant 0 : i32
    %dma_start3A_883 = tpu.memref_slice %arg8[%dma_start3A_881, %dma_start3A_882] : memref<256x128xf32, #tpu.memory_space<vmem>> -> memref<128x128xf32, #tpu.memory_space<vmem>>
    %dma_start3A_884 = arith.constant 5888 : i32
    %dma_start3A_885 = tpu.memref_slice %arg6[%dma_start3A_884] : memref<6400xi32, #tpu.memory_space<vmem>> -> memref<128xi32, #tpu.memory_space<vmem>>
    %dma_start3A_886 = arith.constant 0 : i32
    %dma_start3A_887 = arith.constant 0 : i32
    %dma_start3A_888 = tpu.memref_slice %arg5[%dma_start3A_886, %dma_start3A_887] : memref<4096x128xf32, #tpu.memory_space<vmem_shared>> -> memref<4096x128xf32, #tpu.memory_space<vmem_shared>>
    tpu.enqueue_indirect_dma source(%dma_start3A_888 : memref<4096x128xf32, #tpu.memory_space<vmem_shared>>) target(%dma_start3A_883 : memref<128x128xf32, #tpu.memory_space<vmem>>) offsets(%dma_start3A_885 : memref<128xi32, #tpu.memory_space<vmem>>) semaphore(%arg10 : memref<!tpu.dma_semaphore, #tpu.memory_space<semaphore_mem>>)
    %dma_start3A_889 = arith.constant 128 : i32
    %dma_start3A_890 = arith.constant 0 : i32
    %dma_start3A_891 = tpu.memref_slice %arg8[%dma_start3A_889, %dma_start3A_890] : memref<256x128xf32, #tpu.memory_space<vmem>> -> memref<128x128xf32, #tpu.memory_space<vmem>>
    %dma_start3A_892 = arith.constant 6016 : i32
    %dma_start3A_893 = tpu.memref_slice %arg6[%dma_start3A_892] : memref<6400xi32, #tpu.memory_space<vmem>> -> memref<128xi32, #tpu.memory_space<vmem>>
    %dma_start3A_894 = arith.constant 0 : i32
    %dma_start3A_895 = arith.constant 0 : i32
    %dma_start3A_896 = tpu.memref_slice %arg5[%dma_start3A_894, %dma_start3A_895] : memref<4096x128xf32, #tpu.memory_space<vmem_shared>> -> memref<4096x128xf32, #tpu.memory_space<vmem_shared>>
    tpu.enqueue_indirect_dma source(%dma_start3A_896 : memref<4096x128xf32, #tpu.memory_space<vmem_shared>>) target(%dma_start3A_891 : memref<128x128xf32, #tpu.memory_space<vmem>>) offsets(%dma_start3A_893 : memref<128xi32, #tpu.memory_space<vmem>>) semaphore(%arg10 : memref<!tpu.dma_semaphore, #tpu.memory_space<semaphore_mem>>)
    %dma_wait3A_897 = arith.constant 0 : i32
    %dma_wait3A_898 = arith.constant 0 : i32
    %dma_wait3A_899 = tpu.memref_slice %arg2[%dma_wait3A_897, %dma_wait3A_898] : memref<4096x128xf32, #tpu.memory_space<hbm>> -> memref<256x128xf32, #tpu.memory_space<hbm>>
    %dma_wait3A_900 = arith.constant 0 : i32
    %dma_wait3A_901 = arith.constant 0 : i32
    %dma_wait3A_902 = tpu.memref_slice %arg2[%dma_wait3A_900, %dma_wait3A_901] : memref<4096x128xf32, #tpu.memory_space<hbm>> -> memref<256x128xf32, #tpu.memory_space<hbm>>
    tpu.wait_dma2 semaphore(%arg10 : memref<!tpu.dma_semaphore, #tpu.memory_space<semaphore_mem>>) src(%dma_wait3A_902 : memref<256x128xf32, #tpu.memory_space<hbm>>) dst(%arg8 : memref<256x128xf32, #tpu.memory_space<vmem>>)
    %add3A_903 = arith.constant 5888 : i32
    %add3A_904 = arith.addi %mul3A_2, %add3A_903 : i32
    %dma_start3A_905 = arith.constant 0 : i32
    %dma_start3A_906 = tpu.memref_slice %arg4[%add3A_904, %dma_start3A_905] : memref<204800x128xf32, #tpu.memory_space<hbm>> -> memref<256x128xf32, #tpu.memory_space<hbm>>
    %dma_start3A_907 = arith.constant 0 : i32
    %dma_start3A_908 = tpu.memref_slice %arg4[%add3A_904, %dma_start3A_907] : memref<204800x128xf32, #tpu.memory_space<hbm>> -> memref<256x128xf32, #tpu.memory_space<hbm>>
    tpu.enqueue_dma source(%arg8 : memref<256x128xf32, #tpu.memory_space<vmem>>) target(%dma_start3A_908 : memref<256x128xf32, #tpu.memory_space<hbm>>) target_semaphore(%arg12 : memref<!tpu.dma_semaphore, #tpu.memory_space<semaphore_mem>>)
    %dma_wait3A_909 = arith.constant 0 : i32
    %dma_wait3A_910 = arith.constant 0 : i32
    %dma_wait3A_911 = tpu.memref_slice %arg2[%dma_wait3A_909, %dma_wait3A_910] : memref<4096x128xf32, #tpu.memory_space<hbm>> -> memref<256x128xf32, #tpu.memory_space<hbm>>
    %dma_wait3A_912 = arith.constant 0 : i32
    %dma_wait3A_913 = arith.constant 0 : i32
    %dma_wait3A_914 = tpu.memref_slice %arg2[%dma_wait3A_912, %dma_wait3A_913] : memref<4096x128xf32, #tpu.memory_space<hbm>> -> memref<256x128xf32, #tpu.memory_space<hbm>>
    tpu.wait_dma2 semaphore(%arg11 : memref<!tpu.dma_semaphore, #tpu.memory_space<semaphore_mem>>) src(%dma_wait3A_914 : memref<256x128xf32, #tpu.memory_space<hbm>>) dst(%arg7 : memref<256x128xf32, #tpu.memory_space<vmem>>)
    %dma_start3A_915 = arith.constant 0 : i32
    %dma_start3A_916 = arith.constant 0 : i32
    %dma_start3A_917 = tpu.memref_slice %arg7[%dma_start3A_915, %dma_start3A_916] : memref<256x128xf32, #tpu.memory_space<vmem>> -> memref<128x128xf32, #tpu.memory_space<vmem>>
    %dma_start3A_918 = arith.constant 6144 : i32
    %dma_start3A_919 = tpu.memref_slice %arg6[%dma_start3A_918] : memref<6400xi32, #tpu.memory_space<vmem>> -> memref<128xi32, #tpu.memory_space<vmem>>
    %dma_start3A_920 = arith.constant 0 : i32
    %dma_start3A_921 = arith.constant 0 : i32
    %dma_start3A_922 = tpu.memref_slice %arg5[%dma_start3A_920, %dma_start3A_921] : memref<4096x128xf32, #tpu.memory_space<vmem_shared>> -> memref<4096x128xf32, #tpu.memory_space<vmem_shared>>
    tpu.enqueue_indirect_dma source(%dma_start3A_922 : memref<4096x128xf32, #tpu.memory_space<vmem_shared>>) target(%dma_start3A_917 : memref<128x128xf32, #tpu.memory_space<vmem>>) offsets(%dma_start3A_919 : memref<128xi32, #tpu.memory_space<vmem>>) semaphore(%arg9 : memref<!tpu.dma_semaphore, #tpu.memory_space<semaphore_mem>>)
    %dma_start3A_923 = arith.constant 128 : i32
    %dma_start3A_924 = arith.constant 0 : i32
    %dma_start3A_925 = tpu.memref_slice %arg7[%dma_start3A_923, %dma_start3A_924] : memref<256x128xf32, #tpu.memory_space<vmem>> -> memref<128x128xf32, #tpu.memory_space<vmem>>
    %dma_start3A_926 = arith.constant 6272 : i32
    %dma_start3A_927 = tpu.memref_slice %arg6[%dma_start3A_926] : memref<6400xi32, #tpu.memory_space<vmem>> -> memref<128xi32, #tpu.memory_space<vmem>>
    %dma_start3A_928 = arith.constant 0 : i32
    %dma_start3A_929 = arith.constant 0 : i32
    %dma_start3A_930 = tpu.memref_slice %arg5[%dma_start3A_928, %dma_start3A_929] : memref<4096x128xf32, #tpu.memory_space<vmem_shared>> -> memref<4096x128xf32, #tpu.memory_space<vmem_shared>>
    tpu.enqueue_indirect_dma source(%dma_start3A_930 : memref<4096x128xf32, #tpu.memory_space<vmem_shared>>) target(%dma_start3A_925 : memref<128x128xf32, #tpu.memory_space<vmem>>) offsets(%dma_start3A_927 : memref<128xi32, #tpu.memory_space<vmem>>) semaphore(%arg9 : memref<!tpu.dma_semaphore, #tpu.memory_space<semaphore_mem>>)
    %dma_wait3A_931 = arith.constant 0 : i32
    %dma_wait3A_932 = arith.constant 0 : i32
    %dma_wait3A_933 = tpu.memref_slice %arg2[%dma_wait3A_931, %dma_wait3A_932] : memref<4096x128xf32, #tpu.memory_space<hbm>> -> memref<256x128xf32, #tpu.memory_space<hbm>>
    %dma_wait3A_934 = arith.constant 0 : i32
    %dma_wait3A_935 = arith.constant 0 : i32
    %dma_wait3A_936 = tpu.memref_slice %arg2[%dma_wait3A_934, %dma_wait3A_935] : memref<4096x128xf32, #tpu.memory_space<hbm>> -> memref<256x128xf32, #tpu.memory_space<hbm>>
    tpu.wait_dma2 semaphore(%arg9 : memref<!tpu.dma_semaphore, #tpu.memory_space<semaphore_mem>>) src(%dma_wait3A_936 : memref<256x128xf32, #tpu.memory_space<hbm>>) dst(%arg7 : memref<256x128xf32, #tpu.memory_space<vmem>>)
    %add3A_937 = arith.constant 6144 : i32
    %add3A_938 = arith.addi %mul3A_2, %add3A_937 : i32
    %dma_start3A_939 = arith.constant 0 : i32
    %dma_start3A_940 = tpu.memref_slice %arg4[%add3A_938, %dma_start3A_939] : memref<204800x128xf32, #tpu.memory_space<hbm>> -> memref<256x128xf32, #tpu.memory_space<hbm>>
    %dma_start3A_941 = arith.constant 0 : i32
    %dma_start3A_942 = tpu.memref_slice %arg4[%add3A_938, %dma_start3A_941] : memref<204800x128xf32, #tpu.memory_space<hbm>> -> memref<256x128xf32, #tpu.memory_space<hbm>>
    tpu.enqueue_dma source(%arg7 : memref<256x128xf32, #tpu.memory_space<vmem>>) target(%dma_start3A_942 : memref<256x128xf32, #tpu.memory_space<hbm>>) target_semaphore(%arg11 : memref<!tpu.dma_semaphore, #tpu.memory_space<semaphore_mem>>)
    %dma_wait3A_943 = arith.constant 0 : i32
    %dma_wait3A_944 = arith.constant 0 : i32
    %dma_wait3A_945 = tpu.memref_slice %arg2[%dma_wait3A_943, %dma_wait3A_944] : memref<4096x128xf32, #tpu.memory_space<hbm>> -> memref<256x128xf32, #tpu.memory_space<hbm>>
    %dma_wait3A_946 = arith.constant 0 : i32
    %dma_wait3A_947 = arith.constant 0 : i32
    %dma_wait3A_948 = tpu.memref_slice %arg2[%dma_wait3A_946, %dma_wait3A_947] : memref<4096x128xf32, #tpu.memory_space<hbm>> -> memref<256x128xf32, #tpu.memory_space<hbm>>
    tpu.wait_dma2 semaphore(%arg12 : memref<!tpu.dma_semaphore, #tpu.memory_space<semaphore_mem>>) src(%dma_wait3A_948 : memref<256x128xf32, #tpu.memory_space<hbm>>) dst(%arg8 : memref<256x128xf32, #tpu.memory_space<vmem>>)
    %dma_wait3A_949 = arith.constant 0 : i32
    %dma_wait3A_950 = arith.constant 0 : i32
    %dma_wait3A_951 = tpu.memref_slice %arg2[%dma_wait3A_949, %dma_wait3A_950] : memref<4096x128xf32, #tpu.memory_space<hbm>> -> memref<256x128xf32, #tpu.memory_space<hbm>>
    %dma_wait3A_952 = arith.constant 0 : i32
    %dma_wait3A_953 = arith.constant 0 : i32
    %dma_wait3A_954 = tpu.memref_slice %arg2[%dma_wait3A_952, %dma_wait3A_953] : memref<4096x128xf32, #tpu.memory_space<hbm>> -> memref<256x128xf32, #tpu.memory_space<hbm>>
    tpu.wait_dma2 semaphore(%arg11 : memref<!tpu.dma_semaphore, #tpu.memory_space<semaphore_mem>>) src(%dma_wait3A_954 : memref<256x128xf32, #tpu.memory_space<hbm>>) dst(%arg7 : memref<256x128xf32, #tpu.memory_space<vmem>>)
    return
  }
}

</mosaic_0001>

<sc_bundles>
// kernel: kernel.3.cloned.1.call-start
scs
__scs_entry_jumppad:
0x0: {  	(pc) =	sbr.rel $0x88, $3  }
0x1: {  	(tag) =	ssettag $0x0;
	lr =	simm.s32 $0x1  }
0x2: {  	[smem:$0x3F9F] =	sst lr;
	_ =	strace $0xD0000000  }
0x3: {  	_ = 	snop  }
0x4: {  	_ = 	snop  }
0x5: {  	_ = 	snop  }
0x6: {  	_ = 	snop  }
0x7: {  	_ = 	snop  }
__scs_overlays_trampoline_lowered:
0x8: {  	[smem:$0x3FAE] =	sst s0  }
0x9: {  	[smem:$0x3FAF] =	sst s1  }
0xa: {  	[smem:$0x3FB0] =	sst s2  }
0xb: {  	[smem:$0x3FB1] =	sst s3  }
0xc: {  	[smem:$0x3FB2] =	sst s4  }
0xd: {  	[smem:$0x3FB3] =	sst s5  }
0xe: {  	[smem:$0x3FB4] =	sst s6  }
0xf: {  	[smem:$0x3FB5] =	sst s7  }
0x10: {  	[smem:$0x3FB6] =	sst s8  }
0x11: {  	[smem:$0x3FB7] =	sst s9;
	s0 =	simm.s32 @!p0 $0x0  }
0x12: {  	s1 =	sld [smem:$0x3F9D];
	s0 =	simm.s32 @p0 $0x1  }
0x13: {  	[smem:$0x3FB8] =	sst s0;
	s0 =	simm.s32 @!p1 $0x0  }
0x14: {  	s2 =	sld [smem:$0x3F9C];
	s0 =	simm.s32 @p1 $0x1  }
0x15: {  	[smem:$0x3FB9] =	sst s0;
	s0 =	simm.s32 @!p2 $0x0  }
0x16: {  	s3 =	sld [smem:$0x3FDB];
	s0 =	simm.s32 @p2 $0x1  }
0x17: {  	s4 =	simm.s32 $0x1BF5;
	[smem:$0x3FBB] =	sst s0  }
0x18: {  	s0 =	sld [smem:$0x3F9E];
	_ =	swait.ge [sflag:s4], $0x0  }
0x19: {  	s7 =	sld [smem:$0x3F9F]  }
0x1a: {  	s8 =	sadd.s32 $0xFFFFE003, lr  }
0x1b: {  	s9 =	sadd.s32 $0xFFFFFEF7, lr;
	s5 =	simm.s32 $0xFFFFFFFF;
	p2 =	slt.u32 s8, $0xFFFFF086  }
0x1c: {  	p1 =	slt.u32 s9, $0xF7A;
	s5 =	simm.s32 @!p2 $0x0  }
0x1d: {  	s5 =	simm.s32 @p1 $0x1;
	p0 =	seq.s32 s7, s2  }
0x1e: {  	s7 =	smul.u32 @!p0 $0xF7A, s2;
	p2 =	seq.s32 @!p0 s5, $0x0  }
0x1f: {  	s9 =	smul.u32 $0xF7A, s1;
	s8 =	simm.s32 @!p0 $0x1BF5;
	p2 =	por !p2, p0  }
0x20: {  	[sflag:s8] =	ssyncset.s32 @!p0 $0xFFFFF086;
	s6 =	sadd.s32 @!p0 s3, s7;
	s7 =	simm.s32 @!p0 $0x108  }
0x21: {  	s3 =	sadd.s32 s3, s9;
	s6 =	sadd.s32 @!p0 $0x88, s6;
	s7 =	simm.s32 @p2 $0x1082  }
0x22: {  	[simem:s7], [sflag:s8] =	dma.local @!p0 [hbm:s6], $0xF7A  }
0x23: {  	s9 =	sor.u32 $0xD0000000, s2;
	s6 =	simm.s32 $0x108;
	_ =	swait.ge @!p0 [sflag:s8], $0x0  }
0x24: {  	s3 =	sadd.s32 $0x88, s3;
	s6 =	simm.s32 @!p1 $0x1082;
	[sflag:s4] =	ssyncset.s32 $0xFFFFF086  }
0x25: {  	[simem:s6], [sflag:s4] =	dma.local [hbm:s3], $0xF7A  }
0x26: {  	[smem:$0x3F9F] =	sst s1;
	(tag) =	ssettag s2;
	_ =	strace s9  }
0x27: {  	s1 =	sld [smem:$0x3FAF]  }
0x28: {  	s2 =	sld [smem:$0x3FB0]  }
0x29: {  	s4 =	sld [smem:$0x3FB2]  }
0x2a: {  	p0 =	seq.s32 s5, $0x0;
	s5 =	sld [smem:$0x3FB3]  }
0x2b: {  	s6 =	sld [smem:$0x3FB4]  }
0x2c: {  	s7 =	sld [smem:$0x3FB5]  }
0x2d: {  	s3 =	simm.s32 $0x108;
	s8 =	sld [smem:$0x3FB6]  }
0x2e: {  	s3 =	simm.s32 @!p0 $0x1082;
	s9 =	sld [smem:$0x3FB7]  }
0x2f: {  	lr =	sadd.s32 s0, s3;
	s0 =	sld [smem:$0x3FAE]  }
0x30: {  	s3 =	sld [smem:$0x3FB1]  }
0x31: {  	[smem:$0x3FBA] =	sst s10  }
0x32: {  	s10 =	sld [smem:$0x3FB8];
	_ =	sdelay $0x3  }
0x33: {  	p0 =	seq.s32 s10, $0x1;
	s10 =	sld [smem:$0x3FBA];
	_ =	sdelay $0x3  }
0x34: {  	[smem:$0x3FBA] =	sst s10  }
0x35: {  	s10 =	sld [smem:$0x3FB9];
	_ =	sdelay $0x3  }
0x36: {  	p1 =	seq.s32 s10, $0x1;
	s10 =	sld [smem:$0x3FBA];
	_ =	sdelay $0x3  }
0x37: {  	[smem:$0x3FBA] =	sst s10  }
0x38: {  	s10 =	sld [smem:$0x3FBB]  }
0x39: {  	_ = 	snop;
	(pc) =	sbr.ind lr, $3  }
0x3a: {  	_ = 	snop  }
0x3b: {  	_ = 	snop  }
0x3c: {  	p2 =	seq.s32 s10, $0x1;
	s10 =	sld [smem:$0x3FBA]  }
0x3d: {  	_ =	shalt  }
0x3e: {  	_ =	shalt  }
0x3f: {  	_ =	shalt  }
0x40: {  	_ =	shalt  }
0x41: {  	_ =	shalt  }
0x42: {  	_ =	shalt  }
0x43: {  	_ =	shalt  }
0x44: {  	_ =	shalt  }
0x45: {  	_ =	shalt  }
0x46: {  	_ =	shalt  }
0x47: {  	_ =	shalt  }
0x48: {  	_ =	shalt  }
0x49: {  	_ =	shalt  }
0x4a: {  	_ =	shalt  }
0x4b: {  	_ =	shalt  }
0x4c: {  	_ =	shalt  }
0x4d: {  	_ =	shalt  }
0x4e: {  	_ =	shalt  }
0x4f: {  	_ =	shalt  }
0x50: {  	_ =	shalt  }
0x51: {  	_ =	shalt  }
0x52: {  	_ =	shalt  }
0x53: {  	_ =	shalt  }
0x54: {  	_ =	shalt  }
0x55: {  	_ =	shalt  }
0x56: {  	_ =	shalt  }
0x57: {  	_ =	shalt  }
0x58: {  	_ =	shalt  }
0x59: {  	_ =	shalt  }
0x5a: {  	_ =	shalt  }
0x5b: {  	_ =	shalt  }
0x5c: {  	_ =	shalt  }
0x5d: {  	_ =	shalt  }
0x5e: {  	_ =	shalt  }
0x5f: {  	_ =	shalt  }
0x60: {  	_ =	shalt  }
0x61: {  	_ =	shalt  }
0x62: {  	_ =	shalt  }
0x63: {  	_ =	shalt  }
0x64: {  	_ =	shalt  }
0x65: {  	_ =	shalt  }
0x66: {  	_ =	shalt  }
0x67: {  	_ =	shalt  }
0x68: {  	_ =	shalt  }
0x69: {  	_ =	shalt  }
0x6a: {  	_ =	shalt  }
0x6b: {  	_ =	shalt  }
0x6c: {  	_ =	shalt  }
0x6d: {  	_ =	shalt  }
0x6e: {  	_ =	shalt  }
0x6f: {  	_ =	shalt  }
0x70: {  	_ =	shalt  }
0x71: {  	_ =	shalt  }
0x72: {  	_ =	shalt  }
0x73: {  	_ =	shalt  }
0x74: {  	_ =	shalt  }
0x75: {  	_ =	shalt  }
0x76: {  	_ =	shalt  }
0x77: {  	_ =	shalt  }
0x78: {  	_ =	shalt  }
0x79: {  	_ =	shalt  }
0x7a: {  	_ =	shalt  }
0x7b: {  	_ =	shalt  }
0x7c: {  	_ =	shalt  }
0x7d: {  	_ =	shalt  }
0x7e: {  	_ =	shalt  }
0x7f: {  	_ =	shalt  }
0x80: {  	_ =	shalt  }
0x81: {  	_ =	shalt  }
0x82: {  	_ =	shalt  }
0x83: {  	_ =	shalt  }
0x84: {  	_ =	shalt  }
0x85: {  	_ =	shalt  }
0x86: {  	_ =	shalt  }
0x87: {  	_ =	shalt  }
.Lfunc_end0:
.L_simem_size_0:
called_computation_lowered:
.L_overlay_start_0:
0x88: {  	s2 =	sld [smem:$0x3FD9]  }
0x89: {  	s3 =	sld [smem:$0x3FFE];
	_ =	sdelay $0x1  }
0x8a: {  	s1 =	srdreg.scid  }
0x8b: {  	s0 =	sand.u32 $0x1, s1  }
0x8c: {  	s17 =	sshll.u32 s0, $0xA;
	s2 =	sadd.s32 s3, s2  }
0x8d: {  	s2 =	sadd.s32 s2, s17  }
0x8e: {  	[smem:$0x3FC6] =	sst s2  }
0x8f: {  	_ = 	snop  }
0x90: {  	s2 =	sld [smem:$0x3FD0];
	(tm) =	ssettm $0x1  }
0x91: {  	s18 =	sld [smem:$0x3FFB];
	_ =	sdelay $0x3  }
0x92: {  	_ =	strace s18  }
0x93: {  	s3 =	sld [smem:$0x3FFC];
	_ =	sdelay $0x3  }
0x94: {  	_ =	strace s3  }
0x95: {  	s3 =	sld [smem:$0x3FFD];
	_ =	sdelay $0x3  }
0x96: {  	_ =	strace s3  }
0x97: {  	_ =	strace $0x8FFFFFFF  }
0x98: {  	s19 =	sld [smem:$0x3FDB];
	_ =	sdelay $0x1  }
0x99: {  	s4 =	simm.s32 $_scs_section_size  }
0x9a: {  	s5 =	simm.s32 $_size__tile_overlayer_lowered;
	s6 =	simm.s32 $_tile_overlayer_lowered  }
0x9b: {  	s22 =	simm.s32 $0x1BFF;
	s21 =	sshll.u32 s6, $0x1;
	s3 =	sadd.s32 s4, s19  }
0x9c: {  	s7 =	simm.s32 $0x0;
	s20 =	sshll.u32 s5, $0x1;
	s5 =	sadd.s32 s21, s3  }
0x9d: {  	[timem:s7], [sflag:s22] =	dma.local [hbm:s5], s20  }
0x9e: {  	_ =	swait.ge [sflag:s22], s20  }
0x9f: {  	s4 =	ssub.s32 $0x0, s20;
	[sflag:s22] =	ssyncset.done $0x0  }
0xa0: {  	[sflag:s22] =	ssyncadd.s32 s4;
	_ =	sdelay $0x1  }
0xa1: {  	s23 =	simm.s32 $0x1B8B  }
0xa2: {  	_ =	swait.ge [sflag:s23], $0x1  }
0xa3: {  	[sflag:s23] =	ssyncset.done $0x0  }
0xa4: {  	s25 =	simm.s32 $0x1B8E;
	s24 =	sld [smem:$0x3FFE];
	[sflag:s23] =	ssyncadd.s32 $0xFFFFFFFF  }
0xa5: {  	s26 =	simm.s32 $execute0_lowered;
	[smem:$0x3FD2] =	sst s25  }
0xa6: {  	s5 =	sshll.u32 s26, $0x1;
	_ =	strace $0x80000046;
	[dreg:$0x1] =	wrdreg $0xFFFFFFFF  }
0xa7: {  	s28 =	simm.s32 $_size_execute0_lowered;
	s3 =	sadd.s32 s3, s5;
	[dreg:$0x0] =	wrdreg $0x0  }
0xa8: {  	s5 =	sshll.u32 s28, $0x1;
	[dreg:$0x2] =	wrdreg s3  }
0xa9: {  	[dreg:$0x3] =	wrdreg s5  }
0xaa: {  	[dreg:$0x4] =	wrdreg $0xC0  }
0xab: {  	_ =	task [dreg:s7], $0x5FFFF  }
0xac: {  	[dreg:$0x1] =	wrdreg $0xFFFFFFFF  }
0xad: {  	[dreg:$0x0] =	wrdreg $0x60  }
0xae: {  	[dreg:$0x2] =	wrdreg s24  }
0xaf: {  	[dreg:$0x3] =	wrdreg s2  }
0xb0: {  	[dreg:$0x4] =	wrdreg $0x0  }
0xb1: {  	[dreg:$0x5] =	wrdreg $0x9  }
0xb2: {  	_ =	task.clear_ibuf [dreg:s7], $0x6FFFF;
	_ =	strace $0x90000046  }
0xb3: {  	s29 =	simm.s32 $0x9;
	_ =	strace $0x80000048  }
0xb4: {  	_ =	swait.ge [sflag:s29], $0x1  }
0xb5: {  	[sflag:s29] =	ssyncadd.s32 $0xFFFFFFFF  }
0xb6: {  	_ =	strace $0x90000048  }
0xb7: {  	_ =	sfence  }
0xb8: {  	s30 =	sld [smem:$0x0];
	_ =	sdelay $0x2  }
0xb9: {  	s31 =	sshll.u32 s1, $0xD;
	s1 =	sshrl.u32 s1, $0x2  }
0xba: {  	s3 =	sand.u32 $0x4000, s31;
	s1 =	sadd.s32 s1, s30  }
0xbb: {  	s0 =	sor.u32 s3, s0;
	s1 =	sshll.u32 s1, $0x11  }
0xbc: {  	s0 =	sor.u32 s1, s0  }
0xbd: {  	s0 =	sadd.s32 $0x8F2B, s0  }
0xbe: {  	[sflag:s0] =	ssyncadd.remote.s32 $0x1  }
0xbf: {  	_ =	sfence.sel $0xFFFF  }
0xc0: {  	[dreg:$0x0] =	wrdreg $0xFFFFFFFF;
	(pc) =	sbr.abs _section_cstart, $3  }
0xc1: {  	[dreg:$0x1] =	wrdreg $0xFFFFFFFF  }
0xc2: {  	_ =	task.clear_ibuf [dreg:s7], $0x2FFFF;
	_ =	strace $0x9FFFFFFF  }
0xc3: {  	(tm) =	ssettm $0x7FFFFFFF  }
tec
execute0_lowered:
.L_overlay_start_1:
0x0: {  	(tag) =	ssettag $0x1  }
0x1: {  	s0 =	rddreg [dreg:$0x0]  }
0x2: {  	s1 =	srdreg.scid;
	s13 =	stileid.u32  }
0x3: {  	s4 =	rddreg [dreg:$0x1];
	s1 =	sand.u32 $0x1, s1;
	s5 =	sshll.u32 s13, $0x1  }
0x4: {  	s3 =	rddreg [dreg:$0x2];
	s5 =	sor.u32 s1, s5  }
0x5: {  	s7 =	sadd.s32 $0x6A00, s0;
	s8 =	sshll.u32 s13, $0xC;
	s6 =	smul.u32 $0x320, s5  }
0x6: {  	s2 =	simm.s32 $0x0;
	s24 =	sadd.s32 s7, s8;
	s8 =	smul.u32 $0xC8000, s5  }
0x7: {  	[smem:$0x7FF] =	sst s2;
	s23 =	sshll.u32 s13, $0x8;
	s5 =	smul.u32 $0x19000, s5  }
0x8: {  	_ =	strace $0x80000047;
	[dreg:$0x5] =	wrdreg s24;
	s0 =	sadd.s32 s6, s0  }
0x9: {  	s6 =	sor.u32 $0x80, s23;
	s10 =	sshrl.u32 s8, $0x3;
	s11 =	sadd.s32 s4, s5  }
0xa: {  	s0 =	sadd.s32 $0x600, s0;
	s25 =	sshll.u32 s6, $0x4;
	[dreg:$0x9] =	wrdreg s11  }
0xb: {  	s6 =	sshll.u32 s6, $0x7;
	[dreg:$0x4] =	wrdreg s0;
	s26 =	sadd.s32 s7, s25  }
0xc: {  	s4 =	sadd.s32 s4, s10;
	s9 =	sadd.s32 s6, s3;
	[dreg:$0x6] =	wrdreg s26  }
0xd: {  	s12 =	sadd.s32 $0x1000, s4;
	[dreg:$0x8] =	wrdreg s9  }
0xe: {  	s14 =	sadd.s32 $0x2000, s4;
	[dreg:$0xa] =	wrdreg s12  }
0xf: {  	s15 =	sadd.s32 $0x3000, s4;
	[dreg:$0xb] =	wrdreg s14  }
0x10: {  	s16 =	sadd.s32 $0x4000, s4;
	[dreg:$0xc] =	wrdreg s15  }
0x11: {  	s17 =	sadd.s32 $0x5000, s4;
	[dreg:$0xd] =	wrdreg s16  }
0x12: {  	s18 =	sadd.s32 $0x6000, s4;
	[dreg:$0xe] =	wrdreg s17  }
0x13: {  	s19 =	sadd.s32 $0x7000, s4;
	[dreg:$0xf] =	wrdreg s18  }
0x14: {  	s20 =	sadd.s32 $0x8000, s4;
	[dreg:$0x10] =	wrdreg s19  }
0x15: {  	s21 =	sadd.s32 $0x9000, s4;
	[dreg:$0x11] =	wrdreg s20  }
0x16: {  	s22 =	sadd.s32 $0xA000, s4;
	[dreg:$0x12] =	wrdreg s21  }
0x17: {  	s23 =	sadd.s32 $0xB000, s4;
	[dreg:$0x13] =	wrdreg s22  }
0x18: {  	s24 =	sadd.s32 $0xC000, s4;
	[dreg:$0x14] =	wrdreg s23  }
0x19: {  	s25 =	sadd.s32 $0xD000, s4;
	[dreg:$0x15] =	wrdreg s24  }
0x1a: {  	s5 =	sadd.s32 $0xF000, s4;
	[dreg:$0x16] =	wrdreg s25  }
0x1b: {  	s6 =	sadd.s32 $0x10000, s4;
	[dreg:$0x18] =	wrdreg s5  }
0x1c: {  	s8 =	sadd.s32 $0x12000, s4;
	[dreg:$0x19] =	wrdreg s6  }
0x1d: {  	s10 =	sadd.s32 $0x14000, s4;
	[dreg:$0x1b] =	wrdreg s8  }
0x1e: {  	s7 =	sshll.u32 s13, $0xF;
	s11 =	sadd.s32 $0x15000, s4;
	[dreg:$0x1d] =	wrdreg s10  }
0x1f: {  	s0 =	sadd.s32 s7, s3;
	[dreg:$0x1e] =	wrdreg s11  }
0x20: {  	s26 =	sadd.s32 $0xE000, s4;
	[dreg:$0x7] =	wrdreg s0  }
0x21: {  	s7 =	sadd.s32 $0x11000, s4;
	[dreg:$0x17] =	wrdreg s26  }
0x22: {  	s9 =	sadd.s32 $0x13000, s4;
	[dreg:$0x1a] =	wrdreg s7  }
0x23: {  	s12 =	sadd.s32 $0x16000, s4;
	[dreg:$0x1c] =	wrdreg s9  }
0x24: {  	s14 =	sadd.s32 $0x17000, s4;
	[dreg:$0x1f] =	wrdreg s12  }
0x25: {  	s15 =	sadd.s32 $0x18000, s4;
	[smem:$0x7DC] =	sst s14  }
0x26: {  	s16 =	simm.s32 $0x8080;
	[smem:$0x7DD] =	sst s15  }
0x27: {  	s17 =	simm.s32 $0x8100;
	[smem:$0x7DE] =	sst s16  }
0x28: {  	s18 =	simm.s32 $0x8180;
	[smem:$0x7DF] =	sst s17  }
0x29: {  	s19 =	simm.s32 $0x8200;
	[smem:$0x7E0] =	sst s18  }
0x2a: {  	s20 =	simm.s32 $0x8280;
	[smem:$0x7E1] =	sst s19  }
0x2b: {  	s21 =	simm.s32 $0x8300;
	[smem:$0x7E2] =	sst s20  }
0x2c: {  	s22 =	simm.s32 $0x8380;
	[smem:$0x7E3] =	sst s21  }
0x2d: {  	s23 =	simm.s32 $0x8400;
	[smem:$0x7E4] =	sst s22  }
0x2e: {  	s24 =	simm.s32 $0x8480;
	[smem:$0x7E5] =	sst s23  }
0x2f: {  	s25 =	simm.s32 $0x8500;
	[smem:$0x7E6] =	sst s24  }
0x30: {  	s4 =	simm.s32 $0x8600;
	[smem:$0x7E7] =	sst s25  }
0x31: {  	s5 =	simm.s32 $0x8680;
	[smem:$0x7E9] =	sst s4  }
0x32: {  	s6 =	simm.s32 $0x8700;
	[smem:$0x7EA] =	sst s5  }
0x33: {  	s8 =	simm.s32 $0x8800;
	[smem:$0x7EB] =	sst s6  }
0x34: {  	s10 =	simm.s32 $0x8900;
	[smem:$0x7ED] =	sst s8  }
0x35: {  	s11 =	simm.s32 $0x8980;
	[smem:$0x7EF] =	sst s10  }
0x36: {  	s31 =	simm.s32 $0x8000;
	[smem:$0x7F0] =	sst s11  }
0x37: {  	s29 =	simm.s32 $0x9100;
	s26 =	simm.s32 $0x8580;
	s0 =	rddreg [dreg:$0x4]  }
0x38: {  	s30 =	simm.s32 $0x9180;
	s7 =	simm.s32 $0x8780;
	[smem:$0x7E8] =	sst s26  }
0x39: {  	s28 =	simm.s32 $0x9280;
	s9 =	simm.s32 $0x8880;
	[smem:$0x7EC] =	sst s7  }
0x3a: {  	p0 =	por $0x0, $0x0;
	s12 =	simm.s32 $0x8A00;
	[smem:$0x7EE] =	sst s9  }
0x3b: {  	s1 =	ssub.s32 $0x2, s1;
	s14 =	simm.s32 $0x8A80;
	[smem:$0x7F1] =	sst s12  }
0x3c: {  	s15 =	sshrl.u32 s1, $0x1;
	s16 =	simm.s32 $0x8B00;
	[smem:$0x7F2] =	sst s14  }
0x3d: {  	s17 =	simm.s32 $0x8B80;
	s18 =	simm.s32 $0x8C00;
	[smem:$0x7F3] =	sst s16  }
0x3e: {  	s19 =	simm.s32 $0x8C80;
	s4 =	simm.s32 $0x9900;
	[smem:$0x7F4] =	sst s17  }
0x3f: {  	s20 =	simm.s32 $0x8D00;
	s21 =	simm.s32 $0x8D80;
	[smem:$0x7F5] =	sst s18  }
0x40: {  	s6 =	simm.s32 $0x1;
	s22 =	simm.s32 $0x8E00;
	[smem:$0x7F6] =	sst s19  }
0x41: {  	s23 =	simm.s32 $0x8E80;
	s5 =	simm.s32 $0x3;
	[smem:$0x7F7] =	sst s20  }
0x42: {  	s24 =	simm.s32 $0x8F00;
	s10 =	simm.s32 $0x80;
	[smem:$0x7F8] =	sst s21  }
0x43: {  	s25 =	simm.s32 $0x8F80;
	s11 =	simm.s32 $0xD900;
	[smem:$0x7F9] =	sst s22  }
0x44: {  	s8 =	simm.s32 $0x4;
	s1 =	ssub.s32 s1, s15;
	[smem:$0x7FA] =	sst s23  }
0x45: {  	s7 =	simm.s32 $0x11900;
	s9 =	simm.s32 $0x2;
	[smem:$0x7FB] =	sst s24  }
0x46: {  	[smem:$0x7FC] =	sst s25;
	s26 =	simm.s32 $0x9000;
	s1 =	smax.u32 s1, $0x1  }
0x47: {  	s12 =	simm.s32 $0x15900;
	s20 =	simm.s32 $0x9080;
	p1 =	sne.s32 s1, $0x1  }
.Ltmp0:
0x48: {  	s24 =	simm.s32 $0x9300;
	s25 =	simm.s32 $0x9380;
	(pc) =	sbr.rel @!p1 .LBB2_1-.Ltmp0, $4  }
0x49: {  	s22 =	simm.s32 $0x9400;
	s23 =	simm.s32 $0x9480;
	s21 =	simm.s32 $0x9580  }
0x4a: {  	s18 =	simm.s32 $0x9600;
	s19 =	simm.s32 $0x9680;
	s16 =	simm.s32 $0x9700  }
0x4b: {  	s17 =	simm.s32 $0x9780;
	s14 =	simm.s32 $0x9800;
	s15 =	simm.s32 $0x9880  }
0x4c: {  	[smem:$0x7FD] =	sst s26;
	s26 =	simm.s32 $0x9200;
	s1 =	sadd.s32 $0xFFFFFFFF, s1  }
0x4d: {  	[tilespmem:s31], [sflag:$0x3] =	stream.linear.gather [hbm4b:s0+s2], $0x1900, $0x38;
	[tilespmem:$0x19900] =	vst v63  }
0x4e: {  	s13 =	smov.u32 s1;
	s1 =	rddreg [dreg:$0x5]  }
0x4f: {  	[tilespmem:s4], [sflag:$0x1] =	stream.linear.gather [hbm4b:s1+s2], $0x4000, $0x38;
	[tilespmem:$0x19900] =	vst v63  }
0x50: {  	s0 =	rddreg [dreg:$0x6]  }
0x51: {  	[tilespmem:s7], [sflag:$0x2] =	stream.linear.gather [hbm4b:s0+s2], $0x4000, $0x38;
	[tilespmem:$0x19900] =	vst v63  }
0x52: {  	_ =	swait.ge [sflag:s6], $0x4000  }
0x53: {  	[sflag:s6] =	ssyncset.done $0x0  }
0x54: {  	s1 =	rddreg [dreg:$0x7];
	[sflag:s6] =	ssyncadd.s32 $0xFFFFC000  }
0x55: {  	[spmem:s1] =	stream.linear.scatter [tilespmem:s4], [sflag:$0x1], $0x4000, $0x38;
	[tilespmem:$0x19900] =	vst v63  }
0x56: {  	_ =	swait.ge [sflag:s9], $0x4000  }
0x57: {  	[sflag:s9] =	ssyncset.done $0x0  }
0x58: {  	s1 =	rddreg [dreg:$0x8];
	[sflag:s9] =	ssyncadd.s32 $0xFFFFC000  }
0x59: {  	[spmem:s1] =	stream.linear.scatter [tilespmem:s7], [sflag:$0x2], $0x4000, $0x38;
	[tilespmem:$0x19900] =	vst v63  }
0x5a: {  	_ =	swait.ge [sflag:s6], $0x4000  }
0x5b: {  	[sflag:s6] =	ssyncset.done $0x0  }
0x5c: {  	[sflag:s6] =	ssyncadd.s32 $0xFFFFC000  }
0x5d: {  	_ =	swait.ge [sflag:s9], $0x4000  }
0x5e: {  	[sflag:s9] =	ssyncset.done $0x0  }
0x5f: {  	[sflag:s9] =	ssyncadd.s32 $0xFFFFC000  }
0x60: {  	[bflag:$0x0] =	sbarrier.arrive $0xFFFF  }
0x61: {  	_ =	swait.ge [sflag:s5], $0x1900  }
0x62: {  	[sflag:s5] =	ssyncset.done $0x0  }
0x63: {  	s1 =	sld [smem:$0x7DE];
	[sflag:s5] =	ssyncadd.s32 $0xFFFFE700  }
0x64: {  	[tilespmem:s4], [sflag:$0x1] =	stream.indirect.gather [spmem:s3], $0x80, s31, s10, $0xb8;
	[tilespmem:$0x19900] =	vst v63  }
0x65: {  	_ = 	snop  }
0x66: {  	[tilespmem:s11], [sflag:$0x1] =	stream.indirect.gather [spmem:s3], $0x80, s1, s10, $0xb8;
	[tilespmem:$0x19900] =	vst v63  }
0x67: {  	_ =	swait.ge [sflag:s6], $0x8000  }
0x68: {  	s0 =	rddreg [dreg:$0x9];
	[sflag:s6] =	ssyncset.done $0x0  }
0x69: {  	s1 =	sld [smem:$0x7DF];
	[sflag:s6] =	ssyncadd.s32 $0xFFFF8000  }
0x6a: {  	[hbm4b:s0+s2] =	stream.linear.scatter [tilespmem:s4], [sflag:$0x3], $0x8000, $0x38;
	[tilespmem:$0x19900] =	vst v63  }
0x6b: {  	s0 =	sld [smem:$0x7E0]  }
0x6c: {  	[tilespmem:s7], [sflag:$0x2] =	stream.indirect.gather [spmem:s3], $0x80, s1, s10, $0xb8;
	[tilespmem:$0x19900] =	vst v63  }
0x6d: {  	_ = 	snop  }
0x6e: {  	[tilespmem:s12], [sflag:$0x2] =	stream.indirect.gather [spmem:s3], $0x80, s0, s10, $0xb8;
	[tilespmem:$0x19900] =	vst v63  }
0x6f: {  	_ =	swait.ge [sflag:s9], $0x8000  }
0x70: {  	[sflag:s9] =	ssyncset.done $0x0  }
0x71: {  	s1 =	rddreg [dreg:$0xa];
	[sflag:s9] =	ssyncadd.s32 $0xFFFF8000  }
0x72: {  	[hbm4b:s1+s2] =	stream.linear.scatter [tilespmem:s7], [sflag:$0x4], $0x8000, $0x38;
	[tilespmem:$0x19900] =	vst v63  }
0x73: {  	_ =	swait.ge [sflag:s5], $0x8000  }
0x74: {  	s0 =	sld [smem:$0x7E1]  }
0x75: {  	[sflag:s5] =	ssyncset.done $0x0  }
0x76: {  	s1 =	sld [smem:$0x7E2];
	[sflag:s5] =	ssyncadd.s32 $0xFFFF8000  }
0x77: {  	[tilespmem:s4], [sflag:$0x1] =	stream.indirect.gather [spmem:s3], $0x80, s0, s10, $0xb8;
	[tilespmem:$0x19900] =	vst v63  }
0x78: {  	_ = 	snop  }
0x79: {  	[tilespmem:s11], [sflag:$0x1] =	stream.indirect.gather [spmem:s3], $0x80, s1, s10, $0xb8;
	[tilespmem:$0x19900] =	vst v63  }
0x7a: {  	_ =	swait.ge [sflag:s6], $0x8000  }
0x7b: {  	[sflag:s6] =	ssyncset.done $0x0  }
0x7c: {  	s1 =	rddreg [dreg:$0xb];
	[sflag:s6] =	ssyncadd.s32 $0xFFFF8000  }
0x7d: {  	[hbm4b:s1+s2] =	stream.linear.scatter [tilespmem:s4], [sflag:$0x3], $0x8000, $0x38;
	[tilespmem:$0x19900] =	vst v63  }
0x7e: {  	_ =	swait.ge [sflag:s8], $0x8000  }
0x7f: {  	s0 =	sld [smem:$0x7E3]  }
0x80: {  	[sflag:s8] =	ssyncset.done $0x0  }
0x81: {  	s1 =	sld [smem:$0x7E4];
	[sflag:s8] =	ssyncadd.s32 $0xFFFF8000  }
0x82: {  	[tilespmem:s7], [sflag:$0x2] =	stream.indirect.gather [spmem:s3], $0x80, s0, s10, $0xb8;
	[tilespmem:$0x19900] =	vst v63  }
0x83: {  	_ = 	snop  }
0x84: {  	[tilespmem:s12], [sflag:$0x2] =	stream.indirect.gather [spmem:s3], $0x80, s1, s10, $0xb8;
	[tilespmem:$0x19900] =	vst v63  }
0x85: {  	_ =	swait.ge [sflag:s9], $0x8000  }
0x86: {  	[sflag:s9] =	ssyncset.done $0x0  }
0x87: {  	s1 =	rddreg [dreg:$0xc];
	[sflag:s9] =	ssyncadd.s32 $0xFFFF8000  }
0x88: {  	[hbm4b:s1+s2] =	stream.linear.scatter [tilespmem:s7], [sflag:$0x4], $0x8000, $0x38;
	[tilespmem:$0x19900] =	vst v63  }
0x89: {  	_ =	swait.ge [sflag:s5], $0x8000  }
0x8a: {  	s0 =	sld [smem:$0x7E5]  }
0x8b: {  	[sflag:s5] =	ssyncset.done $0x0  }
0x8c: {  	s1 =	sld [smem:$0x7E6];
	[sflag:s5] =	ssyncadd.s32 $0xFFFF8000  }
0x8d: {  	[tilespmem:s4], [sflag:$0x1] =	stream.indirect.gather [spmem:s3], $0x80, s0, s10, $0xb8;
	[tilespmem:$0x19900] =	vst v63  }
0x8e: {  	_ = 	snop  }
0x8f: {  	[tilespmem:s11], [sflag:$0x1] =	stream.indirect.gather [spmem:s3], $0x80, s1, s10, $0xb8;
	[tilespmem:$0x19900] =	vst v63  }
0x90: {  	_ =	swait.ge [sflag:s6], $0x8000  }
0x91: {  	[sflag:s6] =	ssyncset.done $0x0  }
0x92: {  	s1 =	rddreg [dreg:$0xd];
	[sflag:s6] =	ssyncadd.s32 $0xFFFF8000  }
0x93: {  	[hbm4b:s1+s2] =	stream.linear.scatter [tilespmem:s4], [sflag:$0x3], $0x8000, $0x38;
	[tilespmem:$0x19900] =	vst v63  }
0x94: {  	_ =	swait.ge [sflag:s8], $0x8000  }
0x95: {  	s0 =	sld [smem:$0x7E7]  }
0x96: {  	[sflag:s8] =	ssyncset.done $0x0  }
0x97: {  	s1 =	sld [smem:$0x7E8];
	[sflag:s8] =	ssyncadd.s32 $0xFFFF8000  }
0x98: {  	[tilespmem:s7], [sflag:$0x2] =	stream.indirect.gather [spmem:s3], $0x80, s0, s10, $0xb8;
	[tilespmem:$0x19900] =	vst v63  }
0x99: {  	_ = 	snop  }
0x9a: {  	[tilespmem:s12], [sflag:$0x2] =	stream.indirect.gather [spmem:s3], $0x80, s1, s10, $0xb8;
	[tilespmem:$0x19900] =	vst v63  }
0x9b: {  	_ =	swait.ge [sflag:s9], $0x8000  }
0x9c: {  	[sflag:s9] =	ssyncset.done $0x0  }
0x9d: {  	s1 =	rddreg [dreg:$0xe];
	[sflag:s9] =	ssyncadd.s32 $0xFFFF8000  }
0x9e: {  	[hbm4b:s1+s2] =	stream.linear.scatter [tilespmem:s7], [sflag:$0x4], $0x8000, $0x38;
	[tilespmem:$0x19900] =	vst v63  }
0x9f: {  	_ =	swait.ge [sflag:s5], $0x8000  }
0xa0: {  	s0 =	sld [smem:$0x7E9]  }
0xa1: {  	[sflag:s5] =	ssyncset.done $0x0  }
0xa2: {  	s1 =	sld [smem:$0x7EA];
	[sflag:s5] =	ssyncadd.s32 $0xFFFF8000  }
0xa3: {  	[tilespmem:s4], [sflag:$0x1] =	stream.indirect.gather [spmem:s3], $0x80, s0, s10, $0xb8;
	[tilespmem:$0x19900] =	vst v63  }
0xa4: {  	_ = 	snop  }
0xa5: {  	[tilespmem:s11], [sflag:$0x1] =	stream.indirect.gather [spmem:s3], $0x80, s1, s10, $0xb8;
	[tilespmem:$0x19900] =	vst v63  }
0xa6: {  	_ =	swait.ge [sflag:s6], $0x8000  }
0xa7: {  	[sflag:s6] =	ssyncset.done $0x0  }
0xa8: {  	s1 =	rddreg [dreg:$0xf];
	[sflag:s6] =	ssyncadd.s32 $0xFFFF8000  }
0xa9: {  	[hbm4b:s1+s2] =	stream.linear.scatter [tilespmem:s4], [sflag:$0x3], $0x8000, $0x38;
	[tilespmem:$0x19900] =	vst v63  }
0xaa: {  	_ =	swait.ge [sflag:s8], $0x8000  }
0xab: {  	s0 =	sld [smem:$0x7EB]  }
0xac: {  	[sflag:s8] =	ssyncset.done $0x0  }
0xad: {  	s1 =	sld [smem:$0x7EC];
	[sflag:s8] =	ssyncadd.s32 $0xFFFF8000  }
0xae: {  	[tilespmem:s7], [sflag:$0x2] =	stream.indirect.gather [spmem:s3], $0x80, s0, s10, $0xb8;
	[tilespmem:$0x19900] =	vst v63  }
0xaf: {  	_ = 	snop  }
0xb0: {  	[tilespmem:s12], [sflag:$0x2] =	stream.indirect.gather [spmem:s3], $0x80, s1, s10, $0xb8;
	[tilespmem:$0x19900] =	vst v63  }
0xb1: {  	_ =	swait.ge [sflag:s9], $0x8000  }
0xb2: {  	[sflag:s9] =	ssyncset.done $0x0  }
0xb3: {  	s1 =	rddreg [dreg:$0x10];
	[sflag:s9] =	ssyncadd.s32 $0xFFFF8000  }
0xb4: {  	[hbm4b:s1+s2] =	stream.linear.scatter [tilespmem:s7], [sflag:$0x4], $0x8000, $0x38;
	[tilespmem:$0x19900] =	vst v63  }
0xb5: {  	_ =	swait.ge [sflag:s5], $0x8000  }
0xb6: {  	s0 =	sld [smem:$0x7ED]  }
0xb7: {  	[sflag:s5] =	ssyncset.done $0x0  }
0xb8: {  	s1 =	sld [smem:$0x7EE];
	[sflag:s5] =	ssyncadd.s32 $0xFFFF8000  }
0xb9: {  	[tilespmem:s4], [sflag:$0x1] =	stream.indirect.gather [spmem:s3], $0x80, s0, s10, $0xb8;
	[tilespmem:$0x19900] =	vst v63  }
0xba: {  	_ = 	snop  }
0xbb: {  	[tilespmem:s11], [sflag:$0x1] =	stream.indirect.gather [spmem:s3], $0x80, s1, s10, $0xb8;
	[tilespmem:$0x19900] =	vst v63  }
0xbc: {  	_ =	swait.ge [sflag:s6], $0x8000  }
0xbd: {  	[sflag:s6] =	ssyncset.done $0x0  }
0xbe: {  	s1 =	rddreg [dreg:$0x11];
	[sflag:s6] =	ssyncadd.s32 $0xFFFF8000  }
0xbf: {  	[hbm4b:s1+s2] =	stream.linear.scatter [tilespmem:s4], [sflag:$0x3], $0x8000, $0x38;
	[tilespmem:$0x19900] =	vst v63  }
0xc0: {  	_ =	swait.ge [sflag:s8], $0x8000  }
0xc1: {  	s0 =	sld [smem:$0x7EF]  }
0xc2: {  	[sflag:s8] =	ssyncset.done $0x0  }
0xc3: {  	s1 =	sld [smem:$0x7F0];
	[sflag:s8] =	ssyncadd.s32 $0xFFFF8000  }
0xc4: {  	[tilespmem:s7], [sflag:$0x2] =	stream.indirect.gather [spmem:s3], $0x80, s0, s10, $0xb8;
	[tilespmem:$0x19900] =	vst v63  }
0xc5: {  	_ = 	snop  }
0xc6: {  	[tilespmem:s12], [sflag:$0x2] =	stream.indirect.gather [spmem:s3], $0x80, s1, s10, $0xb8;
	[tilespmem:$0x19900] =	vst v63  }
0xc7: {  	_ =	swait.ge [sflag:s9], $0x8000  }
0xc8: {  	[sflag:s9] =	ssyncset.done $0x0  }
0xc9: {  	s1 =	rddreg [dreg:$0x12];
	[sflag:s9] =	ssyncadd.s32 $0xFFFF8000  }
0xca: {  	[hbm4b:s1+s2] =	stream.linear.scatter [tilespmem:s7], [sflag:$0x4], $0x8000, $0x38;
	[tilespmem:$0x19900] =	vst v63  }
0xcb: {  	_ =	swait.ge [sflag:s5], $0x8000  }
0xcc: {  	s0 =	sld [smem:$0x7F1]  }
0xcd: {  	[sflag:s5] =	ssyncset.done $0x0  }
0xce: {  	s1 =	sld [smem:$0x7F2];
	[sflag:s5] =	ssyncadd.s32 $0xFFFF8000  }
0xcf: {  	[tilespmem:s4], [sflag:$0x1] =	stream.indirect.gather [spmem:s3], $0x80, s0, s10, $0xb8;
	[tilespmem:$0x19900] =	vst v63  }
0xd0: {  	_ = 	snop  }
0xd1: {  	[tilespmem:s11], [sflag:$0x1] =	stream.indirect.gather [spmem:s3], $0x80, s1, s10, $0xb8;
	[tilespmem:$0x19900] =	vst v63  }
0xd2: {  	_ =	swait.ge [sflag:s6], $0x8000  }
0xd3: {  	[sflag:s6] =	ssyncset.done $0x0  }
0xd4: {  	s1 =	rddreg [dreg:$0x13];
	[sflag:s6] =	ssyncadd.s32 $0xFFFF8000  }
0xd5: {  	[hbm4b:s1+s2] =	stream.linear.scatter [tilespmem:s4], [sflag:$0x3], $0x8000, $0x38;
	[tilespmem:$0x19900] =	vst v63  }
0xd6: {  	_ =	swait.ge [sflag:s8], $0x8000  }
0xd7: {  	s0 =	sld [smem:$0x7F3]  }
0xd8: {  	[sflag:s8] =	ssyncset.done $0x0  }
0xd9: {  	s1 =	sld [smem:$0x7F4];
	[sflag:s8] =	ssyncadd.s32 $0xFFFF8000  }
0xda: {  	[tilespmem:s7], [sflag:$0x2] =	stream.indirect.gather [spmem:s3], $0x80, s0, s10, $0xb8;
	[tilespmem:$0x19900] =	vst v63  }
0xdb: {  	_ = 	snop  }
0xdc: {  	[tilespmem:s12], [sflag:$0x2] =	stream.indirect.gather [spmem:s3], $0x80, s1, s10, $0xb8;
	[tilespmem:$0x19900] =	vst v63  }
0xdd: {  	_ =	swait.ge [sflag:s9], $0x8000  }
0xde: {  	[sflag:s9] =	ssyncset.done $0x0  }
0xdf: {  	s1 =	rddreg [dreg:$0x14];
	[sflag:s9] =	ssyncadd.s32 $0xFFFF8000  }
0xe0: {  	[hbm4b:s1+s2] =	stream.linear.scatter [tilespmem:s7], [sflag:$0x4], $0x8000, $0x38;
	[tilespmem:$0x19900] =	vst v63  }
0xe1: {  	_ =	swait.ge [sflag:s5], $0x8000  }
0xe2: {  	s0 =	sld [smem:$0x7F5]  }
0xe3: {  	[sflag:s5] =	ssyncset.done $0x0  }
0xe4: {  	s1 =	sld [smem:$0x7F6];
	[sflag:s5] =	ssyncadd.s32 $0xFFFF8000  }
0xe5: {  	[tilespmem:s4], [sflag:$0x1] =	stream.indirect.gather [spmem:s3], $0x80, s0, s10, $0xb8;
	[tilespmem:$0x19900] =	vst v63  }
0xe6: {  	_ = 	snop  }
0xe7: {  	[tilespmem:s11], [sflag:$0x1] =	stream.indirect.gather [spmem:s3], $0x80, s1, s10, $0xb8;
	[tilespmem:$0x19900] =	vst v63  }
0xe8: {  	_ =	swait.ge [sflag:s6], $0x8000  }
0xe9: {  	[sflag:s6] =	ssyncset.done $0x0  }
0xea: {  	s1 =	rddreg [dreg:$0x15];
	[sflag:s6] =	ssyncadd.s32 $0xFFFF8000  }
0xeb: {  	[hbm4b:s1+s2] =	stream.linear.scatter [tilespmem:s4], [sflag:$0x3], $0x8000, $0x38;
	[tilespmem:$0x19900] =	vst v63  }
0xec: {  	_ =	swait.ge [sflag:s8], $0x8000  }
0xed: {  	s0 =	sld [smem:$0x7F7]  }
0xee: {  	[sflag:s8] =	ssyncset.done $0x0  }
0xef: {  	s1 =	sld [smem:$0x7F8];
	[sflag:s8] =	ssyncadd.s32 $0xFFFF8000  }
0xf0: {  	[tilespmem:s7], [sflag:$0x2] =	stream.indirect.gather [spmem:s3], $0x80, s0, s10, $0xb8;
	[tilespmem:$0x19900] =	vst v63  }
0xf1: {  	_ = 	snop  }
0xf2: {  	[tilespmem:s12], [sflag:$0x2] =	stream.indirect.gather [spmem:s3], $0x80, s1, s10, $0xb8;
	[tilespmem:$0x19900] =	vst v63  }
0xf3: {  	_ =	swait.ge [sflag:s9], $0x8000  }
0xf4: {  	[sflag:s9] =	ssyncset.done $0x0  }
0xf5: {  	s1 =	rddreg [dreg:$0x16];
	[sflag:s9] =	ssyncadd.s32 $0xFFFF8000  }
0xf6: {  	[hbm4b:s1+s2] =	stream.linear.scatter [tilespmem:s7], [sflag:$0x4], $0x8000, $0x38;
	[tilespmem:$0x19900] =	vst v63  }
0xf7: {  	_ =	swait.ge [sflag:s5], $0x8000  }
0xf8: {  	s0 =	sld [smem:$0x7F9]  }
0xf9: {  	[sflag:s5] =	ssyncset.done $0x0  }
0xfa: {  	s1 =	sld [smem:$0x7FA];
	[sflag:s5] =	ssyncadd.s32 $0xFFFF8000  }
0xfb: {  	[tilespmem:s4], [sflag:$0x1] =	stream.indirect.gather [spmem:s3], $0x80, s0, s10, $0xb8;
	[tilespmem:$0x19900] =	vst v63  }
0xfc: {  	_ = 	snop  }
0xfd: {  	[tilespmem:s11], [sflag:$0x1] =	stream.indirect.gather [spmem:s3], $0x80, s1, s10, $0xb8;
	[tilespmem:$0x19900] =	vst v63  }
0xfe: {  	_ =	swait.ge [sflag:s6], $0x8000  }
0xff: {  	[sflag:s6] =	ssyncset.done $0x0  }
0x100: {  	s1 =	rddreg [dreg:$0x17];
	[sflag:s6] =	ssyncadd.s32 $0xFFFF8000  }
0x101: {  	[hbm4b:s1+s2] =	stream.linear.scatter [tilespmem:s4], [sflag:$0x3], $0x8000, $0x38;
	[tilespmem:$0x19900] =	vst v63  }
0x102: {  	_ =	swait.ge [sflag:s8], $0x8000  }
0x103: {  	s0 =	sld [smem:$0x7FB]  }
0x104: {  	[sflag:s8] =	ssyncset.done $0x0  }
0x105: {  	s1 =	sld [smem:$0x7FC];
	[sflag:s8] =	ssyncadd.s32 $0xFFFF8000  }
0x106: {  	[tilespmem:s7], [sflag:$0x2] =	stream.indirect.gather [spmem:s3], $0x80, s0, s10, $0xb8;
	[tilespmem:$0x19900] =	vst v63  }
0x107: {  	_ = 	snop  }
0x108: {  	[tilespmem:s12], [sflag:$0x2] =	stream.indirect.gather [spmem:s3], $0x80, s1, s10, $0xb8;
	[tilespmem:$0x19900] =	vst v63  }
0x109: {  	_ =	swait.ge [sflag:s9], $0x8000  }
0x10a: {  	[sflag:s9] =	ssyncset.done $0x0  }
0x10b: {  	s1 =	rddreg [dreg:$0x18];
	[sflag:s9] =	ssyncadd.s32 $0xFFFF8000  }
0x10c: {  	[hbm4b:s1+s2] =	stream.linear.scatter [tilespmem:s7], [sflag:$0x4], $0x8000, $0x38;
	[tilespmem:$0x19900] =	vst v63  }
0x10d: {  	_ =	swait.ge [sflag:s5], $0x8000  }
0x10e: {  	s1 =	sld [smem:$0x7FD]  }
0x10f: {  	[sflag:s5] =	ssyncset.done $0x0  }
0x110: {  	[sflag:s5] =	ssyncadd.s32 $0xFFFF8000  }
0x111: {  	[tilespmem:s4], [sflag:$0x1] =	stream.indirect.gather [spmem:s3], $0x80, s1, s10, $0xb8;
	[tilespmem:$0x19900] =	vst v63  }
0x112: {  	_ = 	snop  }
0x113: {  	[tilespmem:s11], [sflag:$0x1] =	stream.indirect.gather [spmem:s3], $0x80, s20, s10, $0xb8;
	[tilespmem:$0x19900] =	vst v63  }
0x114: {  	_ =	swait.ge [sflag:s6], $0x8000  }
0x115: {  	[sflag:s6] =	ssyncset.done $0x0  }
0x116: {  	s1 =	rddreg [dreg:$0x19];
	[sflag:s6] =	ssyncadd.s32 $0xFFFF8000  }
0x117: {  	[hbm4b:s1+s2] =	stream.linear.scatter [tilespmem:s4], [sflag:$0x3], $0x8000, $0x38;
	[tilespmem:$0x19900] =	vst v63  }
0x118: {  	_ =	swait.ge [sflag:s8], $0x8000  }
0x119: {  	[sflag:s8] =	ssyncset.done $0x0  }
0x11a: {  	[sflag:s8] =	ssyncadd.s32 $0xFFFF8000  }
0x11b: {  	[tilespmem:s7], [sflag:$0x2] =	stream.indirect.gather [spmem:s3], $0x80, s29, s10, $0xb8;
	[tilespmem:$0x19900] =	vst v63  }
0x11c: {  	_ = 	snop  }
0x11d: {  	[tilespmem:s12], [sflag:$0x2] =	stream.indirect.gather [spmem:s3], $0x80, s30, s10, $0xb8;
	[tilespmem:$0x19900] =	vst v63  }
0x11e: {  	_ =	swait.ge [sflag:s9], $0x8000  }
0x11f: {  	[sflag:s9] =	ssyncset.done $0x0  }
0x120: {  	s1 =	rddreg [dreg:$0x1a];
	[sflag:s9] =	ssyncadd.s32 $0xFFFF8000  }
0x121: {  	[hbm4b:s1+s2] =	stream.linear.scatter [tilespmem:s7], [sflag:$0x4], $0x8000, $0x38;
	[tilespmem:$0x19900] =	vst v63  }
0x122: {  	_ =	swait.ge [sflag:s5], $0x8000  }
0x123: {  	[sflag:s5] =	ssyncset.done $0x0  }
0x124: {  	[sflag:s5] =	ssyncadd.s32 $0xFFFF8000  }
0x125: {  	[tilespmem:s4], [sflag:$0x1] =	stream.indirect.gather [spmem:s3], $0x80, s26, s10, $0xb8;
	[tilespmem:$0x19900] =	vst v63  }
0x126: {  	_ = 	snop  }
0x127: {  	[tilespmem:s11], [sflag:$0x1] =	stream.indirect.gather [spmem:s3], $0x80, s28, s10, $0xb8;
	[tilespmem:$0x19900] =	vst v63  }
0x128: {  	_ =	swait.ge [sflag:s6], $0x8000  }
0x129: {  	[sflag:s6] =	ssyncset.done $0x0  }
0x12a: {  	s1 =	rddreg [dreg:$0x1b];
	[sflag:s6] =	ssyncadd.s32 $0xFFFF8000  }
0x12b: {  	[hbm4b:s1+s2] =	stream.linear.scatter [tilespmem:s4], [sflag:$0x3], $0x8000, $0x38;
	[tilespmem:$0x19900] =	vst v63  }
0x12c: {  	_ =	swait.ge [sflag:s8], $0x8000  }
0x12d: {  	[sflag:s8] =	ssyncset.done $0x0  }
0x12e: {  	[sflag:s8] =	ssyncadd.s32 $0xFFFF8000  }
0x12f: {  	[tilespmem:s7], [sflag:$0x2] =	stream.indirect.gather [spmem:s3], $0x80, s24, s10, $0xb8;
	[tilespmem:$0x19900] =	vst v63  }
0x130: {  	_ = 	snop  }
0x131: {  	[tilespmem:s12], [sflag:$0x2] =	stream.indirect.gather [spmem:s3], $0x80, s25, s10, $0xb8;
	[tilespmem:$0x19900] =	vst v63  }
0x132: {  	_ =	swait.ge [sflag:s9], $0x8000  }
0x133: {  	[sflag:s9] =	ssyncset.done $0x0  }
0x134: {  	s1 =	rddreg [dreg:$0x1c];
	[sflag:s9] =	ssyncadd.s32 $0xFFFF8000  }
0x135: {  	[hbm4b:s1+s2] =	stream.linear.scatter [tilespmem:s7], [sflag:$0x4], $0x8000, $0x38;
	[tilespmem:$0x19900] =	vst v63  }
0x136: {  	_ =	swait.ge [sflag:s5], $0x8000  }
0x137: {  	[sflag:s5] =	ssyncset.done $0x0  }
0x138: {  	[sflag:s5] =	ssyncadd.s32 $0xFFFF8000  }
0x139: {  	[tilespmem:s4], [sflag:$0x1] =	stream.indirect.gather [spmem:s3], $0x80, s22, s10, $0xb8;
	[tilespmem:$0x19900] =	vst v63  }
0x13a: {  	_ = 	snop  }
0x13b: {  	[tilespmem:s11], [sflag:$0x1] =	stream.indirect.gather [spmem:s3], $0x80, s23, s10, $0xb8;
	[tilespmem:$0x19900] =	vst v63  }
0x13c: {  	_ =	swait.ge [sflag:s6], $0x8000  }
0x13d: {  	[sflag:s6] =	ssyncset.done $0x0  }
0x13e: {  	s1 =	rddreg [dreg:$0x1d];
	[sflag:s6] =	ssyncadd.s32 $0xFFFF8000  }
0x13f: {  	[hbm4b:s1+s2] =	stream.linear.scatter [tilespmem:s4], [sflag:$0x3], $0x8000, $0x38;
	[tilespmem:$0x19900] =	vst v63  }
0x140: {  	_ =	swait.ge [sflag:s8], $0x8000  }
0x141: {  	[sflag:s8] =	ssyncset.done $0x0  }
0x142: {  	s1 =	simm.s32 $0x9500;
	[sflag:s8] =	ssyncadd.s32 $0xFFFF8000  }
0x143: {  	[tilespmem:s7], [sflag:$0x2] =	stream.indirect.gather [spmem:s3], $0x80, s1, s10, $0xb8;
	[tilespmem:$0x19900] =	vst v63  }
0x144: {  	_ = 	snop  }
0x145: {  	[tilespmem:s12], [sflag:$0x2] =	stream.indirect.gather [spmem:s3], $0x80, s21, s10, $0xb8;
	[tilespmem:$0x19900] =	vst v63  }
0x146: {  	_ =	swait.ge [sflag:s9], $0x8000  }
0x147: {  	[sflag:s9] =	ssyncset.done $0x0  }
0x148: {  	s1 =	rddreg [dreg:$0x1e];
	[sflag:s9] =	ssyncadd.s32 $0xFFFF8000  }
0x149: {  	[hbm4b:s1+s2] =	stream.linear.scatter [tilespmem:s7], [sflag:$0x4], $0x8000, $0x38;
	[tilespmem:$0x19900] =	vst v63  }
0x14a: {  	_ =	swait.ge [sflag:s5], $0x8000  }
0x14b: {  	[sflag:s5] =	ssyncset.done $0x0  }
0x14c: {  	[sflag:s5] =	ssyncadd.s32 $0xFFFF8000  }
0x14d: {  	[tilespmem:s4], [sflag:$0x1] =	stream.indirect.gather [spmem:s3], $0x80, s18, s10, $0xb8;
	[tilespmem:$0x19900] =	vst v63  }
0x14e: {  	_ = 	snop  }
0x14f: {  	[tilespmem:s11], [sflag:$0x1] =	stream.indirect.gather [spmem:s3], $0x80, s19, s10, $0xb8;
	[tilespmem:$0x19900] =	vst v63  }
0x150: {  	_ =	swait.ge [sflag:s6], $0x8000  }
0x151: {  	[sflag:s6] =	ssyncset.done $0x0  }
0x152: {  	s1 =	rddreg [dreg:$0x1f];
	[sflag:s6] =	ssyncadd.s32 $0xFFFF8000  }
0x153: {  	[hbm4b:s1+s2] =	stream.linear.scatter [tilespmem:s4], [sflag:$0x3], $0x8000, $0x38;
	[tilespmem:$0x19900] =	vst v63  }
0x154: {  	_ =	swait.ge [sflag:s8], $0x8000  }
0x155: {  	[sflag:s8] =	ssyncset.done $0x0  }
0x156: {  	[sflag:s8] =	ssyncadd.s32 $0xFFFF8000  }
0x157: {  	[tilespmem:s7], [sflag:$0x2] =	stream.indirect.gather [spmem:s3], $0x80, s16, s10, $0xb8;
	[tilespmem:$0x19900] =	vst v63  }
0x158: {  	_ = 	snop  }
0x159: {  	[tilespmem:s12], [sflag:$0x2] =	stream.indirect.gather [spmem:s3], $0x80, s17, s10, $0xb8;
	[tilespmem:$0x19900] =	vst v63  }
0x15a: {  	_ =	swait.ge [sflag:s9], $0x8000  }
0x15b: {  	s1 =	sld [smem:$0x7DC]  }
0x15c: {  	[sflag:s9] =	ssyncset.done $0x0  }
0x15d: {  	[sflag:s9] =	ssyncadd.s32 $0xFFFF8000  }
0x15e: {  	[hbm4b:s1+s2] =	stream.linear.scatter [tilespmem:s7], [sflag:$0x4], $0x8000, $0x38;
	[tilespmem:$0x19900] =	vst v63  }
0x15f: {  	_ =	swait.ge [sflag:s5], $0x8000  }
0x160: {  	[sflag:s5] =	ssyncset.done $0x0  }
0x161: {  	[sflag:s5] =	ssyncadd.s32 $0xFFFF8000  }
0x162: {  	[tilespmem:s4], [sflag:$0x1] =	stream.indirect.gather [spmem:s3], $0x80, s14, s10, $0xb8;
	[tilespmem:$0x19900] =	vst v63  }
0x163: {  	_ = 	snop  }
0x164: {  	[tilespmem:s11], [sflag:$0x1] =	stream.indirect.gather [spmem:s3], $0x80, s15, s10, $0xb8;
	[tilespmem:$0x19900] =	vst v63  }
0x165: {  	_ =	swait.ge [sflag:s6], $0x8000  }
0x166: {  	s1 =	sld [smem:$0x7DD]  }
0x167: {  	[sflag:s6] =	ssyncset.done $0x0  }
0x168: {  	p1 =	sne.s32 s13, $0x1;
	[sflag:s6] =	ssyncadd.s32 $0xFFFF8000  }
0x169: {  	[hbm4b:s1+s2] =	stream.linear.scatter [tilespmem:s4], [sflag:$0x3], $0x8000, $0x38;
	[tilespmem:$0x19900] =	vst v63  }
.Ltmp1:
0x16a: {  	_ =	swait.ge [sflag:s8], $0x8000;
	(pc) =	sbr.rel @!p1 .LBB2_3-.Ltmp1, $4  }
0x16b: {  	[sflag:s8] =	ssyncset.done $0x0  }
0x16c: {  	[sflag:s8] =	ssyncadd.s32 $0xFFFF8000  }
0x16d: {  	p0 =	por $0x1, $0x1;
	_ =	swait.ge [sflag:s5], $0x8000  }
0x16e: {  	s1 =	sadd.s32 $0xFFFFFFFF, s13;
	s0 =	rddreg [dreg:$0x4];
	[sflag:s5] =	ssyncset.done $0x0  }
.LBB2_4:
0x16f: {  	[sflag:s5] =	ssyncadd.s32 $0xFFFF8000  }
0x170: {  	[tilespmem:s31], [sflag:$0x3] =	stream.linear.gather [hbm4b:s0+s2], $0x1900, $0x38;
	[tilespmem:$0x19900] =	vst v63  }
0x171: {  	s13 =	rddreg [dreg:$0x5]  }
0x172: {  	[tilespmem:s4], [sflag:$0x1] =	stream.linear.gather [hbm4b:s13+s2], $0x4000, $0x38;
	[tilespmem:$0x19900] =	vst v63  }
0x173: {  	s0 =	rddreg [dreg:$0x6]  }
0x174: {  	[tilespmem:s7], [sflag:$0x2] =	stream.linear.gather [hbm4b:s0+s2], $0x4000, $0x38;
	[tilespmem:$0x19900] =	vst v63  }
0x175: {  	_ =	swait.ge [sflag:s6], $0x4000  }
0x176: {  	[sflag:s6] =	ssyncset.done $0x0  }
0x177: {  	s13 =	rddreg [dreg:$0x7];
	[sflag:s6] =	ssyncadd.s32 $0xFFFFC000  }
0x178: {  	[spmem:s13] =	stream.linear.scatter [tilespmem:s4], [sflag:$0x1], $0x4000, $0x38;
	[tilespmem:$0x19900] =	vst v63  }
0x179: {  	_ =	swait.ge [sflag:s9], $0x4000  }
0x17a: {  	[sflag:s9] =	ssyncset.done $0x0  }
0x17b: {  	s13 =	rddreg [dreg:$0x8];
	[sflag:s9] =	ssyncadd.s32 $0xFFFFC000  }
0x17c: {  	[spmem:s13] =	stream.linear.scatter [tilespmem:s7], [sflag:$0x2], $0x4000, $0x38;
	[tilespmem:$0x19900] =	vst v63  }
0x17d: {  	_ =	swait.ge [sflag:s6], $0x4000  }
0x17e: {  	[sflag:s6] =	ssyncset.done $0x0  }
0x17f: {  	[sflag:s6] =	ssyncadd.s32 $0xFFFFC000  }
0x180: {  	_ =	swait.ge [sflag:s9], $0x4000  }
0x181: {  	[sflag:s9] =	ssyncset.done $0x0  }
0x182: {  	[sflag:s9] =	ssyncadd.s32 $0xFFFFC000  }
0x183: {  	[bflag:$0x0] =	sbarrier.arrive $0xFFFF  }
0x184: {  	_ =	swait.ge [sflag:s5], $0x1900  }
0x185: {  	[sflag:s5] =	ssyncset.done $0x0  }
0x186: {  	s13 =	sld [smem:$0x7DE];
	[sflag:s5] =	ssyncadd.s32 $0xFFFFE700  }
0x187: {  	[tilespmem:s4], [sflag:$0x1] =	stream.indirect.gather [spmem:s3], $0x80, s31, s10, $0xb8;
	[tilespmem:$0x19900] =	vst v63  }
0x188: {  	_ = 	snop  }
0x189: {  	[tilespmem:s11], [sflag:$0x1] =	stream.indirect.gather [spmem:s3], $0x80, s13, s10, $0xb8;
	[tilespmem:$0x19900] =	vst v63  }
0x18a: {  	_ =	swait.ge [sflag:s6], $0x8000  }
0x18b: {  	s0 =	rddreg [dreg:$0x9];
	[sflag:s6] =	ssyncset.done $0x0  }
0x18c: {  	s13 =	sld [smem:$0x7DF];
	[sflag:s6] =	ssyncadd.s32 $0xFFFF8000  }
0x18d: {  	[hbm4b:s0+s2] =	stream.linear.scatter [tilespmem:s4], [sflag:$0x3], $0x8000, $0x38;
	[tilespmem:$0x19900] =	vst v63  }
0x18e: {  	s0 =	sld [smem:$0x7E0]  }
0x18f: {  	[tilespmem:s7], [sflag:$0x2] =	stream.indirect.gather [spmem:s3], $0x80, s13, s10, $0xb8;
	[tilespmem:$0x19900] =	vst v63  }
0x190: {  	_ = 	snop  }
0x191: {  	[tilespmem:s12], [sflag:$0x2] =	stream.indirect.gather [spmem:s3], $0x80, s0, s10, $0xb8;
	[tilespmem:$0x19900] =	vst v63  }
0x192: {  	_ =	swait.ge [sflag:s9], $0x8000  }
0x193: {  	[sflag:s9] =	ssyncset.done $0x0  }
0x194: {  	s13 =	rddreg [dreg:$0xa];
	[sflag:s9] =	ssyncadd.s32 $0xFFFF8000  }
0x195: {  	[hbm4b:s13+s2] =	stream.linear.scatter [tilespmem:s7], [sflag:$0x4], $0x8000, $0x38;
	[tilespmem:$0x19900] =	vst v63  }
0x196: {  	_ =	swait.ge [sflag:s5], $0x8000  }
0x197: {  	s0 =	sld [smem:$0x7E1]  }
0x198: {  	[sflag:s5] =	ssyncset.done $0x0  }
0x199: {  	s13 =	sld [smem:$0x7E2];
	[sflag:s5] =	ssyncadd.s32 $0xFFFF8000  }
0x19a: {  	[tilespmem:s4], [sflag:$0x1] =	stream.indirect.gather [spmem:s3], $0x80, s0, s10, $0xb8;
	[tilespmem:$0x19900] =	vst v63  }
0x19b: {  	_ = 	snop  }
0x19c: {  	[tilespmem:s11], [sflag:$0x1] =	stream.indirect.gather [spmem:s3], $0x80, s13, s10, $0xb8;
	[tilespmem:$0x19900] =	vst v63  }
0x19d: {  	_ =	swait.ge [sflag:s6], $0x8000  }
0x19e: {  	[sflag:s6] =	ssyncset.done $0x0  }
0x19f: {  	s13 =	rddreg [dreg:$0xb];
	[sflag:s6] =	ssyncadd.s32 $0xFFFF8000  }
0x1a0: {  	[hbm4b:s13+s2] =	stream.linear.scatter [tilespmem:s4], [sflag:$0x3], $0x8000, $0x38;
	[tilespmem:$0x19900] =	vst v63  }
0x1a1: {  	_ =	swait.ge [sflag:s8], $0x8000  }
0x1a2: {  	s0 =	sld [smem:$0x7E3]  }
0x1a3: {  	[sflag:s8] =	ssyncset.done $0x0  }
0x1a4: {  	s13 =	sld [smem:$0x7E4];
	[sflag:s8] =	ssyncadd.s32 $0xFFFF8000  }
0x1a5: {  	[tilespmem:s7], [sflag:$0x2] =	stream.indirect.gather [spmem:s3], $0x80, s0, s10, $0xb8;
	[tilespmem:$0x19900] =	vst v63  }
0x1a6: {  	_ = 	snop  }
0x1a7: {  	[tilespmem:s12], [sflag:$0x2] =	stream.indirect.gather [spmem:s3], $0x80, s13, s10, $0xb8;
	[tilespmem:$0x19900] =	vst v63  }
0x1a8: {  	_ =	swait.ge [sflag:s9], $0x8000  }
0x1a9: {  	[sflag:s9] =	ssyncset.done $0x0  }
0x1aa: {  	s13 =	rddreg [dreg:$0xc];
	[sflag:s9] =	ssyncadd.s32 $0xFFFF8000  }
0x1ab: {  	[hbm4b:s13+s2] =	stream.linear.scatter [tilespmem:s7], [sflag:$0x4], $0x8000, $0x38;
	[tilespmem:$0x19900] =	vst v63  }
0x1ac: {  	_ =	swait.ge [sflag:s5], $0x8000  }
0x1ad: {  	s0 =	sld [smem:$0x7E5]  }
0x1ae: {  	[sflag:s5] =	ssyncset.done $0x0  }
0x1af: {  	s13 =	sld [smem:$0x7E6];
	[sflag:s5] =	ssyncadd.s32 $0xFFFF8000  }
0x1b0: {  	[tilespmem:s4], [sflag:$0x1] =	stream.indirect.gather [spmem:s3], $0x80, s0, s10, $0xb8;
	[tilespmem:$0x19900] =	vst v63  }
0x1b1: {  	_ = 	snop  }
0x1b2: {  	[tilespmem:s11], [sflag:$0x1] =	stream.indirect.gather [spmem:s3], $0x80, s13, s10, $0xb8;
	[tilespmem:$0x19900] =	vst v63  }
0x1b3: {  	_ =	swait.ge [sflag:s6], $0x8000  }
0x1b4: {  	[sflag:s6] =	ssyncset.done $0x0  }
0x1b5: {  	s13 =	rddreg [dreg:$0xd];
	[sflag:s6] =	ssyncadd.s32 $0xFFFF8000  }
0x1b6: {  	[hbm4b:s13+s2] =	stream.linear.scatter [tilespmem:s4], [sflag:$0x3], $0x8000, $0x38;
	[tilespmem:$0x19900] =	vst v63  }
0x1b7: {  	_ =	swait.ge [sflag:s8], $0x8000  }
0x1b8: {  	s0 =	sld [smem:$0x7E7]  }
0x1b9: {  	[sflag:s8] =	ssyncset.done $0x0  }
0x1ba: {  	s13 =	sld [smem:$0x7E8];
	[sflag:s8] =	ssyncadd.s32 $0xFFFF8000  }
0x1bb: {  	[tilespmem:s7], [sflag:$0x2] =	stream.indirect.gather [spmem:s3], $0x80, s0, s10, $0xb8;
	[tilespmem:$0x19900] =	vst v63  }
0x1bc: {  	_ = 	snop  }
0x1bd: {  	[tilespmem:s12], [sflag:$0x2] =	stream.indirect.gather [spmem:s3], $0x80, s13, s10, $0xb8;
	[tilespmem:$0x19900] =	vst v63  }
0x1be: {  	_ =	swait.ge [sflag:s9], $0x8000  }
0x1bf: {  	[sflag:s9] =	ssyncset.done $0x0  }
0x1c0: {  	s13 =	rddreg [dreg:$0xe];
	[sflag:s9] =	ssyncadd.s32 $0xFFFF8000  }
0x1c1: {  	[hbm4b:s13+s2] =	stream.linear.scatter [tilespmem:s7], [sflag:$0x4], $0x8000, $0x38;
	[tilespmem:$0x19900] =	vst v63  }
0x1c2: {  	_ =	swait.ge [sflag:s5], $0x8000  }
0x1c3: {  	s0 =	sld [smem:$0x7E9]  }
0x1c4: {  	[sflag:s5] =	ssyncset.done $0x0  }
0x1c5: {  	s13 =	sld [smem:$0x7EA];
	[sflag:s5] =	ssyncadd.s32 $0xFFFF8000  }
0x1c6: {  	[tilespmem:s4], [sflag:$0x1] =	stream.indirect.gather [spmem:s3], $0x80, s0, s10, $0xb8;
	[tilespmem:$0x19900] =	vst v63  }
0x1c7: {  	_ = 	snop  }
0x1c8: {  	[tilespmem:s11], [sflag:$0x1] =	stream.indirect.gather [spmem:s3], $0x80, s13, s10, $0xb8;
	[tilespmem:$0x19900] =	vst v63  }
0x1c9: {  	_ =	swait.ge [sflag:s6], $0x8000  }
0x1ca: {  	[sflag:s6] =	ssyncset.done $0x0  }
0x1cb: {  	s13 =	rddreg [dreg:$0xf];
	[sflag:s6] =	ssyncadd.s32 $0xFFFF8000  }
0x1cc: {  	[hbm4b:s13+s2] =	stream.linear.scatter [tilespmem:s4], [sflag:$0x3], $0x8000, $0x38;
	[tilespmem:$0x19900] =	vst v63  }
0x1cd: {  	_ =	swait.ge [sflag:s8], $0x8000  }
0x1ce: {  	s0 =	sld [smem:$0x7EB]  }
0x1cf: {  	[sflag:s8] =	ssyncset.done $0x0  }
0x1d0: {  	s13 =	sld [smem:$0x7EC];
	[sflag:s8] =	ssyncadd.s32 $0xFFFF8000  }
0x1d1: {  	[tilespmem:s7], [sflag:$0x2] =	stream.indirect.gather [spmem:s3], $0x80, s0, s10, $0xb8;
	[tilespmem:$0x19900] =	vst v63  }
0x1d2: {  	_ = 	snop  }
0x1d3: {  	[tilespmem:s12], [sflag:$0x2] =	stream.indirect.gather [spmem:s3], $0x80, s13, s10, $0xb8;
	[tilespmem:$0x19900] =	vst v63  }
0x1d4: {  	_ =	swait.ge [sflag:s9], $0x8000  }
0x1d5: {  	[sflag:s9] =	ssyncset.done $0x0  }
0x1d6: {  	s13 =	rddreg [dreg:$0x10];
	[sflag:s9] =	ssyncadd.s32 $0xFFFF8000  }
0x1d7: {  	[hbm4b:s13+s2] =	stream.linear.scatter [tilespmem:s7], [sflag:$0x4], $0x8000, $0x38;
	[tilespmem:$0x19900] =	vst v63  }
0x1d8: {  	_ =	swait.ge [sflag:s5], $0x8000  }
0x1d9: {  	s0 =	sld [smem:$0x7ED]  }
0x1da: {  	[sflag:s5] =	ssyncset.done $0x0  }
0x1db: {  	s13 =	sld [smem:$0x7EE];
	[sflag:s5] =	ssyncadd.s32 $0xFFFF8000  }
0x1dc: {  	[tilespmem:s4], [sflag:$0x1] =	stream.indirect.gather [spmem:s3], $0x80, s0, s10, $0xb8;
	[tilespmem:$0x19900] =	vst v63  }
0x1dd: {  	_ = 	snop  }
0x1de: {  	[tilespmem:s11], [sflag:$0x1] =	stream.indirect.gather [spmem:s3], $0x80, s13, s10, $0xb8;
	[tilespmem:$0x19900] =	vst v63  }
0x1df: {  	_ =	swait.ge [sflag:s6], $0x8000  }
0x1e0: {  	[sflag:s6] =	ssyncset.done $0x0  }
0x1e1: {  	s13 =	rddreg [dreg:$0x11];
	[sflag:s6] =	ssyncadd.s32 $0xFFFF8000  }
0x1e2: {  	[hbm4b:s13+s2] =	stream.linear.scatter [tilespmem:s4], [sflag:$0x3], $0x8000, $0x38;
	[tilespmem:$0x19900] =	vst v63  }
0x1e3: {  	_ =	swait.ge [sflag:s8], $0x8000  }
0x1e4: {  	s0 =	sld [smem:$0x7EF]  }
0x1e5: {  	[sflag:s8] =	ssyncset.done $0x0  }
0x1e6: {  	s13 =	sld [smem:$0x7F0];
	[sflag:s8] =	ssyncadd.s32 $0xFFFF8000  }
0x1e7: {  	[tilespmem:s7], [sflag:$0x2] =	stream.indirect.gather [spmem:s3], $0x80, s0, s10, $0xb8;
	[tilespmem:$0x19900] =	vst v63  }
0x1e8: {  	_ = 	snop  }
0x1e9: {  	[tilespmem:s12], [sflag:$0x2] =	stream.indirect.gather [spmem:s3], $0x80, s13, s10, $0xb8;
	[tilespmem:$0x19900] =	vst v63  }
0x1ea: {  	_ =	swait.ge [sflag:s9], $0x8000  }
0x1eb: {  	[sflag:s9] =	ssyncset.done $0x0  }
0x1ec: {  	s13 =	rddreg [dreg:$0x12];
	[sflag:s9] =	ssyncadd.s32 $0xFFFF8000  }
0x1ed: {  	[hbm4b:s13+s2] =	stream.linear.scatter [tilespmem:s7], [sflag:$0x4], $0x8000, $0x38;
	[tilespmem:$0x19900] =	vst v63  }
0x1ee: {  	_ =	swait.ge [sflag:s5], $0x8000  }
0x1ef: {  	s0 =	sld [smem:$0x7F1]  }
0x1f0: {  	[sflag:s5] =	ssyncset.done $0x0  }
0x1f1: {  	s13 =	sld [smem:$0x7F2];
	[sflag:s5] =	ssyncadd.s32 $0xFFFF8000  }
0x1f2: {  	[tilespmem:s4], [sflag:$0x1] =	stream.indirect.gather [spmem:s3], $0x80, s0, s10, $0xb8;
	[tilespmem:$0x19900] =	vst v63  }
0x1f3: {  	_ = 	snop  }
0x1f4: {  	[tilespmem:s11], [sflag:$0x1] =	stream.indirect.gather [spmem:s3], $0x80, s13, s10, $0xb8;
	[tilespmem:$0x19900] =	vst v63  }
0x1f5: {  	_ =	swait.ge [sflag:s6], $0x8000  }
0x1f6: {  	[sflag:s6] =	ssyncset.done $0x0  }
0x1f7: {  	s13 =	rddreg [dreg:$0x13];
	[sflag:s6] =	ssyncadd.s32 $0xFFFF8000  }
0x1f8: {  	[hbm4b:s13+s2] =	stream.linear.scatter [tilespmem:s4], [sflag:$0x3], $0x8000, $0x38;
	[tilespmem:$0x19900] =	vst v63  }
0x1f9: {  	_ =	swait.ge [sflag:s8], $0x8000  }
0x1fa: {  	s0 =	sld [smem:$0x7F3]  }
0x1fb: {  	[sflag:s8] =	ssyncset.done $0x0  }
0x1fc: {  	s13 =	sld [smem:$0x7F4];
	[sflag:s8] =	ssyncadd.s32 $0xFFFF8000  }
0x1fd: {  	[tilespmem:s7], [sflag:$0x2] =	stream.indirect.gather [spmem:s3], $0x80, s0, s10, $0xb8;
	[tilespmem:$0x19900] =	vst v63  }
0x1fe: {  	_ = 	snop  }
0x1ff: {  	[tilespmem:s12], [sflag:$0x2] =	stream.indirect.gather [spmem:s3], $0x80, s13, s10, $0xb8;
	[tilespmem:$0x19900] =	vst v63  }
0x200: {  	_ =	swait.ge [sflag:s9], $0x8000  }
0x201: {  	[sflag:s9] =	ssyncset.done $0x0  }
0x202: {  	s13 =	rddreg [dreg:$0x14];
	[sflag:s9] =	ssyncadd.s32 $0xFFFF8000  }
0x203: {  	[hbm4b:s13+s2] =	stream.linear.scatter [tilespmem:s7], [sflag:$0x4], $0x8000, $0x38;
	[tilespmem:$0x19900] =	vst v63  }
0x204: {  	_ =	swait.ge [sflag:s5], $0x8000  }
0x205: {  	s0 =	sld [smem:$0x7F5]  }
0x206: {  	[sflag:s5] =	ssyncset.done $0x0  }
0x207: {  	s13 =	sld [smem:$0x7F6];
	[sflag:s5] =	ssyncadd.s32 $0xFFFF8000  }
0x208: {  	[tilespmem:s4], [sflag:$0x1] =	stream.indirect.gather [spmem:s3], $0x80, s0, s10, $0xb8;
	[tilespmem:$0x19900] =	vst v63  }
0x209: {  	_ = 	snop  }
0x20a: {  	[tilespmem:s11], [sflag:$0x1] =	stream.indirect.gather [spmem:s3], $0x80, s13, s10, $0xb8;
	[tilespmem:$0x19900] =	vst v63  }
0x20b: {  	_ =	swait.ge [sflag:s6], $0x8000  }
0x20c: {  	[sflag:s6] =	ssyncset.done $0x0  }
0x20d: {  	s13 =	rddreg [dreg:$0x15];
	[sflag:s6] =	ssyncadd.s32 $0xFFFF8000  }
0x20e: {  	[hbm4b:s13+s2] =	stream.linear.scatter [tilespmem:s4], [sflag:$0x3], $0x8000, $0x38;
	[tilespmem:$0x19900] =	vst v63  }
0x20f: {  	_ =	swait.ge [sflag:s8], $0x8000  }
0x210: {  	s0 =	sld [smem:$0x7F7]  }
0x211: {  	[sflag:s8] =	ssyncset.done $0x0  }
0x212: {  	s13 =	sld [smem:$0x7F8];
	[sflag:s8] =	ssyncadd.s32 $0xFFFF8000  }
0x213: {  	[tilespmem:s7], [sflag:$0x2] =	stream.indirect.gather [spmem:s3], $0x80, s0, s10, $0xb8;
	[tilespmem:$0x19900] =	vst v63  }
0x214: {  	_ = 	snop  }
0x215: {  	[tilespmem:s12], [sflag:$0x2] =	stream.indirect.gather [spmem:s3], $0x80, s13, s10, $0xb8;
	[tilespmem:$0x19900] =	vst v63  }
0x216: {  	_ =	swait.ge [sflag:s9], $0x8000  }
0x217: {  	[sflag:s9] =	ssyncset.done $0x0  }
0x218: {  	s13 =	rddreg [dreg:$0x16];
	[sflag:s9] =	ssyncadd.s32 $0xFFFF8000  }
0x219: {  	[hbm4b:s13+s2] =	stream.linear.scatter [tilespmem:s7], [sflag:$0x4], $0x8000, $0x38;
	[tilespmem:$0x19900] =	vst v63  }
0x21a: {  	_ =	swait.ge [sflag:s5], $0x8000  }
0x21b: {  	s0 =	sld [smem:$0x7F9]  }
0x21c: {  	[sflag:s5] =	ssyncset.done $0x0  }
0x21d: {  	s13 =	sld [smem:$0x7FA];
	[sflag:s5] =	ssyncadd.s32 $0xFFFF8000  }
0x21e: {  	[tilespmem:s4], [sflag:$0x1] =	stream.indirect.gather [spmem:s3], $0x80, s0, s10, $0xb8;
	[tilespmem:$0x19900] =	vst v63  }
0x21f: {  	_ = 	snop  }
0x220: {  	[tilespmem:s11], [sflag:$0x1] =	stream.indirect.gather [spmem:s3], $0x80, s13, s10, $0xb8;
	[tilespmem:$0x19900] =	vst v63  }
0x221: {  	_ =	swait.ge [sflag:s6], $0x8000  }
0x222: {  	[sflag:s6] =	ssyncset.done $0x0  }
0x223: {  	s13 =	rddreg [dreg:$0x17];
	[sflag:s6] =	ssyncadd.s32 $0xFFFF8000  }
0x224: {  	[hbm4b:s13+s2] =	stream.linear.scatter [tilespmem:s4], [sflag:$0x3], $0x8000, $0x38;
	[tilespmem:$0x19900] =	vst v63  }
0x225: {  	_ =	swait.ge [sflag:s8], $0x8000  }
0x226: {  	s0 =	sld [smem:$0x7FB]  }
0x227: {  	[sflag:s8] =	ssyncset.done $0x0  }
0x228: {  	s13 =	sld [smem:$0x7FC];
	[sflag:s8] =	ssyncadd.s32 $0xFFFF8000  }
0x229: {  	[tilespmem:s7], [sflag:$0x2] =	stream.indirect.gather [spmem:s3], $0x80, s0, s10, $0xb8;
	[tilespmem:$0x19900] =	vst v63  }
0x22a: {  	_ = 	snop  }
0x22b: {  	[tilespmem:s12], [sflag:$0x2] =	stream.indirect.gather [spmem:s3], $0x80, s13, s10, $0xb8;
	[tilespmem:$0x19900] =	vst v63  }
0x22c: {  	_ =	swait.ge [sflag:s9], $0x8000  }
0x22d: {  	[sflag:s9] =	ssyncset.done $0x0  }
0x22e: {  	s13 =	rddreg [dreg:$0x18];
	[sflag:s9] =	ssyncadd.s32 $0xFFFF8000  }
0x22f: {  	[hbm4b:s13+s2] =	stream.linear.scatter [tilespmem:s7], [sflag:$0x4], $0x8000, $0x38;
	[tilespmem:$0x19900] =	vst v63  }
0x230: {  	_ =	swait.ge [sflag:s5], $0x8000  }
0x231: {  	s13 =	sld [smem:$0x7FD]  }
0x232: {  	[sflag:s5] =	ssyncset.done $0x0  }
0x233: {  	[sflag:s5] =	ssyncadd.s32 $0xFFFF8000  }
0x234: {  	[tilespmem:s4], [sflag:$0x1] =	stream.indirect.gather [spmem:s3], $0x80, s13, s10, $0xb8;
	[tilespmem:$0x19900] =	vst v63  }
0x235: {  	_ = 	snop  }
0x236: {  	[tilespmem:s11], [sflag:$0x1] =	stream.indirect.gather [spmem:s3], $0x80, s20, s10, $0xb8;
	[tilespmem:$0x19900] =	vst v63  }
0x237: {  	_ =	swait.ge [sflag:s6], $0x8000  }
0x238: {  	[sflag:s6] =	ssyncset.done $0x0  }
0x239: {  	s13 =	rddreg [dreg:$0x19];
	[sflag:s6] =	ssyncadd.s32 $0xFFFF8000  }
0x23a: {  	[hbm4b:s13+s2] =	stream.linear.scatter [tilespmem:s4], [sflag:$0x3], $0x8000, $0x38;
	[tilespmem:$0x19900] =	vst v63  }
0x23b: {  	_ =	swait.ge [sflag:s8], $0x8000  }
0x23c: {  	[sflag:s8] =	ssyncset.done $0x0  }
0x23d: {  	[sflag:s8] =	ssyncadd.s32 $0xFFFF8000  }
0x23e: {  	[tilespmem:s7], [sflag:$0x2] =	stream.indirect.gather [spmem:s3], $0x80, s29, s10, $0xb8;
	[tilespmem:$0x19900] =	vst v63  }
0x23f: {  	_ = 	snop  }
0x240: {  	[tilespmem:s12], [sflag:$0x2] =	stream.indirect.gather [spmem:s3], $0x80, s30, s10, $0xb8;
	[tilespmem:$0x19900] =	vst v63  }
0x241: {  	_ =	swait.ge [sflag:s9], $0x8000  }
0x242: {  	[sflag:s9] =	ssyncset.done $0x0  }
0x243: {  	s13 =	rddreg [dreg:$0x1a];
	[sflag:s9] =	ssyncadd.s32 $0xFFFF8000  }
0x244: {  	[hbm4b:s13+s2] =	stream.linear.scatter [tilespmem:s7], [sflag:$0x4], $0x8000, $0x38;
	[tilespmem:$0x19900] =	vst v63  }
0x245: {  	_ =	swait.ge [sflag:s5], $0x8000  }
0x246: {  	[sflag:s5] =	ssyncset.done $0x0  }
0x247: {  	[sflag:s5] =	ssyncadd.s32 $0xFFFF8000  }
0x248: {  	[tilespmem:s4], [sflag:$0x1] =	stream.indirect.gather [spmem:s3], $0x80, s26, s10, $0xb8;
	[tilespmem:$0x19900] =	vst v63  }
0x249: {  	_ = 	snop  }
0x24a: {  	[tilespmem:s11], [sflag:$0x1] =	stream.indirect.gather [spmem:s3], $0x80, s28, s10, $0xb8;
	[tilespmem:$0x19900] =	vst v63  }
0x24b: {  	_ =	swait.ge [sflag:s6], $0x8000  }
0x24c: {  	[sflag:s6] =	ssyncset.done $0x0  }
0x24d: {  	s13 =	rddreg [dreg:$0x1b];
	[sflag:s6] =	ssyncadd.s32 $0xFFFF8000  }
0x24e: {  	[hbm4b:s13+s2] =	stream.linear.scatter [tilespmem:s4], [sflag:$0x3], $0x8000, $0x38;
	[tilespmem:$0x19900] =	vst v63  }
0x24f: {  	_ =	swait.ge [sflag:s8], $0x8000  }
0x250: {  	[sflag:s8] =	ssyncset.done $0x0  }
0x251: {  	[sflag:s8] =	ssyncadd.s32 $0xFFFF8000  }
0x252: {  	[tilespmem:s7], [sflag:$0x2] =	stream.indirect.gather [spmem:s3], $0x80, s24, s10, $0xb8;
	[tilespmem:$0x19900] =	vst v63  }
0x253: {  	_ = 	snop  }
0x254: {  	[tilespmem:s12], [sflag:$0x2] =	stream.indirect.gather [spmem:s3], $0x80, s25, s10, $0xb8;
	[tilespmem:$0x19900] =	vst v63  }
0x255: {  	_ =	swait.ge [sflag:s9], $0x8000  }
0x256: {  	[sflag:s9] =	ssyncset.done $0x0  }
0x257: {  	s13 =	rddreg [dreg:$0x1c];
	[sflag:s9] =	ssyncadd.s32 $0xFFFF8000  }
0x258: {  	[hbm4b:s13+s2] =	stream.linear.scatter [tilespmem:s7], [sflag:$0x4], $0x8000, $0x38;
	[tilespmem:$0x19900] =	vst v63  }
0x259: {  	_ =	swait.ge [sflag:s5], $0x8000  }
0x25a: {  	[sflag:s5] =	ssyncset.done $0x0  }
0x25b: {  	[sflag:s5] =	ssyncadd.s32 $0xFFFF8000  }
0x25c: {  	[tilespmem:s4], [sflag:$0x1] =	stream.indirect.gather [spmem:s3], $0x80, s22, s10, $0xb8;
	[tilespmem:$0x19900] =	vst v63  }
0x25d: {  	_ = 	snop  }
0x25e: {  	[tilespmem:s11], [sflag:$0x1] =	stream.indirect.gather [spmem:s3], $0x80, s23, s10, $0xb8;
	[tilespmem:$0x19900] =	vst v63  }
0x25f: {  	_ =	swait.ge [sflag:s6], $0x8000  }
0x260: {  	[sflag:s6] =	ssyncset.done $0x0  }
0x261: {  	s13 =	rddreg [dreg:$0x1d];
	[sflag:s6] =	ssyncadd.s32 $0xFFFF8000  }
0x262: {  	[hbm4b:s13+s2] =	stream.linear.scatter [tilespmem:s4], [sflag:$0x3], $0x8000, $0x38;
	[tilespmem:$0x19900] =	vst v63  }
0x263: {  	_ =	swait.ge [sflag:s8], $0x8000  }
0x264: {  	[sflag:s8] =	ssyncset.done $0x0  }
0x265: {  	s13 =	simm.s32 $0x9500;
	[sflag:s8] =	ssyncadd.s32 $0xFFFF8000  }
0x266: {  	[tilespmem:s7], [sflag:$0x2] =	stream.indirect.gather [spmem:s3], $0x80, s13, s10, $0xb8;
	[tilespmem:$0x19900] =	vst v63  }
0x267: {  	_ = 	snop  }
0x268: {  	[tilespmem:s12], [sflag:$0x2] =	stream.indirect.gather [spmem:s3], $0x80, s21, s10, $0xb8;
	[tilespmem:$0x19900] =	vst v63  }
0x269: {  	_ =	swait.ge [sflag:s9], $0x8000  }
0x26a: {  	[sflag:s9] =	ssyncset.done $0x0  }
0x26b: {  	s13 =	rddreg [dreg:$0x1e];
	[sflag:s9] =	ssyncadd.s32 $0xFFFF8000  }
0x26c: {  	[hbm4b:s13+s2] =	stream.linear.scatter [tilespmem:s7], [sflag:$0x4], $0x8000, $0x38;
	[tilespmem:$0x19900] =	vst v63  }
0x26d: {  	_ =	swait.ge [sflag:s5], $0x8000  }
0x26e: {  	[sflag:s5] =	ssyncset.done $0x0  }
0x26f: {  	[sflag:s5] =	ssyncadd.s32 $0xFFFF8000  }
0x270: {  	[tilespmem:s4], [sflag:$0x1] =	stream.indirect.gather [spmem:s3], $0x80, s18, s10, $0xb8;
	[tilespmem:$0x19900] =	vst v63  }
0x271: {  	_ = 	snop  }
0x272: {  	[tilespmem:s11], [sflag:$0x1] =	stream.indirect.gather [spmem:s3], $0x80, s19, s10, $0xb8;
	[tilespmem:$0x19900] =	vst v63  }
0x273: {  	_ =	swait.ge [sflag:s6], $0x8000  }
0x274: {  	[sflag:s6] =	ssyncset.done $0x0  }
0x275: {  	s13 =	rddreg [dreg:$0x1f];
	[sflag:s6] =	ssyncadd.s32 $0xFFFF8000  }
0x276: {  	[hbm4b:s13+s2] =	stream.linear.scatter [tilespmem:s4], [sflag:$0x3], $0x8000, $0x38;
	[tilespmem:$0x19900] =	vst v63  }
0x277: {  	_ =	swait.ge [sflag:s8], $0x8000  }
0x278: {  	[sflag:s8] =	ssyncset.done $0x0  }
0x279: {  	[sflag:s8] =	ssyncadd.s32 $0xFFFF8000  }
0x27a: {  	[tilespmem:s7], [sflag:$0x2] =	stream.indirect.gather [spmem:s3], $0x80, s16, s10, $0xb8;
	[tilespmem:$0x19900] =	vst v63  }
0x27b: {  	_ = 	snop  }
0x27c: {  	[tilespmem:s12], [sflag:$0x2] =	stream.indirect.gather [spmem:s3], $0x80, s17, s10, $0xb8;
	[tilespmem:$0x19900] =	vst v63  }
0x27d: {  	_ =	swait.ge [sflag:s9], $0x8000  }
0x27e: {  	s13 =	sld [smem:$0x7DC]  }
0x27f: {  	[sflag:s9] =	ssyncset.done $0x0  }
0x280: {  	[sflag:s9] =	ssyncadd.s32 $0xFFFF8000  }
0x281: {  	[hbm4b:s13+s2] =	stream.linear.scatter [tilespmem:s7], [sflag:$0x4], $0x8000, $0x38;
	[tilespmem:$0x19900] =	vst v63  }
0x282: {  	_ =	swait.ge [sflag:s5], $0x8000  }
0x283: {  	[sflag:s5] =	ssyncset.done $0x0  }
0x284: {  	[sflag:s5] =	ssyncadd.s32 $0xFFFF8000  }
0x285: {  	[tilespmem:s4], [sflag:$0x1] =	stream.indirect.gather [spmem:s3], $0x80, s14, s10, $0xb8;
	[tilespmem:$0x19900] =	vst v63  }
0x286: {  	_ = 	snop  }
0x287: {  	[tilespmem:s11], [sflag:$0x1] =	stream.indirect.gather [spmem:s3], $0x80, s15, s10, $0xb8;
	[tilespmem:$0x19900] =	vst v63  }
0x288: {  	_ =	swait.ge [sflag:s6], $0x8000  }
0x289: {  	s13 =	sld [smem:$0x7DD]  }
0x28a: {  	[sflag:s6] =	ssyncset.done $0x0  }
0x28b: {  	p1 =	sne.s32 s1, $0x1;
	[sflag:s6] =	ssyncadd.s32 $0xFFFF8000  }
0x28c: {  	[hbm4b:s13+s2] =	stream.linear.scatter [tilespmem:s4], [sflag:$0x3], $0x8000, $0x38;
	[tilespmem:$0x19900] =	vst v63  }
.Ltmp2:
0x28d: {  	_ =	swait.ge [sflag:s8], $0x8000;
	(pc) =	sbr.rel @p1 .LBB2_4-.Ltmp2, $4  }
0x28e: {  	[sflag:s8] =	ssyncset.done $0x0  }
0x28f: {  	[sflag:s8] =	ssyncadd.s32 $0xFFFF8000  }
0x290: {  	_ =	swait.ge [sflag:s5], $0x8000  }
0x291: {  	s1 =	sadd.s32 $0xFFFFFFFF, s1;
	s0 =	rddreg [dreg:$0x4];
	[sflag:s5] =	ssyncset.done $0x0  }
0x292: {  	s15 =	simm.s32 $0x9080;
	s30 =	simm.s32 $0x9180  }
0x293: {  	s29 =	simm.s32 $0x9100;
	s28 =	simm.s32 $0x9280;
	s26 =	simm.s32 $0x9200  }
0x294: {  	s25 =	simm.s32 $0x9380;
	s24 =	simm.s32 $0x9300;
	s23 =	simm.s32 $0x9480  }
0x295: {  	s22 =	simm.s32 $0x9400;
	s21 =	simm.s32 $0x9580;
	s20 =	simm.s32 $0x9500  }
0x296: {  	s19 =	simm.s32 $0x9680;
	s18 =	simm.s32 $0x9600;
	s17 =	simm.s32 $0x9780  }
0x297: {  	s16 =	simm.s32 $0x9700;
	s14 =	simm.s32 $0x9800;
	s13 =	stileid.u32  }
.LBB2_6:
0x298: {  	[sflag:s5] =	ssyncadd.s32 @p0 $0xFFFF8000  }
0x299: {  	[tilespmem:s31], [sflag:$0x3] =	stream.linear.gather [hbm4b:s0+s2], $0x1900, $0x38;
	[tilespmem:$0x19900] =	vst v63  }
0x29a: {  	s1 =	rddreg [dreg:$0x5]  }
0x29b: {  	[tilespmem:s4], [sflag:$0x1] =	stream.linear.gather [hbm4b:s1+s2], $0x4000, $0x38;
	[tilespmem:$0x19900] =	vst v63  }
0x29c: {  	s0 =	rddreg [dreg:$0x6]  }
0x29d: {  	[tilespmem:s7], [sflag:$0x2] =	stream.linear.gather [hbm4b:s0+s2], $0x4000, $0x38;
	[tilespmem:$0x19900] =	vst v63  }
0x29e: {  	_ =	swait.ge [sflag:s6], $0x4000  }
0x29f: {  	[sflag:s6] =	ssyncset.done $0x0  }
0x2a0: {  	s1 =	rddreg [dreg:$0x7];
	[sflag:s6] =	ssyncadd.s32 $0xFFFFC000  }
0x2a1: {  	[spmem:s1] =	stream.linear.scatter [tilespmem:s4], [sflag:$0x1], $0x4000, $0x38;
	[tilespmem:$0x19900] =	vst v63  }
0x2a2: {  	_ =	swait.ge [sflag:s9], $0x4000  }
0x2a3: {  	[sflag:s9] =	ssyncset.done $0x0  }
0x2a4: {  	s1 =	rddreg [dreg:$0x8];
	[sflag:s9] =	ssyncadd.s32 $0xFFFFC000  }
0x2a5: {  	[spmem:s1] =	stream.linear.scatter [tilespmem:s7], [sflag:$0x2], $0x4000, $0x38;
	[tilespmem:$0x19900] =	vst v63  }
0x2a6: {  	_ =	swait.ge [sflag:s6], $0x4000  }
0x2a7: {  	[sflag:s6] =	ssyncset.done $0x0  }
0x2a8: {  	[sflag:s6] =	ssyncadd.s32 $0xFFFFC000  }
0x2a9: {  	_ =	swait.ge [sflag:s9], $0x4000  }
0x2aa: {  	[sflag:s9] =	ssyncset.done $0x0  }
0x2ab: {  	[sflag:s9] =	ssyncadd.s32 $0xFFFFC000  }
0x2ac: {  	[bflag:$0x0] =	sbarrier.arrive $0xFFFF  }
0x2ad: {  	_ =	swait.ge [sflag:s5], $0x1900  }
0x2ae: {  	[sflag:s5] =	ssyncset.done $0x0  }
0x2af: {  	s1 =	sld [smem:$0x7DE];
	[sflag:s5] =	ssyncadd.s32 $0xFFFFE700  }
0x2b0: {  	[tilespmem:s4], [sflag:$0x1] =	stream.indirect.gather [spmem:s3], $0x80, s31, s10, $0xb8;
	[tilespmem:$0x19900] =	vst v63  }
0x2b1: {  	_ = 	snop  }
0x2b2: {  	[tilespmem:s11], [sflag:$0x1] =	stream.indirect.gather [spmem:s3], $0x80, s1, s10, $0xb8;
	[tilespmem:$0x19900] =	vst v63  }
0x2b3: {  	_ =	swait.ge [sflag:s6], $0x8000  }
0x2b4: {  	s31 =	rddreg [dreg:$0x9];
	[sflag:s6] =	ssyncset.done $0x0  }
0x2b5: {  	s1 =	sld [smem:$0x7DF];
	[sflag:s6] =	ssyncadd.s32 $0xFFFF8000  }
0x2b6: {  	[hbm4b:s31+s2] =	stream.linear.scatter [tilespmem:s4], [sflag:$0x3], $0x8000, $0x38;
	[tilespmem:$0x19900] =	vst v63  }
0x2b7: {  	s31 =	sld [smem:$0x7E0]  }
0x2b8: {  	[tilespmem:s7], [sflag:$0x2] =	stream.indirect.gather [spmem:s3], $0x80, s1, s10, $0xb8;
	[tilespmem:$0x19900] =	vst v63  }
0x2b9: {  	_ = 	snop  }
0x2ba: {  	[tilespmem:s12], [sflag:$0x2] =	stream.indirect.gather [spmem:s3], $0x80, s31, s10, $0xb8;
	[tilespmem:$0x19900] =	vst v63  }
0x2bb: {  	_ =	swait.ge [sflag:s9], $0x8000  }
0x2bc: {  	[sflag:s9] =	ssyncset.done $0x0  }
0x2bd: {  	s31 =	rddreg [dreg:$0xa];
	[sflag:s9] =	ssyncadd.s32 $0xFFFF8000  }
0x2be: {  	[hbm4b:s31+s2] =	stream.linear.scatter [tilespmem:s7], [sflag:$0x4], $0x8000, $0x38;
	[tilespmem:$0x19900] =	vst v63  }
0x2bf: {  	_ =	swait.ge [sflag:s5], $0x8000  }
0x2c0: {  	s1 =	sld [smem:$0x7E1]  }
0x2c1: {  	[sflag:s5] =	ssyncset.done $0x0  }
0x2c2: {  	s31 =	sld [smem:$0x7E2];
	[sflag:s5] =	ssyncadd.s32 $0xFFFF8000  }
0x2c3: {  	[tilespmem:s4], [sflag:$0x1] =	stream.indirect.gather [spmem:s3], $0x80, s1, s10, $0xb8;
	[tilespmem:$0x19900] =	vst v63  }
0x2c4: {  	_ = 	snop  }
0x2c5: {  	[tilespmem:s11], [sflag:$0x1] =	stream.indirect.gather [spmem:s3], $0x80, s31, s10, $0xb8;
	[tilespmem:$0x19900] =	vst v63  }
0x2c6: {  	_ =	swait.ge [sflag:s6], $0x8000  }
0x2c7: {  	[sflag:s6] =	ssyncset.done $0x0  }
0x2c8: {  	s31 =	rddreg [dreg:$0xb];
	[sflag:s6] =	ssyncadd.s32 $0xFFFF8000  }
0x2c9: {  	[hbm4b:s31+s2] =	stream.linear.scatter [tilespmem:s4], [sflag:$0x3], $0x8000, $0x38;
	[tilespmem:$0x19900] =	vst v63  }
0x2ca: {  	_ =	swait.ge [sflag:s8], $0x8000  }
0x2cb: {  	s1 =	sld [smem:$0x7E3]  }
0x2cc: {  	[sflag:s8] =	ssyncset.done $0x0  }
0x2cd: {  	s31 =	sld [smem:$0x7E4];
	[sflag:s8] =	ssyncadd.s32 $0xFFFF8000  }
0x2ce: {  	[tilespmem:s7], [sflag:$0x2] =	stream.indirect.gather [spmem:s3], $0x80, s1, s10, $0xb8;
	[tilespmem:$0x19900] =	vst v63  }
0x2cf: {  	_ = 	snop  }
0x2d0: {  	[tilespmem:s12], [sflag:$0x2] =	stream.indirect.gather [spmem:s3], $0x80, s31, s10, $0xb8;
	[tilespmem:$0x19900] =	vst v63  }
0x2d1: {  	_ =	swait.ge [sflag:s9], $0x8000  }
0x2d2: {  	[sflag:s9] =	ssyncset.done $0x0  }
0x2d3: {  	s31 =	rddreg [dreg:$0xc];
	[sflag:s9] =	ssyncadd.s32 $0xFFFF8000  }
0x2d4: {  	[hbm4b:s31+s2] =	stream.linear.scatter [tilespmem:s7], [sflag:$0x4], $0x8000, $0x38;
	[tilespmem:$0x19900] =	vst v63  }
0x2d5: {  	_ =	swait.ge [sflag:s5], $0x8000  }
0x2d6: {  	s1 =	sld [smem:$0x7E5]  }
0x2d7: {  	[sflag:s5] =	ssyncset.done $0x0  }
0x2d8: {  	s31 =	sld [smem:$0x7E6];
	[sflag:s5] =	ssyncadd.s32 $0xFFFF8000  }
0x2d9: {  	[tilespmem:s4], [sflag:$0x1] =	stream.indirect.gather [spmem:s3], $0x80, s1, s10, $0xb8;
	[tilespmem:$0x19900] =	vst v63  }
0x2da: {  	_ = 	snop  }
0x2db: {  	[tilespmem:s11], [sflag:$0x1] =	stream.indirect.gather [spmem:s3], $0x80, s31, s10, $0xb8;
	[tilespmem:$0x19900] =	vst v63  }
0x2dc: {  	_ =	swait.ge [sflag:s6], $0x8000  }
0x2dd: {  	[sflag:s6] =	ssyncset.done $0x0  }
0x2de: {  	s31 =	rddreg [dreg:$0xd];
	[sflag:s6] =	ssyncadd.s32 $0xFFFF8000  }
0x2df: {  	[hbm4b:s31+s2] =	stream.linear.scatter [tilespmem:s4], [sflag:$0x3], $0x8000, $0x38;
	[tilespmem:$0x19900] =	vst v63  }
0x2e0: {  	_ =	swait.ge [sflag:s8], $0x8000  }
0x2e1: {  	s1 =	sld [smem:$0x7E7]  }
0x2e2: {  	[sflag:s8] =	ssyncset.done $0x0  }
0x2e3: {  	s31 =	sld [smem:$0x7E8];
	[sflag:s8] =	ssyncadd.s32 $0xFFFF8000  }
0x2e4: {  	[tilespmem:s7], [sflag:$0x2] =	stream.indirect.gather [spmem:s3], $0x80, s1, s10, $0xb8;
	[tilespmem:$0x19900] =	vst v63  }
0x2e5: {  	_ = 	snop  }
0x2e6: {  	[tilespmem:s12], [sflag:$0x2] =	stream.indirect.gather [spmem:s3], $0x80, s31, s10, $0xb8;
	[tilespmem:$0x19900] =	vst v63  }
0x2e7: {  	_ =	swait.ge [sflag:s9], $0x8000  }
0x2e8: {  	[sflag:s9] =	ssyncset.done $0x0  }
0x2e9: {  	s31 =	rddreg [dreg:$0xe];
	[sflag:s9] =	ssyncadd.s32 $0xFFFF8000  }
0x2ea: {  	[hbm4b:s31+s2] =	stream.linear.scatter [tilespmem:s7], [sflag:$0x4], $0x8000, $0x38;
	[tilespmem:$0x19900] =	vst v63  }
0x2eb: {  	_ =	swait.ge [sflag:s5], $0x8000  }
0x2ec: {  	s1 =	sld [smem:$0x7E9]  }
0x2ed: {  	[sflag:s5] =	ssyncset.done $0x0  }
0x2ee: {  	s31 =	sld [smem:$0x7EA];
	[sflag:s5] =	ssyncadd.s32 $0xFFFF8000  }
0x2ef: {  	[tilespmem:s4], [sflag:$0x1] =	stream.indirect.gather [spmem:s3], $0x80, s1, s10, $0xb8;
	[tilespmem:$0x19900] =	vst v63  }
0x2f0: {  	_ = 	snop  }
0x2f1: {  	[tilespmem:s11], [sflag:$0x1] =	stream.indirect.gather [spmem:s3], $0x80, s31, s10, $0xb8;
	[tilespmem:$0x19900] =	vst v63  }
0x2f2: {  	_ =	swait.ge [sflag:s6], $0x8000  }
0x2f3: {  	[sflag:s6] =	ssyncset.done $0x0  }
0x2f4: {  	s31 =	rddreg [dreg:$0xf];
	[sflag:s6] =	ssyncadd.s32 $0xFFFF8000  }
0x2f5: {  	[hbm4b:s31+s2] =	stream.linear.scatter [tilespmem:s4], [sflag:$0x3], $0x8000, $0x38;
	[tilespmem:$0x19900] =	vst v63  }
0x2f6: {  	_ =	swait.ge [sflag:s8], $0x8000  }
0x2f7: {  	s1 =	sld [smem:$0x7EB]  }
0x2f8: {  	[sflag:s8] =	ssyncset.done $0x0  }
0x2f9: {  	s31 =	sld [smem:$0x7EC];
	[sflag:s8] =	ssyncadd.s32 $0xFFFF8000  }
0x2fa: {  	[tilespmem:s7], [sflag:$0x2] =	stream.indirect.gather [spmem:s3], $0x80, s1, s10, $0xb8;
	[tilespmem:$0x19900] =	vst v63  }
0x2fb: {  	_ = 	snop  }
0x2fc: {  	[tilespmem:s12], [sflag:$0x2] =	stream.indirect.gather [spmem:s3], $0x80, s31, s10, $0xb8;
	[tilespmem:$0x19900] =	vst v63  }
0x2fd: {  	_ =	swait.ge [sflag:s9], $0x8000  }
0x2fe: {  	[sflag:s9] =	ssyncset.done $0x0  }
0x2ff: {  	s31 =	rddreg [dreg:$0x10];
	[sflag:s9] =	ssyncadd.s32 $0xFFFF8000  }
0x300: {  	[hbm4b:s31+s2] =	stream.linear.scatter [tilespmem:s7], [sflag:$0x4], $0x8000, $0x38;
	[tilespmem:$0x19900] =	vst v63  }
0x301: {  	_ =	swait.ge [sflag:s5], $0x8000  }
0x302: {  	s1 =	sld [smem:$0x7ED]  }
0x303: {  	[sflag:s5] =	ssyncset.done $0x0  }
0x304: {  	s31 =	sld [smem:$0x7EE];
	[sflag:s5] =	ssyncadd.s32 $0xFFFF8000  }
0x305: {  	[tilespmem:s4], [sflag:$0x1] =	stream.indirect.gather [spmem:s3], $0x80, s1, s10, $0xb8;
	[tilespmem:$0x19900] =	vst v63  }
0x306: {  	_ = 	snop  }
0x307: {  	[tilespmem:s11], [sflag:$0x1] =	stream.indirect.gather [spmem:s3], $0x80, s31, s10, $0xb8;
	[tilespmem:$0x19900] =	vst v63  }
0x308: {  	_ =	swait.ge [sflag:s6], $0x8000  }
0x309: {  	[sflag:s6] =	ssyncset.done $0x0  }
0x30a: {  	s31 =	rddreg [dreg:$0x11];
	[sflag:s6] =	ssyncadd.s32 $0xFFFF8000  }
0x30b: {  	[hbm4b:s31+s2] =	stream.linear.scatter [tilespmem:s4], [sflag:$0x3], $0x8000, $0x38;
	[tilespmem:$0x19900] =	vst v63  }
0x30c: {  	_ =	swait.ge [sflag:s8], $0x8000  }
0x30d: {  	s1 =	sld [smem:$0x7EF]  }
0x30e: {  	[sflag:s8] =	ssyncset.done $0x0  }
0x30f: {  	s31 =	sld [smem:$0x7F0];
	[sflag:s8] =	ssyncadd.s32 $0xFFFF8000  }
0x310: {  	[tilespmem:s7], [sflag:$0x2] =	stream.indirect.gather [spmem:s3], $0x80, s1, s10, $0xb8;
	[tilespmem:$0x19900] =	vst v63  }
0x311: {  	_ = 	snop  }
0x312: {  	[tilespmem:s12], [sflag:$0x2] =	stream.indirect.gather [spmem:s3], $0x80, s31, s10, $0xb8;
	[tilespmem:$0x19900] =	vst v63  }
0x313: {  	_ =	swait.ge [sflag:s9], $0x8000  }
0x314: {  	[sflag:s9] =	ssyncset.done $0x0  }
0x315: {  	s31 =	rddreg [dreg:$0x12];
	[sflag:s9] =	ssyncadd.s32 $0xFFFF8000  }
0x316: {  	[hbm4b:s31+s2] =	stream.linear.scatter [tilespmem:s7], [sflag:$0x4], $0x8000, $0x38;
	[tilespmem:$0x19900] =	vst v63  }
0x317: {  	_ =	swait.ge [sflag:s5], $0x8000  }
0x318: {  	s1 =	sld [smem:$0x7F1]  }
0x319: {  	[sflag:s5] =	ssyncset.done $0x0  }
0x31a: {  	s31 =	sld [smem:$0x7F2];
	[sflag:s5] =	ssyncadd.s32 $0xFFFF8000  }
0x31b: {  	[tilespmem:s4], [sflag:$0x1] =	stream.indirect.gather [spmem:s3], $0x80, s1, s10, $0xb8;
	[tilespmem:$0x19900] =	vst v63  }
0x31c: {  	_ = 	snop  }
0x31d: {  	[tilespmem:s11], [sflag:$0x1] =	stream.indirect.gather [spmem:s3], $0x80, s31, s10, $0xb8;
	[tilespmem:$0x19900] =	vst v63  }
0x31e: {  	_ =	swait.ge [sflag:s6], $0x8000  }
0x31f: {  	[sflag:s6] =	ssyncset.done $0x0  }
0x320: {  	s31 =	rddreg [dreg:$0x13];
	[sflag:s6] =	ssyncadd.s32 $0xFFFF8000  }
0x321: {  	[hbm4b:s31+s2] =	stream.linear.scatter [tilespmem:s4], [sflag:$0x3], $0x8000, $0x38;
	[tilespmem:$0x19900] =	vst v63  }
0x322: {  	_ =	swait.ge [sflag:s8], $0x8000  }
0x323: {  	s1 =	sld [smem:$0x7F3]  }
0x324: {  	[sflag:s8] =	ssyncset.done $0x0  }
0x325: {  	s31 =	sld [smem:$0x7F4];
	[sflag:s8] =	ssyncadd.s32 $0xFFFF8000  }
0x326: {  	[tilespmem:s7], [sflag:$0x2] =	stream.indirect.gather [spmem:s3], $0x80, s1, s10, $0xb8;
	[tilespmem:$0x19900] =	vst v63  }
0x327: {  	_ = 	snop  }
0x328: {  	[tilespmem:s12], [sflag:$0x2] =	stream.indirect.gather [spmem:s3], $0x80, s31, s10, $0xb8;
	[tilespmem:$0x19900] =	vst v63  }
0x329: {  	_ =	swait.ge [sflag:s9], $0x8000  }
0x32a: {  	[sflag:s9] =	ssyncset.done $0x0  }
0x32b: {  	s31 =	rddreg [dreg:$0x14];
	[sflag:s9] =	ssyncadd.s32 $0xFFFF8000  }
0x32c: {  	[hbm4b:s31+s2] =	stream.linear.scatter [tilespmem:s7], [sflag:$0x4], $0x8000, $0x38;
	[tilespmem:$0x19900] =	vst v63  }
0x32d: {  	_ =	swait.ge [sflag:s5], $0x8000  }
0x32e: {  	s1 =	sld [smem:$0x7F5]  }
0x32f: {  	[sflag:s5] =	ssyncset.done $0x0  }
0x330: {  	s31 =	sld [smem:$0x7F6];
	[sflag:s5] =	ssyncadd.s32 $0xFFFF8000  }
0x331: {  	[tilespmem:s4], [sflag:$0x1] =	stream.indirect.gather [spmem:s3], $0x80, s1, s10, $0xb8;
	[tilespmem:$0x19900] =	vst v63  }
0x332: {  	_ = 	snop  }
0x333: {  	[tilespmem:s11], [sflag:$0x1] =	stream.indirect.gather [spmem:s3], $0x80, s31, s10, $0xb8;
	[tilespmem:$0x19900] =	vst v63  }
0x334: {  	_ =	swait.ge [sflag:s6], $0x8000  }
0x335: {  	[sflag:s6] =	ssyncset.done $0x0  }
0x336: {  	s31 =	rddreg [dreg:$0x15];
	[sflag:s6] =	ssyncadd.s32 $0xFFFF8000  }
0x337: {  	[hbm4b:s31+s2] =	stream.linear.scatter [tilespmem:s4], [sflag:$0x3], $0x8000, $0x38;
	[tilespmem:$0x19900] =	vst v63  }
0x338: {  	_ =	swait.ge [sflag:s8], $0x8000  }
0x339: {  	s1 =	sld [smem:$0x7F7]  }
0x33a: {  	[sflag:s8] =	ssyncset.done $0x0  }
0x33b: {  	s31 =	sld [smem:$0x7F8];
	[sflag:s8] =	ssyncadd.s32 $0xFFFF8000  }
0x33c: {  	[tilespmem:s7], [sflag:$0x2] =	stream.indirect.gather [spmem:s3], $0x80, s1, s10, $0xb8;
	[tilespmem:$0x19900] =	vst v63  }
0x33d: {  	_ = 	snop  }
0x33e: {  	[tilespmem:s12], [sflag:$0x2] =	stream.indirect.gather [spmem:s3], $0x80, s31, s10, $0xb8;
	[tilespmem:$0x19900] =	vst v63  }
0x33f: {  	_ =	swait.ge [sflag:s9], $0x8000  }
0x340: {  	[sflag:s9] =	ssyncset.done $0x0  }
0x341: {  	s31 =	rddreg [dreg:$0x16];
	[sflag:s9] =	ssyncadd.s32 $0xFFFF8000  }
0x342: {  	[hbm4b:s31+s2] =	stream.linear.scatter [tilespmem:s7], [sflag:$0x4], $0x8000, $0x38;
	[tilespmem:$0x19900] =	vst v63  }
0x343: {  	_ =	swait.ge [sflag:s5], $0x8000  }
0x344: {  	s1 =	sld [smem:$0x7F9]  }
0x345: {  	[sflag:s5] =	ssyncset.done $0x0  }
0x346: {  	s31 =	sld [smem:$0x7FA];
	[sflag:s5] =	ssyncadd.s32 $0xFFFF8000  }
0x347: {  	[tilespmem:s4], [sflag:$0x1] =	stream.indirect.gather [spmem:s3], $0x80, s1, s10, $0xb8;
	[tilespmem:$0x19900] =	vst v63  }
0x348: {  	_ = 	snop  }
0x349: {  	[tilespmem:s11], [sflag:$0x1] =	stream.indirect.gather [spmem:s3], $0x80, s31, s10, $0xb8;
	[tilespmem:$0x19900] =	vst v63  }
0x34a: {  	_ =	swait.ge [sflag:s6], $0x8000  }
0x34b: {  	[sflag:s6] =	ssyncset.done $0x0  }
0x34c: {  	s31 =	rddreg [dreg:$0x17];
	[sflag:s6] =	ssyncadd.s32 $0xFFFF8000  }
0x34d: {  	[hbm4b:s31+s2] =	stream.linear.scatter [tilespmem:s4], [sflag:$0x3], $0x8000, $0x38;
	[tilespmem:$0x19900] =	vst v63  }
0x34e: {  	_ =	swait.ge [sflag:s8], $0x8000  }
0x34f: {  	s1 =	sld [smem:$0x7FB]  }
0x350: {  	[sflag:s8] =	ssyncset.done $0x0  }
0x351: {  	s31 =	sld [smem:$0x7FC];
	[sflag:s8] =	ssyncadd.s32 $0xFFFF8000  }
0x352: {  	[tilespmem:s7], [sflag:$0x2] =	stream.indirect.gather [spmem:s3], $0x80, s1, s10, $0xb8;
	[tilespmem:$0x19900] =	vst v63  }
0x353: {  	_ = 	snop  }
0x354: {  	[tilespmem:s12], [sflag:$0x2] =	stream.indirect.gather [spmem:s3], $0x80, s31, s10, $0xb8;
	[tilespmem:$0x19900] =	vst v63  }
0x355: {  	_ =	swait.ge [sflag:s9], $0x8000  }
0x356: {  	[sflag:s9] =	ssyncset.done $0x0  }
0x357: {  	s31 =	rddreg [dreg:$0x18];
	[sflag:s9] =	ssyncadd.s32 $0xFFFF8000  }
0x358: {  	[hbm4b:s31+s2] =	stream.linear.scatter [tilespmem:s7], [sflag:$0x4], $0x8000, $0x38;
	[tilespmem:$0x19900] =	vst v63  }
0x359: {  	_ =	swait.ge [sflag:s5], $0x8000  }
0x35a: {  	s1 =	sld [smem:$0x7FD]  }
0x35b: {  	[sflag:s5] =	ssyncset.done $0x0  }
0x35c: {  	[sflag:s5] =	ssyncadd.s32 $0xFFFF8000  }
0x35d: {  	[tilespmem:s4], [sflag:$0x1] =	stream.indirect.gather [spmem:s3], $0x80, s1, s10, $0xb8;
	[tilespmem:$0x19900] =	vst v63  }
0x35e: {  	_ = 	snop  }
0x35f: {  	[tilespmem:s11], [sflag:$0x1] =	stream.indirect.gather [spmem:s3], $0x80, s15, s10, $0xb8;
	[tilespmem:$0x19900] =	vst v63  }
0x360: {  	_ =	swait.ge [sflag:s6], $0x8000  }
0x361: {  	[sflag:s6] =	ssyncset.done $0x0  }
0x362: {  	s31 =	rddreg [dreg:$0x19];
	[sflag:s6] =	ssyncadd.s32 $0xFFFF8000  }
0x363: {  	[hbm4b:s31+s2] =	stream.linear.scatter [tilespmem:s4], [sflag:$0x3], $0x8000, $0x38;
	[tilespmem:$0x19900] =	vst v63  }
0x364: {  	_ =	swait.ge [sflag:s8], $0x8000  }
0x365: {  	[sflag:s8] =	ssyncset.done $0x0  }
0x366: {  	[sflag:s8] =	ssyncadd.s32 $0xFFFF8000  }
0x367: {  	[tilespmem:s7], [sflag:$0x2] =	stream.indirect.gather [spmem:s3], $0x80, s29, s10, $0xb8;
	[tilespmem:$0x19900] =	vst v63  }
0x368: {  	_ = 	snop  }
0x369: {  	[tilespmem:s12], [sflag:$0x2] =	stream.indirect.gather [spmem:s3], $0x80, s30, s10, $0xb8;
	[tilespmem:$0x19900] =	vst v63  }
0x36a: {  	_ =	swait.ge [sflag:s9], $0x8000  }
0x36b: {  	[sflag:s9] =	ssyncset.done $0x0  }
0x36c: {  	s1 =	rddreg [dreg:$0x1a];
	[sflag:s9] =	ssyncadd.s32 $0xFFFF8000  }
0x36d: {  	[hbm4b:s1+s2] =	stream.linear.scatter [tilespmem:s7], [sflag:$0x4], $0x8000, $0x38;
	[tilespmem:$0x19900] =	vst v63  }
0x36e: {  	_ =	swait.ge [sflag:s5], $0x8000  }
0x36f: {  	[sflag:s5] =	ssyncset.done $0x0  }
0x370: {  	[sflag:s5] =	ssyncadd.s32 $0xFFFF8000  }
0x371: {  	[tilespmem:s4], [sflag:$0x1] =	stream.indirect.gather [spmem:s3], $0x80, s26, s10, $0xb8;
	[tilespmem:$0x19900] =	vst v63  }
0x372: {  	_ = 	snop  }
0x373: {  	[tilespmem:s11], [sflag:$0x1] =	stream.indirect.gather [spmem:s3], $0x80, s28, s10, $0xb8;
	[tilespmem:$0x19900] =	vst v63  }
0x374: {  	_ =	swait.ge [sflag:s6], $0x8000  }
0x375: {  	[sflag:s6] =	ssyncset.done $0x0  }
0x376: {  	s15 =	rddreg [dreg:$0x1b];
	[sflag:s6] =	ssyncadd.s32 $0xFFFF8000  }
0x377: {  	[hbm4b:s15+s2] =	stream.linear.scatter [tilespmem:s4], [sflag:$0x3], $0x8000, $0x38;
	[tilespmem:$0x19900] =	vst v63  }
0x378: {  	_ =	swait.ge [sflag:s8], $0x8000  }
0x379: {  	[sflag:s8] =	ssyncset.done $0x0  }
0x37a: {  	[sflag:s8] =	ssyncadd.s32 $0xFFFF8000  }
0x37b: {  	[tilespmem:s7], [sflag:$0x2] =	stream.indirect.gather [spmem:s3], $0x80, s24, s10, $0xb8;
	[tilespmem:$0x19900] =	vst v63  }
0x37c: {  	_ = 	snop  }
0x37d: {  	[tilespmem:s12], [sflag:$0x2] =	stream.indirect.gather [spmem:s3], $0x80, s25, s10, $0xb8;
	[tilespmem:$0x19900] =	vst v63  }
0x37e: {  	_ =	swait.ge [sflag:s9], $0x8000  }
0x37f: {  	[sflag:s9] =	ssyncset.done $0x0  }
0x380: {  	s24 =	rddreg [dreg:$0x1c];
	[sflag:s9] =	ssyncadd.s32 $0xFFFF8000  }
0x381: {  	[hbm4b:s24+s2] =	stream.linear.scatter [tilespmem:s7], [sflag:$0x4], $0x8000, $0x38;
	[tilespmem:$0x19900] =	vst v63  }
0x382: {  	_ =	swait.ge [sflag:s5], $0x8000  }
0x383: {  	[sflag:s5] =	ssyncset.done $0x0  }
0x384: {  	[sflag:s5] =	ssyncadd.s32 $0xFFFF8000  }
0x385: {  	[tilespmem:s4], [sflag:$0x1] =	stream.indirect.gather [spmem:s3], $0x80, s22, s10, $0xb8;
	[tilespmem:$0x19900] =	vst v63  }
0x386: {  	_ = 	snop  }
0x387: {  	[tilespmem:s11], [sflag:$0x1] =	stream.indirect.gather [spmem:s3], $0x80, s23, s10, $0xb8;
	[tilespmem:$0x19900] =	vst v63  }
0x388: {  	_ =	swait.ge [sflag:s6], $0x8000  }
0x389: {  	[sflag:s6] =	ssyncset.done $0x0  }
0x38a: {  	s25 =	rddreg [dreg:$0x1d];
	[sflag:s6] =	ssyncadd.s32 $0xFFFF8000  }
0x38b: {  	[hbm4b:s25+s2] =	stream.linear.scatter [tilespmem:s4], [sflag:$0x3], $0x8000, $0x38;
	[tilespmem:$0x19900] =	vst v63  }
0x38c: {  	_ =	swait.ge [sflag:s8], $0x8000  }
0x38d: {  	[sflag:s8] =	ssyncset.done $0x0  }
0x38e: {  	[sflag:s8] =	ssyncadd.s32 $0xFFFF8000  }
0x38f: {  	[tilespmem:s7], [sflag:$0x2] =	stream.indirect.gather [spmem:s3], $0x80, s20, s10, $0xb8;
	[tilespmem:$0x19900] =	vst v63  }
0x390: {  	_ = 	snop  }
0x391: {  	[tilespmem:s12], [sflag:$0x2] =	stream.indirect.gather [spmem:s3], $0x80, s21, s10, $0xb8;
	[tilespmem:$0x19900] =	vst v63  }
0x392: {  	_ =	swait.ge [sflag:s9], $0x8000  }
0x393: {  	[sflag:s9] =	ssyncset.done $0x0  }
0x394: {  	s26 =	rddreg [dreg:$0x1e];
	[sflag:s9] =	ssyncadd.s32 $0xFFFF8000  }
0x395: {  	[hbm4b:s26+s2] =	stream.linear.scatter [tilespmem:s7], [sflag:$0x4], $0x8000, $0x38;
	[tilespmem:$0x19900] =	vst v63  }
0x396: {  	_ =	swait.ge [sflag:s5], $0x8000  }
0x397: {  	[sflag:s5] =	ssyncset.done $0x0  }
0x398: {  	[sflag:s5] =	ssyncadd.s32 $0xFFFF8000  }
0x399: {  	[tilespmem:s4], [sflag:$0x1] =	stream.indirect.gather [spmem:s3], $0x80, s18, s10, $0xb8;
	[tilespmem:$0x19900] =	vst v63  }
0x39a: {  	_ = 	snop  }
0x39b: {  	[tilespmem:s11], [sflag:$0x1] =	stream.indirect.gather [spmem:s3], $0x80, s19, s10, $0xb8;
	[tilespmem:$0x19900] =	vst v63  }
0x39c: {  	_ =	swait.ge [sflag:s6], $0x8000  }
0x39d: {  	[sflag:s6] =	ssyncset.done $0x0  }
0x39e: {  	s28 =	rddreg [dreg:$0x1f];
	[sflag:s6] =	ssyncadd.s32 $0xFFFF8000  }
0x39f: {  	[hbm4b:s28+s2] =	stream.linear.scatter [tilespmem:s4], [sflag:$0x3], $0x8000, $0x38;
	[tilespmem:$0x19900] =	vst v63  }
0x3a0: {  	_ =	swait.ge [sflag:s8], $0x8000  }
0x3a1: {  	[sflag:s8] =	ssyncset.done $0x0  }
0x3a2: {  	[sflag:s8] =	ssyncadd.s32 $0xFFFF8000  }
0x3a3: {  	[tilespmem:s7], [sflag:$0x2] =	stream.indirect.gather [spmem:s3], $0x80, s16, s10, $0xb8;
	[tilespmem:$0x19900] =	vst v63  }
0x3a4: {  	_ = 	snop  }
0x3a5: {  	[tilespmem:s12], [sflag:$0x2] =	stream.indirect.gather [spmem:s3], $0x80, s17, s10, $0xb8;
	[tilespmem:$0x19900] =	vst v63  }
0x3a6: {  	_ =	swait.ge [sflag:s9], $0x8000  }
0x3a7: {  	s29 =	sld [smem:$0x7DC]  }
0x3a8: {  	[sflag:s9] =	ssyncset.done $0x0  }
0x3a9: {  	[sflag:s9] =	ssyncadd.s32 $0xFFFF8000  }
0x3aa: {  	[hbm4b:s29+s2] =	stream.linear.scatter [tilespmem:s7], [sflag:$0x4], $0x8000, $0x38;
	[tilespmem:$0x19900] =	vst v63  }
0x3ab: {  	_ =	swait.ge [sflag:s5], $0x8000  }
0x3ac: {  	[sflag:s5] =	ssyncset.done $0x0  }
0x3ad: {  	[sflag:s5] =	ssyncadd.s32 $0xFFFF8000  }
0x3ae: {  	[tilespmem:s4], [sflag:$0x1] =	stream.indirect.gather [spmem:s3], $0x80, s14, s10, $0xb8;
	[tilespmem:$0x19900] =	vst v63  }
0x3af: {  	s30 =	simm.s32 $0x9880  }
0x3b0: {  	[tilespmem:s11], [sflag:$0x1] =	stream.indirect.gather [spmem:s3], $0x80, s30, s10, $0xb8;
	[tilespmem:$0x19900] =	vst v63  }
0x3b1: {  	_ =	swait.ge [sflag:s6], $0x8000  }
0x3b2: {  	s31 =	sld [smem:$0x7DD]  }
0x3b3: {  	[sflag:s6] =	ssyncset.done $0x0  }
0x3b4: {  	[sflag:s6] =	ssyncadd.s32 $0xFFFF8000  }
0x3b5: {  	[hbm4b:s31+s2] =	stream.linear.scatter [tilespmem:s4], [sflag:$0x3], $0x8000, $0x38;
	[tilespmem:$0x19900] =	vst v63  }
0x3b6: {  	_ =	swait.ge [sflag:s8], $0x8000  }
0x3b7: {  	[sflag:s8] =	ssyncset.done $0x0  }
0x3b8: {  	[sflag:s8] =	ssyncadd.s32 $0xFFFF8000  }
0x3b9: {  	_ =	swait.ge [sflag:s5], $0x8000  }
0x3ba: {  	[sflag:s5] =	ssyncset.done $0x0  }
0x3bb: {  	[sflag:s5] =	ssyncadd.s32 $0xFFFF8000  }
0x3bc: {  	_ =	sfence.sel $0x180000  }
0x3bd: {  	[bflag:$0x0] =	sbarrier.arrive $0xFFFF  }
0x3be: {  	_ =	strace $0x90000047  }
0x3bf: {  	[bflag:$0x2] =	sbarrier.arrive $0xFFFF  }
0x3c0: {  	p0 =	sne.s32 s13, $0x0;
	s0 =	rddreg [dreg:$0x3]  }
0x3c1: {  	s0 =	sadd.s32 @!p0 $0x100000, s0  }
0x3c2: {  	[sflag:s0] =	ssyncadd.tile.s32 @!p0 $0x1;
	_ =	shalt  }
.LBB2_1:
0x3c3: {  	s15 =	simm.s32 $0x9080;
	s30 =	simm.s32 $0x9180  }
.Ltmp3:
0x3c4: {  	s29 =	simm.s32 $0x9100;
	s28 =	simm.s32 $0x9280;
	(pc) =	sbr.rel .LBB2_6-.Ltmp3, $4  }
0x3c5: {  	s26 =	simm.s32 $0x9200;
	s25 =	simm.s32 $0x9380;
	s24 =	simm.s32 $0x9300  }
0x3c6: {  	s23 =	simm.s32 $0x9480;
	s22 =	simm.s32 $0x9400;
	s21 =	simm.s32 $0x9580  }
0x3c7: {  	s20 =	simm.s32 $0x9500;
	s19 =	simm.s32 $0x9680;
	s18 =	simm.s32 $0x9600  }
0x3c8: {  	s17 =	simm.s32 $0x9780;
	s16 =	simm.s32 $0x9700;
	s14 =	simm.s32 $0x9800  }
.LBB2_3:
0x3c9: {  	s15 =	simm.s32 $0x9080;
	s30 =	simm.s32 $0x9180;
	s29 =	simm.s32 $0x9100  }
.Ltmp4:
0x3ca: {  	s28 =	simm.s32 $0x9280;
	s26 =	simm.s32 $0x9200;
	(pc) =	sbr.rel .LBB2_6-.Ltmp4, $4  }
0x3cb: {  	s25 =	simm.s32 $0x9380;
	s24 =	simm.s32 $0x9300;
	s23 =	simm.s32 $0x9480  }
0x3cc: {  	s22 =	simm.s32 $0x9400;
	s21 =	simm.s32 $0x9580;
	s20 =	simm.s32 $0x9500  }
0x3cd: {  	s19 =	simm.s32 $0x9680;
	s18 =	simm.s32 $0x9600;
	s17 =	simm.s32 $0x9780  }
0x3ce: {  	s16 =	simm.s32 $0x9700;
	s14 =	simm.s32 $0x9800;
	s13 =	stileid.u32  }
.Lfunc_end2:
_tile_overlayer_lowered:
.L_overlay_start_2:
0x3cf: {  	(tag) =	ssettag $0x2  }
0x3d0: {  	s0 =	rddreg [dreg:$0x0];
	s2 =	stileid.u32  }
0x3d1: {  	s1 =	rddreg [dreg:$0x1];
	p0 =	sne.s32 s2, $0x0  }
0x3d2: {  	s3 =	rddreg [dreg:$0x2];
	[bflag:$0x3] =	sbarrier.arrive $0xFFFF;
	s2 =	simm.s32 @!p0 $0x1C05  }
0x3d3: {  	[timem:s3], [sflag:s2] =	dma.local @!p0 [hbm:s0], s1  }
0x3d4: {  	s0 =	simm.s32 @!p0 $0x5  }
0x3d5: {  	_ =	swait.ge @!p0 [sflag:s0], s1  }
0x3d6: {  	s1 =	ssub.s32 @!p0 $0x0, s1;
	[sflag:s0] =	ssyncset.done @!p0 $0x0  }
0x3d7: {  	[sflag:s0] =	ssyncadd.s32 @!p0 s1  }
0x3d8: {  	[bflag:$0x3] =	sbarrier.arrive $0xFFFF  }
0x3d9: {  	_ =	shalt  }

</sc_bundles>
